<compile_context>
chip_gen: v7x
topology: tpu7x:2x2x1
jax: 0.10.2.dev20260603
libtpu: 0.0.44.dev20260713+nightly
codegen_flags: <defaults>
</compile_context>

<pallas_src>
import jax
import jax.numpy as jnp
from jax import lax
from jax.experimental import pallas as pl
from jax.experimental.pallas import tpu as pltpu
from jax.experimental.pallas import tpu_sc as plsc

N_NODES_C = 10000
D_C = 128
NC = 2
NS = 16
NW = NC * NS
CHUNK = 128
ROWS_PAD = 10112
ROWS_PER_TILE = ROWS_PAD // NS
ZROWS = 128

_mesh = plsc.VectorSubcoreMesh(core_axis_name="c", subcore_axis_name="s")


_TILE_PIECES = [(o, min(ZROWS, ROWS_PER_TILE - o)) for o in range(0, ROWS_PER_TILE, ZROWS)]


def _zero_tile_slice(acc_sp, zeros_hbm, stage_v, s):
  pltpu.sync_copy(zeros_hbm, stage_v)
  for o, ln in _TILE_PIECES:
    pltpu.sync_copy(stage_v.at[pl.ds(0, ln)],
                    acc_sp.at[pl.ds(s * ROWS_PER_TILE + o, ln)])


def _write_tile_slice(acc_sp, out_hbm, stage_v, c, s):
  for o, ln in _TILE_PIECES:
    sl = pl.ds(s * ROWS_PER_TILE + o, ln)
    pltpu.sync_copy(acc_sp.at[sl], stage_v.at[pl.ds(0, ln)])
    pltpu.sync_copy(stage_v.at[pl.ds(0, ln)], out_hbm.at[c, sl])


def _deg_kernel(dst_hbm, out_hbm, hist_v, idx_v):
  c = lax.axis_index("c")
  s = lax.axis_index("s")
  nch = dst_hbm.shape[2]
  zero16 = jnp.zeros((16,), jnp.float32)

  def zbody(i, carry):
    hist_v[pl.ds(i * 16, 16)] = zero16
    return carry

  lax.fori_loop(0, ROWS_PAD // 16, zbody, 0)
  pltpu.sync_copy(dst_hbm.at[c, s], idx_v)
  ones16 = jnp.ones((16,), jnp.float32)

  def body(j, carry):
    for k in range(CHUNK // 16):
      idx16 = idx_v[j, pl.ds(k * 16, 16)]
      plsc.addupdate_scatter(hist_v, [idx16], ones16)
    return carry

  lax.fori_loop(0, nch, body, 0)
  pltpu.sync_copy(hist_v, out_hbm.at[c, s])


def _agg_kernel(z_hbm, pk_hbm, zeros_hbm, out_hbm, acc_sp, pk_v,
                rows0, rows1, sidx0, sidx1, didx0, didx1, semg0, semg1):
  c = lax.axis_index("c")
  s = lax.axis_index("s")
  nch = pk_hbm.shape[2] // CHUNK
  nh = nch // 2
  _zero_tile_slice(acc_sp, zeros_hbm, rows0, s)
  pltpu.sync_copy(pk_hbm.at[c, s], pk_v)
  plsc.subcore_barrier()

  def unpack(j, sidx, didx):
    for k in range(CHUNK // 16):
      v = pk_v[pl.ds(j * CHUNK + k * 16, 16)]
      sidx[pl.ds(k * 16, 16)] = v & 16383
      didx[pl.ds(k * 16, 16)] = v >> 14

  def gather(j, sidx, rows, semg):
    return pltpu.async_copy(z_hbm.at[sidx], rows, semg)

  def finish(sidx, didx, rows, semg):
    pltpu.make_async_copy(z_hbm.at[sidx], rows, semg).wait()
    pltpu.sync_copy(rows, acc_sp.at[didx], add=True)

  unpack(0, sidx0, didx0)
  gather(0, sidx0, rows0, semg0)

  def body(i, carry):
    j0 = 2 * i
    unpack(j0 + 1, sidx1, didx1)
    gather(j0 + 1, sidx1, rows1, semg1)
    finish(sidx0, didx0, rows0, semg0)

    @pl.when(i + 1 < nh)
    def _():
      unpack(j0 + 2, sidx0, didx0)
      gather(j0 + 2, sidx0, rows0, semg0)

    finish(sidx1, didx1, rows1, semg1)
    return carry

  lax.fori_loop(0, nh, body, 0)
  plsc.subcore_barrier()
  _write_tile_slice(acc_sp, out_hbm, rows0, c, s)


def _make_sc_calls(n_chunks):
  deg_call = pl.kernel(
      _deg_kernel,
      out_type=jax.ShapeDtypeStruct((NC, NS, ROWS_PAD), jnp.float32),
      mesh=_mesh,
      scratch_types=[
          pltpu.VMEM((ROWS_PAD,), jnp.float32),
          pltpu.VMEM((n_chunks, CHUNK), jnp.int32),
      ],
      compiler_params=pltpu.CompilerParams(needs_layout_passes=False),
  )
  agg_call = pl.kernel(
      _agg_kernel,
      out_type=jax.ShapeDtypeStruct((NC, ROWS_PAD, D_C), jnp.float32),
      mesh=_mesh,
      scratch_types=[
          pltpu.VMEM_SHARED((ROWS_PAD, D_C), jnp.float32),
          pltpu.VMEM((n_chunks * CHUNK,), jnp.int32),
          pltpu.VMEM((CHUNK, D_C), jnp.float32),
          pltpu.VMEM((CHUNK, D_C), jnp.float32),
          pltpu.VMEM((CHUNK,), jnp.int32),
          pltpu.VMEM((CHUNK,), jnp.int32),
          pltpu.VMEM((CHUNK,), jnp.int32),
          pltpu.VMEM((CHUNK,), jnp.int32),
          pltpu.SemaphoreType.DMA,
          pltpu.SemaphoreType.DMA,
      ],
      compiler_params=pltpu.CompilerParams(needs_layout_passes=False),
  )
  return deg_call, agg_call



_BM = 1000


def _tc_a_body(x_ref, w_ref, dh_ref, z_ref, dis_ref):
  deg = dh_ref[...] + 1.0
  dis = jax.lax.rsqrt(deg)
  dis_ref[...] = dis
  z_ref[...] = jnp.dot(x_ref[...], w_ref[...],
                       preferred_element_type=jnp.float32) * dis


def _tc_b_body(a0_ref, a1_ref, z1_ref, dis_ref, b_ref, w_ref, z2_ref):
  dis = dis_ref[...]
  h = (a0_ref[0] + a1_ref[0] + z1_ref[...]) * dis + b_ref[...]
  h = jnp.maximum(h, 0.0)
  z2_ref[...] = jnp.dot(h, w_ref[...], preferred_element_type=jnp.float32) * dis


def _tc_c_body(a0_ref, a1_ref, z2_ref, dis_ref, b_ref, out_ref):
  out_ref[...] = (a0_ref[0] + a1_ref[0] + z2_ref[...]) * dis_ref[...] + b_ref[...]


def _row_spec(width):
  return pl.BlockSpec((_BM, width), lambda i: (i, 0))


def _full_spec(rows, cols):
  return pl.BlockSpec((rows, cols), lambda i: (0, 0))


def _tc_stage_a(x, w1, degh):
  n = x.shape[0]
  grid = (n // _BM,)
  return pl.pallas_call(
      _tc_a_body,
      grid=grid,
      in_specs=[_row_spec(D_C), _full_spec(D_C, D_C), _row_spec(1)],
      out_specs=[_row_spec(D_C), _row_spec(1)],
      out_shape=[jax.ShapeDtypeStruct((n, D_C), jnp.float32),
                 jax.ShapeDtypeStruct((n, 1), jnp.float32)],
  )(x, w1, degh)


def _acc_spec(core):
  return pl.BlockSpec((1, _BM, D_C), lambda i, core=core: (core, i, 0))


def _tc_stage_b(acc, z1, dis, b1, w2):
  n = z1.shape[0]
  grid = (n // _BM,)
  return pl.pallas_call(
      _tc_b_body,
      grid=grid,
      in_specs=[_acc_spec(0), _acc_spec(1), _row_spec(D_C), _row_spec(1),
                _full_spec(1, D_C), _full_spec(D_C, D_C)],
      out_specs=_row_spec(D_C),
      out_shape=jax.ShapeDtypeStruct((n, D_C), jnp.float32),
  )(acc, acc, z1, dis, b1, w2)


def _tc_stage_c(acc, z2, dis, b2):
  n = z2.shape[0]
  grid = (n // _BM,)
  return pl.pallas_call(
      _tc_c_body,
      grid=grid,
      in_specs=[_acc_spec(0), _acc_spec(1), _row_spec(D_C), _row_spec(1),
                _full_spec(1, D_C)],
      out_specs=_row_spec(D_C),
      out_shape=jax.ShapeDtypeStruct((n, D_C), jnp.float32),
  )(acc, acc, z2, dis, b2)


def kernel(x, edge_index, W1, b1, W2, b2):
  n = x.shape[0]
  e = edge_index.shape[1]
  n_chunks = -(-e // (NW * CHUNK))
  n_chunks += n_chunks % 2
  e_pad = NW * n_chunks * CHUNK
  src = edge_index[0].astype(jnp.int32)
  dst = edge_index[1].astype(jnp.int32)
  pad = e_pad - e
  pad_ar = jnp.arange(pad, dtype=jnp.int32)
  src_a = jnp.concatenate([src, pad_ar % n])
  dst_a = jnp.concatenate([dst, n + pad_ar % (ROWS_PAD - n)])
  dst_p = dst_a.reshape(NC, NS, n_chunks, CHUNK)
  pk_p = ((dst_a << 14) | src_a).reshape(NC, NS, n_chunks * CHUNK)


  zeros_rows = jnp.zeros((ZROWS, D_C), jnp.float32)

  deg_call, agg_call = _make_sc_calls(n_chunks)

  deg_parts = deg_call(dst_p)
  degh = deg_parts.reshape(NW, ROWS_PAD).sum(axis=0)[:n].reshape(n, 1)

  z1, dis = _tc_stage_a(x, W1, degh)

  acc1 = agg_call(z1, pk_p, zeros_rows)
  z2 = _tc_stage_b(acc1, z1, dis, b1.reshape(1, D_C), W2)

  acc2 = agg_call(z2, pk_p, zeros_rows)
  return _tc_stage_c(acc2, z2, dis, b2.reshape(1, D_C))

# --- scband reference (transcript-rebuilt; emitter-appended) ---
"""Pipeline reference for scband-gcn-2207613190479 (READ-ONLY COPY).

The authoritative reference and input builder live on the scoring server;
editing this copy changes nothing except your own understanding.
"""

import jax, jax.numpy as jnp
import numpy as np

N_NODES = 10000
N_EDGES = 320000
D_IN = 128
D_HID = 128
D_OUT = 128


def setup_inputs(seed: int = 0) -> dict:
    key = jax.random.key(seed)
    k1, k2, k3, k4, k5, k6 = jax.random.split(key, 6)
    x = jax.random.normal(k1, (N_NODES, D_IN), dtype=jnp.float32)
    edge_index = jax.random.randint(k2, (2, N_EDGES), 0, N_NODES, dtype=jnp.int64)
    # GCNConv linear weights (glorot-like) and zero biases, as in PyG defaults
    W1 = jax.random.normal(k3, (D_IN, D_HID), dtype=jnp.float32) * (1.0 / np.sqrt(D_IN))
    b1 = jnp.zeros((D_HID,), dtype=jnp.float32)
    W2 = jax.random.normal(k4, (D_HID, D_OUT), dtype=jnp.float32) * (1.0 / np.sqrt(D_HID))
    b2 = jnp.zeros((D_OUT,), dtype=jnp.float32)
    return {"x": x, "edge_index": edge_index, "W1": W1, "b1": b1, "W2": W2, "b2": b2}


def _gcn_conv(x, src, dst, W, b, num_nodes):
    # x' = D^{-1/2} (A + I) D^{-1/2} (x W) + b, matching PyG GCNConv defaults
    h = x @ W
    ones = jnp.ones_like(src, dtype=h.dtype)
    deg = jax.ops.segment_sum(ones, dst, num_segments=num_nodes)
    deg_inv_sqrt = jnp.where(deg > 0, 1.0 / jnp.sqrt(deg), 0.0)
    norm = deg_inv_sqrt[src] * deg_inv_sqrt[dst]
    msgs = h[src] * norm[:, None]
    out = jax.ops.segment_sum(msgs, dst, num_segments=num_nodes)
    return out + b


def reference(x, edge_index, W1, b1, W2, b2):
    num_nodes = x.shape[0]
    loop = jnp.arange(num_nodes, dtype=edge_index.dtype)
    src = jnp.concatenate([edge_index[0], loop])
    dst = jnp.concatenate([edge_index[1], loop])
    h = _gcn_conv(x, src, dst, W1, b1, num_nodes)
    h = jax.nn.relu(h)
    # dropout is identity in eval mode
    out = _gcn_conv(h, src, dst, W2, b2, num_nodes)
    return out

if __name__ == "__main__":
    import jax
    _d = setup_inputs()
    print(jax.jit(kernel)(*tuple(_d.values())))

</pallas_src>

<mosaic_0001>
#map = affine_map<(d0, d1) -> (0, 0, 0, 0)>
#map1 = affine_map<(d0, d1) -> (0, 0, 0)>
module attributes {stable_mosaic.version = 14 : i64} {
  func.func @_deg_kernel(%arg0: i32, %arg1: i32, %arg2: memref<2x16x80x128xi32, #tpu.memory_space<hbm>>, %arg3: memref<2x16x10112xf32, #tpu.memory_space<hbm>>, %arg4: memref<10112xf32, #tpu.memory_space<vmem>>, %arg5: memref<80x128xi32, #tpu.memory_space<vmem>>) attributes {dimension_semantics = [#tpu.dimension_semantics<core_parallel>, #tpu.dimension_semantics<subcore_parallel>], iteration_bounds = array<i64: 2, 16>, scalar_prefetch = 0 : i64, scratch_operands = 2 : i64, tpu.core_type = #tpu.core_type<sc_vector_subcore>, window_params = [{transform_indices = #map}, {transform_indices = #map1}]} {
    %broadcast_in_dim3A = arith.constant 0.000000e+00 : f32
    %broadcast_in_dim3A_0 = vector.broadcast %broadcast_in_dim3A : f32 to vector<16xf32>
    %scan3A = arith.constant 0 : i32
    %scan3A_1 = arith.constant 0 : i32
    %scan3A_2 = arith.constant 632 : i32
    %scan3A_3 = arith.addi %scan3A_1, %scan3A_2 : i32
    %scan3A_4 = arith.constant 1 : i32
    scf.for %scan3A_14 = %scan3A_1 to %scan3A_3 step %scan3A_4  : i32 {
      %mul3A = arith.constant 16 : i32
      %mul3A_15 = arith.muli %scan3A_14, %mul3A : i32
      %swap3A = arith.index_cast %mul3A_15 : i32 to index
      %swap3A_16 = tpu.vector_load %arg4[%swap3A] {strides = array<i32>} : memref<10112xf32, #tpu.memory_space<vmem>>, vector<16xf32>,
      tpu.vector_store %arg4[%swap3A], %broadcast_in_dim3A_0 {strides = array<i32>} : memref<10112xf32, #tpu.memory_space<vmem>>, vector<16xf32>,
    }
    %scan3A_5 = arith.constant 632 : i32
    "tpu.region"() ({
      %run_scoped3A = tpu.sem_alloc : memref<!tpu.dma_semaphore, #tpu.memory_space<semaphore_mem>>
      %dma_start3A = arith.constant 0 : i32
      %dma_start3A_14 = arith.constant 0 : i32
      %dma_start3A_15 = tpu.memref_slice %arg2[%arg0, %arg1, %dma_start3A, %dma_start3A_14] : memref<2x16x80x128xi32, #tpu.memory_space<hbm>> -> memref<1x1x80x128xi32, #tpu.memory_space<hbm>>
      %dma_start3A_16 = tpu.memref_squeeze %dma_start3A_15 : memref<1x1x80x128xi32, #tpu.memory_space<hbm>> -> memref<80x128xi32, #tpu.memory_space<hbm>>
      %dma_start3A_17 = arith.constant 0 : i32
      %dma_start3A_18 = arith.constant 0 : i32
      %dma_start3A_19 = tpu.memref_slice %arg2[%arg0, %arg1, %dma_start3A_17, %dma_start3A_18] : memref<2x16x80x128xi32, #tpu.memory_space<hbm>> -> memref<1x1x80x128xi32, #tpu.memory_space<hbm>>
      %dma_start3A_20 = tpu.memref_squeeze %dma_start3A_19 : memref<1x1x80x128xi32, #tpu.memory_space<hbm>> -> memref<80x128xi32, #tpu.memory_space<hbm>>
      tpu.enqueue_dma source(%dma_start3A_20 : memref<80x128xi32, #tpu.memory_space<hbm>>) target(%arg5 : memref<80x128xi32, #tpu.memory_space<vmem>>) target_semaphore(%run_scoped3A : memref<!tpu.dma_semaphore, #tpu.memory_space<semaphore_mem>>)
      %dma_wait3A = arith.constant 0 : i32
      %dma_wait3A_21 = arith.constant 0 : i32
      %dma_wait3A_22 = tpu.memref_slice %arg2[%arg0, %arg1, %dma_wait3A, %dma_wait3A_21] : memref<2x16x80x128xi32, #tpu.memory_space<hbm>> -> memref<1x1x80x128xi32, #tpu.memory_space<hbm>>
      %dma_wait3A_23 = tpu.memref_squeeze %dma_wait3A_22 : memref<1x1x80x128xi32, #tpu.memory_space<hbm>> -> memref<80x128xi32, #tpu.memory_space<hbm>>
      %dma_wait3A_24 = arith.constant 0 : i32
      %dma_wait3A_25 = arith.constant 0 : i32
      %dma_wait3A_26 = tpu.memref_slice %arg2[%arg0, %arg1, %dma_wait3A_24, %dma_wait3A_25] : memref<2x16x80x128xi32, #tpu.memory_space<hbm>> -> memref<1x1x80x128xi32, #tpu.memory_space<hbm>>
      %dma_wait3A_27 = tpu.memref_squeeze %dma_wait3A_26 : memref<1x1x80x128xi32, #tpu.memory_space<hbm>> -> memref<80x128xi32, #tpu.memory_space<hbm>>
      tpu.wait_dma2 semaphore(%run_scoped3A : memref<!tpu.dma_semaphore, #tpu.memory_space<semaphore_mem>>) src(%dma_wait3A_27 : memref<80x128xi32, #tpu.memory_space<hbm>>) dst(%arg5 : memref<80x128xi32, #tpu.memory_space<vmem>>)
      tpu.yield
    }) : () -> ()
    %broadcast_in_dim3A_6 = arith.constant 1.000000e+00 : f32
    %broadcast_in_dim3A_7 = vector.broadcast %broadcast_in_dim3A_6 : f32 to vector<16xf32>
    %scan3A_8 = arith.constant 0 : i32
    %scan3A_9 = arith.constant 0 : i32
    %scan3A_10 = arith.constant 80 : i32
    %scan3A_11 = arith.addi %scan3A_9, %scan3A_10 : i32
    %scan3A_12 = arith.constant 1 : i32
    scf.for %scan3A_14 = %scan3A_9 to %scan3A_11 step %scan3A_12  : i32 {
      %get3A = arith.index_cast %scan3A_14 : i32 to index
      %get3A_15 = arith.constant 0 : index
      %get3A_16 = tpu.vector_load %arg5[%get3A, %get3A_15] {strides = array<i32>} : memref<80x128xi32, #tpu.memory_space<vmem>>, vector<16xi32>,
      tpu.vector_store_idx %arg4[%get3A_16], %broadcast_in_dim3A_7 {add = true} : memref<10112xf32, #tpu.memory_space<vmem>>[vector<16xi32>], vector<16xf32>,
      %get3A_17 = arith.index_cast %scan3A_14 : i32 to index
      %get3A_18 = arith.constant 16 : index
      %get3A_19 = tpu.vector_load %arg5[%get3A_17, %get3A_18] {strides = array<i32>} : memref<80x128xi32, #tpu.memory_space<vmem>>, vector<16xi32>,
      tpu.vector_store_idx %arg4[%get3A_19], %broadcast_in_dim3A_7 {add = true} : memref<10112xf32, #tpu.memory_space<vmem>>[vector<16xi32>], vector<16xf32>,
      %get3A_20 = arith.index_cast %scan3A_14 : i32 to index
      %get3A_21 = arith.constant 32 : index
      %get3A_22 = tpu.vector_load %arg5[%get3A_20, %get3A_21] {strides = array<i32>} : memref<80x128xi32, #tpu.memory_space<vmem>>, vector<16xi32>,
      tpu.vector_store_idx %arg4[%get3A_22], %broadcast_in_dim3A_7 {add = true} : memref<10112xf32, #tpu.memory_space<vmem>>[vector<16xi32>], vector<16xf32>,
      %get3A_23 = arith.index_cast %scan3A_14 : i32 to index
      %get3A_24 = arith.constant 48 : index
      %get3A_25 = tpu.vector_load %arg5[%get3A_23, %get3A_24] {strides = array<i32>} : memref<80x128xi32, #tpu.memory_space<vmem>>, vector<16xi32>,
      tpu.vector_store_idx %arg4[%get3A_25], %broadcast_in_dim3A_7 {add = true} : memref<10112xf32, #tpu.memory_space<vmem>>[vector<16xi32>], vector<16xf32>,
      %get3A_26 = arith.index_cast %scan3A_14 : i32 to index
      %get3A_27 = arith.constant 64 : index
      %get3A_28 = tpu.vector_load %arg5[%get3A_26, %get3A_27] {strides = array<i32>} : memref<80x128xi32, #tpu.memory_space<vmem>>, vector<16xi32>,
      tpu.vector_store_idx %arg4[%get3A_28], %broadcast_in_dim3A_7 {add = true} : memref<10112xf32, #tpu.memory_space<vmem>>[vector<16xi32>], vector<16xf32>,
      %get3A_29 = arith.index_cast %scan3A_14 : i32 to index
      %get3A_30 = arith.constant 80 : index
      %get3A_31 = tpu.vector_load %arg5[%get3A_29, %get3A_30] {strides = array<i32>} : memref<80x128xi32, #tpu.memory_space<vmem>>, vector<16xi32>,
      tpu.vector_store_idx %arg4[%get3A_31], %broadcast_in_dim3A_7 {add = true} : memref<10112xf32, #tpu.memory_space<vmem>>[vector<16xi32>], vector<16xf32>,
      %get3A_32 = arith.index_cast %scan3A_14 : i32 to index
      %get3A_33 = arith.constant 96 : index
      %get3A_34 = tpu.vector_load %arg5[%get3A_32, %get3A_33] {strides = array<i32>} : memref<80x128xi32, #tpu.memory_space<vmem>>, vector<16xi32>,
      tpu.vector_store_idx %arg4[%get3A_34], %broadcast_in_dim3A_7 {add = true} : memref<10112xf32, #tpu.memory_space<vmem>>[vector<16xi32>], vector<16xf32>,
      %get3A_35 = arith.index_cast %scan3A_14 : i32 to index
      %get3A_36 = arith.constant 112 : index
      %get3A_37 = tpu.vector_load %arg5[%get3A_35, %get3A_36] {strides = array<i32>} : memref<80x128xi32, #tpu.memory_space<vmem>>, vector<16xi32>,
      tpu.vector_store_idx %arg4[%get3A_37], %broadcast_in_dim3A_7 {add = true} : memref<10112xf32, #tpu.memory_space<vmem>>[vector<16xi32>], vector<16xf32>,
    }
    %scan3A_13 = arith.constant 80 : i32
    "tpu.region"() ({
      %run_scoped3A = tpu.sem_alloc : memref<!tpu.dma_semaphore, #tpu.memory_space<semaphore_mem>>
      %dma_start3A = arith.constant 0 : i32
      %dma_start3A_14 = tpu.memref_slice %arg3[%arg0, %arg1, %dma_start3A] : memref<2x16x10112xf32, #tpu.memory_space<hbm>> -> memref<1x1x10112xf32, #tpu.memory_space<hbm>>
      %dma_start3A_15 = tpu.memref_squeeze %dma_start3A_14 : memref<1x1x10112xf32, #tpu.memory_space<hbm>> -> memref<10112xf32, #tpu.memory_space<hbm>>
      %dma_start3A_16 = arith.constant 0 : i32
      %dma_start3A_17 = tpu.memref_slice %arg3[%arg0, %arg1, %dma_start3A_16] : memref<2x16x10112xf32, #tpu.memory_space<hbm>> -> memref<1x1x10112xf32, #tpu.memory_space<hbm>>
      %dma_start3A_18 = tpu.memref_squeeze %dma_start3A_17 : memref<1x1x10112xf32, #tpu.memory_space<hbm>> -> memref<10112xf32, #tpu.memory_space<hbm>>
      tpu.enqueue_dma source(%arg4 : memref<10112xf32, #tpu.memory_space<vmem>>) target(%dma_start3A_18 : memref<10112xf32, #tpu.memory_space<hbm>>) target_semaphore(%run_scoped3A : memref<!tpu.dma_semaphore, #tpu.memory_space<semaphore_mem>>)
      %dma_wait3A = arith.constant 0 : i32
      %dma_wait3A_19 = tpu.memref_slice %arg3[%arg0, %arg1, %dma_wait3A] : memref<2x16x10112xf32, #tpu.memory_space<hbm>> -> memref<1x1x10112xf32, #tpu.memory_space<hbm>>
      %dma_wait3A_20 = tpu.memref_squeeze %dma_wait3A_19 : memref<1x1x10112xf32, #tpu.memory_space<hbm>> -> memref<10112xf32, #tpu.memory_space<hbm>>
      %dma_wait3A_21 = arith.constant 0 : i32
      %dma_wait3A_22 = tpu.memref_slice %arg3[%arg0, %arg1, %dma_wait3A_21] : memref<2x16x10112xf32, #tpu.memory_space<hbm>> -> memref<1x1x10112xf32, #tpu.memory_space<hbm>>
      %dma_wait3A_23 = tpu.memref_squeeze %dma_wait3A_22 : memref<1x1x10112xf32, #tpu.memory_space<hbm>> -> memref<10112xf32, #tpu.memory_space<hbm>>
      tpu.wait_dma2 semaphore(%run_scoped3A : memref<!tpu.dma_semaphore, #tpu.memory_space<semaphore_mem>>) src(%arg4 : memref<10112xf32, #tpu.memory_space<vmem>>) dst(%dma_wait3A_23 : memref<10112xf32, #tpu.memory_space<hbm>>)
      tpu.yield
    }) : () -> ()
    return
  }
}

#map = affine_map<(d0, d1) -> (0, 0)>
#map1 = affine_map<(d0, d1) -> (0, 0, 0)>
module attributes {stable_mosaic.version = 14 : i64} {
  func.func @_agg_kernel(%arg0: i32, %arg1: i32, %arg2: memref<10000x128xf32, #tpu.memory_space<hbm>>, %arg3: memref<2x16x10240xi32, #tpu.memory_space<hbm>>, %arg4: memref<128x128xf32, #tpu.memory_space<hbm>>, %arg5: memref<2x10112x128xf32, #tpu.memory_space<hbm>>, %arg6: memref<10112x128xf32, #tpu.memory_space<vmem_shared>>, %arg7: memref<10240xi32, #tpu.memory_space<vmem>>, %arg8: memref<128x128xf32, #tpu.memory_space<vmem>>, %arg9: memref<128x128xf32, #tpu.memory_space<vmem>>, %arg10: memref<128xi32, #tpu.memory_space<vmem>>, %arg11: memref<128xi32, #tpu.memory_space<vmem>>, %arg12: memref<128xi32, #tpu.memory_space<vmem>>, %arg13: memref<128xi32, #tpu.memory_space<vmem>>, %arg14: memref<!tpu.dma_semaphore, #tpu.memory_space<semaphore_mem>>, %arg15: memref<!tpu.dma_semaphore, #tpu.memory_space<semaphore_mem>>) attributes {dimension_semantics = [#tpu.dimension_semantics<core_parallel>, #tpu.dimension_semantics<subcore_parallel>], iteration_bounds = array<i64: 2, 16>, scalar_prefetch = 0 : i64, scratch_operands = 10 : i64, tpu.core_type = #tpu.core_type<sc_vector_subcore>, window_params = [{transform_indices = #map}, {transform_indices = #map1}, {transform_indices = #map}, {transform_indices = #map1}]} {
    "tpu.region"() ({
      %run_scoped3A = tpu.sem_alloc : memref<!tpu.dma_semaphore, #tpu.memory_space<semaphore_mem>>
      tpu.enqueue_dma source(%arg4 : memref<128x128xf32, #tpu.memory_space<hbm>>) target(%arg8 : memref<128x128xf32, #tpu.memory_space<vmem>>) target_semaphore(%run_scoped3A : memref<!tpu.dma_semaphore, #tpu.memory_space<semaphore_mem>>)
      tpu.wait_dma2 semaphore(%run_scoped3A : memref<!tpu.dma_semaphore, #tpu.memory_space<semaphore_mem>>) src(%arg4 : memref<128x128xf32, #tpu.memory_space<hbm>>) dst(%arg8 : memref<128x128xf32, #tpu.memory_space<vmem>>)
      tpu.yield
    }) : () -> ()
    %mul3A = arith.constant 632 : i32
    %mul3A_0 = arith.muli %arg1, %mul3A : i32
    %add3A = arith.constant 0 : i32
    %add3A_1 = arith.addi %mul3A_0, %add3A : i32
    "tpu.region"() ({
      %run_scoped3A = tpu.sem_alloc : memref<!tpu.dma_semaphore, #tpu.memory_space<semaphore_mem>>
      %dma_start3A_138 = arith.constant 0 : i32
      %dma_start3A_139 = arith.constant 0 : i32
      %dma_start3A_140 = tpu.memref_slice %arg8[%dma_start3A_138, %dma_start3A_139] : memref<128x128xf32, #tpu.memory_space<vmem>> -> memref<128x128xf32, #tpu.memory_space<vmem>>
      %dma_start3A_141 = arith.constant 0 : i32
      %dma_start3A_142 = tpu.memref_slice %arg6[%add3A_1, %dma_start3A_141] : memref<10112x128xf32, #tpu.memory_space<vmem_shared>> -> memref<128x128xf32, #tpu.memory_space<vmem_shared>>
      %dma_start3A_143 = arith.constant 0 : i32
      %dma_start3A_144 = tpu.memref_slice %arg6[%add3A_1, %dma_start3A_143] : memref<10112x128xf32, #tpu.memory_space<vmem_shared>> -> memref<128x128xf32, #tpu.memory_space<vmem_shared>>
      %dma_start3A_145 = arith.constant 0 : i32
      %dma_start3A_146 = arith.constant 0 : i32
      %dma_start3A_147 = tpu.memref_slice %arg8[%dma_start3A_145, %dma_start3A_146] : memref<128x128xf32, #tpu.memory_space<vmem>> -> memref<128x128xf32, #tpu.memory_space<vmem>>
      tpu.enqueue_dma source(%dma_start3A_147 : memref<128x128xf32, #tpu.memory_space<vmem>>) target(%dma_start3A_144 : memref<128x128xf32, #tpu.memory_space<vmem_shared>>) target_semaphore(%run_scoped3A : memref<!tpu.dma_semaphore, #tpu.memory_space<semaphore_mem>>)
      %dma_wait3A = arith.constant 0 : i32
      %dma_wait3A_148 = arith.constant 0 : i32
      %dma_wait3A_149 = tpu.memref_slice %arg8[%dma_wait3A, %dma_wait3A_148] : memref<128x128xf32, #tpu.memory_space<vmem>> -> memref<128x128xf32, #tpu.memory_space<vmem>>
      %dma_wait3A_150 = arith.constant 0 : i32
      %dma_wait3A_151 = tpu.memref_slice %arg6[%add3A_1, %dma_wait3A_150] : memref<10112x128xf32, #tpu.memory_space<vmem_shared>> -> memref<128x128xf32, #tpu.memory_space<vmem_shared>>
      %dma_wait3A_152 = arith.constant 0 : i32
      %dma_wait3A_153 = tpu.memref_slice %arg6[%add3A_1, %dma_wait3A_152] : memref<10112x128xf32, #tpu.memory_space<vmem_shared>> -> memref<128x128xf32, #tpu.memory_space<vmem_shared>>
      %dma_wait3A_154 = arith.constant 0 : i32
      %dma_wait3A_155 = arith.constant 0 : i32
      %dma_wait3A_156 = tpu.memref_slice %arg8[%dma_wait3A_154, %dma_wait3A_155] : memref<128x128xf32, #tpu.memory_space<vmem>> -> memref<128x128xf32, #tpu.memory_space<vmem>>
      tpu.wait_dma2 semaphore(%run_scoped3A : memref<!tpu.dma_semaphore, #tpu.memory_space<semaphore_mem>>) src(%dma_wait3A_156 : memref<128x128xf32, #tpu.memory_space<vmem>>) dst(%dma_wait3A_153 : memref<128x128xf32, #tpu.memory_space<vmem_shared>>)
      tpu.yield
    }) : () -> ()
    %mul3A_2 = arith.constant 632 : i32
    %mul3A_3 = arith.muli %arg1, %mul3A_2 : i32
    %add3A_4 = arith.constant 128 : i32
    %add3A_5 = arith.addi %mul3A_3, %add3A_4 : i32
    "tpu.region"() ({
      %run_scoped3A = tpu.sem_alloc : memref<!tpu.dma_semaphore, #tpu.memory_space<semaphore_mem>>
      %dma_start3A_138 = arith.constant 0 : i32
      %dma_start3A_139 = arith.constant 0 : i32
      %dma_start3A_140 = tpu.memref_slice %arg8[%dma_start3A_138, %dma_start3A_139] : memref<128x128xf32, #tpu.memory_space<vmem>> -> memref<128x128xf32, #tpu.memory_space<vmem>>
      %dma_start3A_141 = arith.constant 0 : i32
      %dma_start3A_142 = tpu.memref_slice %arg6[%add3A_5, %dma_start3A_141] : memref<10112x128xf32, #tpu.memory_space<vmem_shared>> -> memref<128x128xf32, #tpu.memory_space<vmem_shared>>
      %dma_start3A_143 = arith.constant 0 : i32
      %dma_start3A_144 = tpu.memref_slice %arg6[%add3A_5, %dma_start3A_143] : memref<10112x128xf32, #tpu.memory_space<vmem_shared>> -> memref<128x128xf32, #tpu.memory_space<vmem_shared>>
      %dma_start3A_145 = arith.constant 0 : i32
      %dma_start3A_146 = arith.constant 0 : i32
      %dma_start3A_147 = tpu.memref_slice %arg8[%dma_start3A_145, %dma_start3A_146] : memref<128x128xf32, #tpu.memory_space<vmem>> -> memref<128x128xf32, #tpu.memory_space<vmem>>
      tpu.enqueue_dma source(%dma_start3A_147 : memref<128x128xf32, #tpu.memory_space<vmem>>) target(%dma_start3A_144 : memref<128x128xf32, #tpu.memory_space<vmem_shared>>) target_semaphore(%run_scoped3A : memref<!tpu.dma_semaphore, #tpu.memory_space<semaphore_mem>>)
      %dma_wait3A = arith.constant 0 : i32
      %dma_wait3A_148 = arith.constant 0 : i32
      %dma_wait3A_149 = tpu.memref_slice %arg8[%dma_wait3A, %dma_wait3A_148] : memref<128x128xf32, #tpu.memory_space<vmem>> -> memref<128x128xf32, #tpu.memory_space<vmem>>
      %dma_wait3A_150 = arith.constant 0 : i32
      %dma_wait3A_151 = tpu.memref_slice %arg6[%add3A_5, %dma_wait3A_150] : memref<10112x128xf32, #tpu.memory_space<vmem_shared>> -> memref<128x128xf32, #tpu.memory_space<vmem_shared>>
      %dma_wait3A_152 = arith.constant 0 : i32
      %dma_wait3A_153 = tpu.memref_slice %arg6[%add3A_5, %dma_wait3A_152] : memref<10112x128xf32, #tpu.memory_space<vmem_shared>> -> memref<128x128xf32, #tpu.memory_space<vmem_shared>>
      %dma_wait3A_154 = arith.constant 0 : i32
      %dma_wait3A_155 = arith.constant 0 : i32
      %dma_wait3A_156 = tpu.memref_slice %arg8[%dma_wait3A_154, %dma_wait3A_155] : memref<128x128xf32, #tpu.memory_space<vmem>> -> memref<128x128xf32, #tpu.memory_space<vmem>>
      tpu.wait_dma2 semaphore(%run_scoped3A : memref<!tpu.dma_semaphore, #tpu.memory_space<semaphore_mem>>) src(%dma_wait3A_156 : memref<128x128xf32, #tpu.memory_space<vmem>>) dst(%dma_wait3A_153 : memref<128x128xf32, #tpu.memory_space<vmem_shared>>)
      tpu.yield
    }) : () -> ()
    %mul3A_6 = arith.constant 632 : i32
    %mul3A_7 = arith.muli %arg1, %mul3A_6 : i32
    %add3A_8 = arith.constant 256 : i32
    %add3A_9 = arith.addi %mul3A_7, %add3A_8 : i32
    "tpu.region"() ({
      %run_scoped3A = tpu.sem_alloc : memref<!tpu.dma_semaphore, #tpu.memory_space<semaphore_mem>>
      %dma_start3A_138 = arith.constant 0 : i32
      %dma_start3A_139 = arith.constant 0 : i32
      %dma_start3A_140 = tpu.memref_slice %arg8[%dma_start3A_138, %dma_start3A_139] : memref<128x128xf32, #tpu.memory_space<vmem>> -> memref<128x128xf32, #tpu.memory_space<vmem>>
      %dma_start3A_141 = arith.constant 0 : i32
      %dma_start3A_142 = tpu.memref_slice %arg6[%add3A_9, %dma_start3A_141] : memref<10112x128xf32, #tpu.memory_space<vmem_shared>> -> memref<128x128xf32, #tpu.memory_space<vmem_shared>>
      %dma_start3A_143 = arith.constant 0 : i32
      %dma_start3A_144 = tpu.memref_slice %arg6[%add3A_9, %dma_start3A_143] : memref<10112x128xf32, #tpu.memory_space<vmem_shared>> -> memref<128x128xf32, #tpu.memory_space<vmem_shared>>
      %dma_start3A_145 = arith.constant 0 : i32
      %dma_start3A_146 = arith.constant 0 : i32
      %dma_start3A_147 = tpu.memref_slice %arg8[%dma_start3A_145, %dma_start3A_146] : memref<128x128xf32, #tpu.memory_space<vmem>> -> memref<128x128xf32, #tpu.memory_space<vmem>>
      tpu.enqueue_dma source(%dma_start3A_147 : memref<128x128xf32, #tpu.memory_space<vmem>>) target(%dma_start3A_144 : memref<128x128xf32, #tpu.memory_space<vmem_shared>>) target_semaphore(%run_scoped3A : memref<!tpu.dma_semaphore, #tpu.memory_space<semaphore_mem>>)
      %dma_wait3A = arith.constant 0 : i32
      %dma_wait3A_148 = arith.constant 0 : i32
      %dma_wait3A_149 = tpu.memref_slice %arg8[%dma_wait3A, %dma_wait3A_148] : memref<128x128xf32, #tpu.memory_space<vmem>> -> memref<128x128xf32, #tpu.memory_space<vmem>>
      %dma_wait3A_150 = arith.constant 0 : i32
      %dma_wait3A_151 = tpu.memref_slice %arg6[%add3A_9, %dma_wait3A_150] : memref<10112x128xf32, #tpu.memory_space<vmem_shared>> -> memref<128x128xf32, #tpu.memory_space<vmem_shared>>
      %dma_wait3A_152 = arith.constant 0 : i32
      %dma_wait3A_153 = tpu.memref_slice %arg6[%add3A_9, %dma_wait3A_152] : memref<10112x128xf32, #tpu.memory_space<vmem_shared>> -> memref<128x128xf32, #tpu.memory_space<vmem_shared>>
      %dma_wait3A_154 = arith.constant 0 : i32
      %dma_wait3A_155 = arith.constant 0 : i32
      %dma_wait3A_156 = tpu.memref_slice %arg8[%dma_wait3A_154, %dma_wait3A_155] : memref<128x128xf32, #tpu.memory_space<vmem>> -> memref<128x128xf32, #tpu.memory_space<vmem>>
      tpu.wait_dma2 semaphore(%run_scoped3A : memref<!tpu.dma_semaphore, #tpu.memory_space<semaphore_mem>>) src(%dma_wait3A_156 : memref<128x128xf32, #tpu.memory_space<vmem>>) dst(%dma_wait3A_153 : memref<128x128xf32, #tpu.memory_space<vmem_shared>>)
      tpu.yield
    }) : () -> ()
    %mul3A_10 = arith.constant 632 : i32
    %mul3A_11 = arith.muli %arg1, %mul3A_10 : i32
    %add3A_12 = arith.constant 384 : i32
    %add3A_13 = arith.addi %mul3A_11, %add3A_12 : i32
    "tpu.region"() ({
      %run_scoped3A = tpu.sem_alloc : memref<!tpu.dma_semaphore, #tpu.memory_space<semaphore_mem>>
      %dma_start3A_138 = arith.constant 0 : i32
      %dma_start3A_139 = arith.constant 0 : i32
      %dma_start3A_140 = tpu.memref_slice %arg8[%dma_start3A_138, %dma_start3A_139] : memref<128x128xf32, #tpu.memory_space<vmem>> -> memref<128x128xf32, #tpu.memory_space<vmem>>
      %dma_start3A_141 = arith.constant 0 : i32
      %dma_start3A_142 = tpu.memref_slice %arg6[%add3A_13, %dma_start3A_141] : memref<10112x128xf32, #tpu.memory_space<vmem_shared>> -> memref<128x128xf32, #tpu.memory_space<vmem_shared>>
      %dma_start3A_143 = arith.constant 0 : i32
      %dma_start3A_144 = tpu.memref_slice %arg6[%add3A_13, %dma_start3A_143] : memref<10112x128xf32, #tpu.memory_space<vmem_shared>> -> memref<128x128xf32, #tpu.memory_space<vmem_shared>>
      %dma_start3A_145 = arith.constant 0 : i32
      %dma_start3A_146 = arith.constant 0 : i32
      %dma_start3A_147 = tpu.memref_slice %arg8[%dma_start3A_145, %dma_start3A_146] : memref<128x128xf32, #tpu.memory_space<vmem>> -> memref<128x128xf32, #tpu.memory_space<vmem>>
      tpu.enqueue_dma source(%dma_start3A_147 : memref<128x128xf32, #tpu.memory_space<vmem>>) target(%dma_start3A_144 : memref<128x128xf32, #tpu.memory_space<vmem_shared>>) target_semaphore(%run_scoped3A : memref<!tpu.dma_semaphore, #tpu.memory_space<semaphore_mem>>)
      %dma_wait3A = arith.constant 0 : i32
      %dma_wait3A_148 = arith.constant 0 : i32
      %dma_wait3A_149 = tpu.memref_slice %arg8[%dma_wait3A, %dma_wait3A_148] : memref<128x128xf32, #tpu.memory_space<vmem>> -> memref<128x128xf32, #tpu.memory_space<vmem>>
      %dma_wait3A_150 = arith.constant 0 : i32
      %dma_wait3A_151 = tpu.memref_slice %arg6[%add3A_13, %dma_wait3A_150] : memref<10112x128xf32, #tpu.memory_space<vmem_shared>> -> memref<128x128xf32, #tpu.memory_space<vmem_shared>>
      %dma_wait3A_152 = arith.constant 0 : i32
      %dma_wait3A_153 = tpu.memref_slice %arg6[%add3A_13, %dma_wait3A_152] : memref<10112x128xf32, #tpu.memory_space<vmem_shared>> -> memref<128x128xf32, #tpu.memory_space<vmem_shared>>
      %dma_wait3A_154 = arith.constant 0 : i32
      %dma_wait3A_155 = arith.constant 0 : i32
      %dma_wait3A_156 = tpu.memref_slice %arg8[%dma_wait3A_154, %dma_wait3A_155] : memref<128x128xf32, #tpu.memory_space<vmem>> -> memref<128x128xf32, #tpu.memory_space<vmem>>
      tpu.wait_dma2 semaphore(%run_scoped3A : memref<!tpu.dma_semaphore, #tpu.memory_space<semaphore_mem>>) src(%dma_wait3A_156 : memref<128x128xf32, #tpu.memory_space<vmem>>) dst(%dma_wait3A_153 : memref<128x128xf32, #tpu.memory_space<vmem_shared>>)
      tpu.yield
    }) : () -> ()
    %mul3A_14 = arith.constant 632 : i32
    %mul3A_15 = arith.muli %arg1, %mul3A_14 : i32
    %add3A_16 = arith.constant 512 : i32
    %add3A_17 = arith.addi %mul3A_15, %add3A_16 : i32
    "tpu.region"() ({
      %run_scoped3A = tpu.sem_alloc : memref<!tpu.dma_semaphore, #tpu.memory_space<semaphore_mem>>
      %dma_start3A_138 = arith.constant 0 : i32
      %dma_start3A_139 = arith.constant 0 : i32
      %dma_start3A_140 = tpu.memref_slice %arg8[%dma_start3A_138, %dma_start3A_139] : memref<128x128xf32, #tpu.memory_space<vmem>> -> memref<120x128xf32, #tpu.memory_space<vmem>>
      %dma_start3A_141 = arith.constant 0 : i32
      %dma_start3A_142 = tpu.memref_slice %arg6[%add3A_17, %dma_start3A_141] : memref<10112x128xf32, #tpu.memory_space<vmem_shared>> -> memref<120x128xf32, #tpu.memory_space<vmem_shared>>
      %dma_start3A_143 = arith.constant 0 : i32
      %dma_start3A_144 = tpu.memref_slice %arg6[%add3A_17, %dma_start3A_143] : memref<10112x128xf32, #tpu.memory_space<vmem_shared>> -> memref<120x128xf32, #tpu.memory_space<vmem_shared>>
      %dma_start3A_145 = arith.constant 0 : i32
      %dma_start3A_146 = arith.constant 0 : i32
      %dma_start3A_147 = tpu.memref_slice %arg8[%dma_start3A_145, %dma_start3A_146] : memref<128x128xf32, #tpu.memory_space<vmem>> -> memref<120x128xf32, #tpu.memory_space<vmem>>
      tpu.enqueue_dma source(%dma_start3A_147 : memref<120x128xf32, #tpu.memory_space<vmem>>) target(%dma_start3A_144 : memref<120x128xf32, #tpu.memory_space<vmem_shared>>) target_semaphore(%run_scoped3A : memref<!tpu.dma_semaphore, #tpu.memory_space<semaphore_mem>>)
      %dma_wait3A = arith.constant 0 : i32
      %dma_wait3A_148 = arith.constant 0 : i32
      %dma_wait3A_149 = tpu.memref_slice %arg8[%dma_wait3A, %dma_wait3A_148] : memref<128x128xf32, #tpu.memory_space<vmem>> -> memref<120x128xf32, #tpu.memory_space<vmem>>
      %dma_wait3A_150 = arith.constant 0 : i32
      %dma_wait3A_151 = tpu.memref_slice %arg6[%add3A_17, %dma_wait3A_150] : memref<10112x128xf32, #tpu.memory_space<vmem_shared>> -> memref<120x128xf32, #tpu.memory_space<vmem_shared>>
      %dma_wait3A_152 = arith.constant 0 : i32
      %dma_wait3A_153 = tpu.memref_slice %arg6[%add3A_17, %dma_wait3A_152] : memref<10112x128xf32, #tpu.memory_space<vmem_shared>> -> memref<120x128xf32, #tpu.memory_space<vmem_shared>>
      %dma_wait3A_154 = arith.constant 0 : i32
      %dma_wait3A_155 = arith.constant 0 : i32
      %dma_wait3A_156 = tpu.memref_slice %arg8[%dma_wait3A_154, %dma_wait3A_155] : memref<128x128xf32, #tpu.memory_space<vmem>> -> memref<120x128xf32, #tpu.memory_space<vmem>>
      tpu.wait_dma2 semaphore(%run_scoped3A : memref<!tpu.dma_semaphore, #tpu.memory_space<semaphore_mem>>) src(%dma_wait3A_156 : memref<120x128xf32, #tpu.memory_space<vmem>>) dst(%dma_wait3A_153 : memref<120x128xf32, #tpu.memory_space<vmem_shared>>)
      tpu.yield
    }) : () -> ()
    "tpu.region"() ({
      %run_scoped3A = tpu.sem_alloc : memref<!tpu.dma_semaphore, #tpu.memory_space<semaphore_mem>>
      %dma_start3A_138 = arith.constant 0 : i32
      %dma_start3A_139 = tpu.memref_slice %arg3[%arg0, %arg1, %dma_start3A_138] : memref<2x16x10240xi32, #tpu.memory_space<hbm>> -> memref<1x1x10240xi32, #tpu.memory_space<hbm>>
      %dma_start3A_140 = tpu.memref_squeeze %dma_start3A_139 : memref<1x1x10240xi32, #tpu.memory_space<hbm>> -> memref<10240xi32, #tpu.memory_space<hbm>>
      %dma_start3A_141 = arith.constant 0 : i32
      %dma_start3A_142 = tpu.memref_slice %arg3[%arg0, %arg1, %dma_start3A_141] : memref<2x16x10240xi32, #tpu.memory_space<hbm>> -> memref<1x1x10240xi32, #tpu.memory_space<hbm>>
      %dma_start3A_143 = tpu.memref_squeeze %dma_start3A_142 : memref<1x1x10240xi32, #tpu.memory_space<hbm>> -> memref<10240xi32, #tpu.memory_space<hbm>>
      tpu.enqueue_dma source(%dma_start3A_143 : memref<10240xi32, #tpu.memory_space<hbm>>) target(%arg7 : memref<10240xi32, #tpu.memory_space<vmem>>) target_semaphore(%run_scoped3A : memref<!tpu.dma_semaphore, #tpu.memory_space<semaphore_mem>>)
      %dma_wait3A = arith.constant 0 : i32
      %dma_wait3A_144 = tpu.memref_slice %arg3[%arg0, %arg1, %dma_wait3A] : memref<2x16x10240xi32, #tpu.memory_space<hbm>> -> memref<1x1x10240xi32, #tpu.memory_space<hbm>>
      %dma_wait3A_145 = tpu.memref_squeeze %dma_wait3A_144 : memref<1x1x10240xi32, #tpu.memory_space<hbm>> -> memref<10240xi32, #tpu.memory_space<hbm>>
      %dma_wait3A_146 = arith.constant 0 : i32
      %dma_wait3A_147 = tpu.memref_slice %arg3[%arg0, %arg1, %dma_wait3A_146] : memref<2x16x10240xi32, #tpu.memory_space<hbm>> -> memref<1x1x10240xi32, #tpu.memory_space<hbm>>
      %dma_wait3A_148 = tpu.memref_squeeze %dma_wait3A_147 : memref<1x1x10240xi32, #tpu.memory_space<hbm>> -> memref<10240xi32, #tpu.memory_space<hbm>>
      tpu.wait_dma2 semaphore(%run_scoped3A : memref<!tpu.dma_semaphore, #tpu.memory_space<semaphore_mem>>) src(%dma_wait3A_148 : memref<10240xi32, #tpu.memory_space<hbm>>) dst(%arg7 : memref<10240xi32, #tpu.memory_space<vmem>>)
      tpu.yield
    }) : () -> ()
    %barrier3A = arith.constant 0 : index
    tpu.barrier barrier_id(%barrier3A)
    %get3A = arith.constant 0 : index
    %get3A_18 = tpu.vector_load %arg7[%get3A] {strides = array<i32>} : memref<10240xi32, #tpu.memory_space<vmem>>, vector<16xi32>,
    %and3A = arith.constant 16383 : i32
    %and3A_19 = vector.broadcast %and3A : i32 to vector<16xi32>
    %and3A_20 = arith.andi %get3A_18, %and3A_19 : vector<16xi32>
    %swap3A = arith.constant 0 : index
    %swap3A_21 = tpu.vector_load %arg10[%swap3A] {strides = array<i32>} : memref<128xi32, #tpu.memory_space<vmem>>, vector<16xi32>,
    tpu.vector_store %arg10[%swap3A], %and3A_20 {strides = array<i32>} : memref<128xi32, #tpu.memory_space<vmem>>, vector<16xi32>,
    %shift_right_arithmetic3A = arith.constant 14 : i32
    %shift_right_arithmetic3A_22 = vector.broadcast %shift_right_arithmetic3A : i32 to vector<16xi32>
    %shift_right_arithmetic3A_23 = arith.shrsi %get3A_18, %shift_right_arithmetic3A_22 : vector<16xi32>
    %swap3A_24 = arith.constant 0 : index
    %swap3A_25 = tpu.vector_load %arg12[%swap3A_24] {strides = array<i32>} : memref<128xi32, #tpu.memory_space<vmem>>, vector<16xi32>,
    tpu.vector_store %arg12[%swap3A_24], %shift_right_arithmetic3A_23 {strides = array<i32>} : memref<128xi32, #tpu.memory_space<vmem>>, vector<16xi32>,
    %get3A_26 = arith.constant 16 : index
    %get3A_27 = tpu.vector_load %arg7[%get3A_26] {strides = array<i32>} : memref<10240xi32, #tpu.memory_space<vmem>>, vector<16xi32>,
    %and3A_28 = arith.constant 16383 : i32
    %and3A_29 = vector.broadcast %and3A_28 : i32 to vector<16xi32>
    %and3A_30 = arith.andi %get3A_27, %and3A_29 : vector<16xi32>
    %swap3A_31 = arith.constant 16 : index
    %swap3A_32 = tpu.vector_load %arg10[%swap3A_31] {strides = array<i32>} : memref<128xi32, #tpu.memory_space<vmem>>, vector<16xi32>,
    tpu.vector_store %arg10[%swap3A_31], %and3A_30 {strides = array<i32>} : memref<128xi32, #tpu.memory_space<vmem>>, vector<16xi32>,
    %shift_right_arithmetic3A_33 = arith.constant 14 : i32
    %shift_right_arithmetic3A_34 = vector.broadcast %shift_right_arithmetic3A_33 : i32 to vector<16xi32>
    %shift_right_arithmetic3A_35 = arith.shrsi %get3A_27, %shift_right_arithmetic3A_34 : vector<16xi32>
    %swap3A_36 = arith.constant 16 : index
    %swap3A_37 = tpu.vector_load %arg12[%swap3A_36] {strides = array<i32>} : memref<128xi32, #tpu.memory_space<vmem>>, vector<16xi32>,
    tpu.vector_store %arg12[%swap3A_36], %shift_right_arithmetic3A_35 {strides = array<i32>} : memref<128xi32, #tpu.memory_space<vmem>>, vector<16xi32>,
    %get3A_38 = arith.constant 32 : index
    %get3A_39 = tpu.vector_load %arg7[%get3A_38] {strides = array<i32>} : memref<10240xi32, #tpu.memory_space<vmem>>, vector<16xi32>,
    %and3A_40 = arith.constant 16383 : i32
    %and3A_41 = vector.broadcast %and3A_40 : i32 to vector<16xi32>
    %and3A_42 = arith.andi %get3A_39, %and3A_41 : vector<16xi32>
    %swap3A_43 = arith.constant 32 : index
    %swap3A_44 = tpu.vector_load %arg10[%swap3A_43] {strides = array<i32>} : memref<128xi32, #tpu.memory_space<vmem>>, vector<16xi32>,
    tpu.vector_store %arg10[%swap3A_43], %and3A_42 {strides = array<i32>} : memref<128xi32, #tpu.memory_space<vmem>>, vector<16xi32>,
    %shift_right_arithmetic3A_45 = arith.constant 14 : i32
    %shift_right_arithmetic3A_46 = vector.broadcast %shift_right_arithmetic3A_45 : i32 to vector<16xi32>
    %shift_right_arithmetic3A_47 = arith.shrsi %get3A_39, %shift_right_arithmetic3A_46 : vector<16xi32>
    %swap3A_48 = arith.constant 32 : index
    %swap3A_49 = tpu.vector_load %arg12[%swap3A_48] {strides = array<i32>} : memref<128xi32, #tpu.memory_space<vmem>>, vector<16xi32>,
    tpu.vector_store %arg12[%swap3A_48], %shift_right_arithmetic3A_47 {strides = array<i32>} : memref<128xi32, #tpu.memory_space<vmem>>, vector<16xi32>,
    %get3A_50 = arith.constant 48 : index
    %get3A_51 = tpu.vector_load %arg7[%get3A_50] {strides = array<i32>} : memref<10240xi32, #tpu.memory_space<vmem>>, vector<16xi32>,
    %and3A_52 = arith.constant 16383 : i32
    %and3A_53 = vector.broadcast %and3A_52 : i32 to vector<16xi32>
    %and3A_54 = arith.andi %get3A_51, %and3A_53 : vector<16xi32>
    %swap3A_55 = arith.constant 48 : index
    %swap3A_56 = tpu.vector_load %arg10[%swap3A_55] {strides = array<i32>} : memref<128xi32, #tpu.memory_space<vmem>>, vector<16xi32>,
    tpu.vector_store %arg10[%swap3A_55], %and3A_54 {strides = array<i32>} : memref<128xi32, #tpu.memory_space<vmem>>, vector<16xi32>,
    %shift_right_arithmetic3A_57 = arith.constant 14 : i32
    %shift_right_arithmetic3A_58 = vector.broadcast %shift_right_arithmetic3A_57 : i32 to vector<16xi32>
    %shift_right_arithmetic3A_59 = arith.shrsi %get3A_51, %shift_right_arithmetic3A_58 : vector<16xi32>
    %swap3A_60 = arith.constant 48 : index
    %swap3A_61 = tpu.vector_load %arg12[%swap3A_60] {strides = array<i32>} : memref<128xi32, #tpu.memory_space<vmem>>, vector<16xi32>,
    tpu.vector_store %arg12[%swap3A_60], %shift_right_arithmetic3A_59 {strides = array<i32>} : memref<128xi32, #tpu.memory_space<vmem>>, vector<16xi32>,
    %get3A_62 = arith.constant 64 : index
    %get3A_63 = tpu.vector_load %arg7[%get3A_62] {strides = array<i32>} : memref<10240xi32, #tpu.memory_space<vmem>>, vector<16xi32>,
    %and3A_64 = arith.constant 16383 : i32
    %and3A_65 = vector.broadcast %and3A_64 : i32 to vector<16xi32>
    %and3A_66 = arith.andi %get3A_63, %and3A_65 : vector<16xi32>
    %swap3A_67 = arith.constant 64 : index
    %swap3A_68 = tpu.vector_load %arg10[%swap3A_67] {strides = array<i32>} : memref<128xi32, #tpu.memory_space<vmem>>, vector<16xi32>,
    tpu.vector_store %arg10[%swap3A_67], %and3A_66 {strides = array<i32>} : memref<128xi32, #tpu.memory_space<vmem>>, vector<16xi32>,
    %shift_right_arithmetic3A_69 = arith.constant 14 : i32
    %shift_right_arithmetic3A_70 = vector.broadcast %shift_right_arithmetic3A_69 : i32 to vector<16xi32>
    %shift_right_arithmetic3A_71 = arith.shrsi %get3A_63, %shift_right_arithmetic3A_70 : vector<16xi32>
    %swap3A_72 = arith.constant 64 : index
    %swap3A_73 = tpu.vector_load %arg12[%swap3A_72] {strides = array<i32>} : memref<128xi32, #tpu.memory_space<vmem>>, vector<16xi32>,
    tpu.vector_store %arg12[%swap3A_72], %shift_right_arithmetic3A_71 {strides = array<i32>} : memref<128xi32, #tpu.memory_space<vmem>>, vector<16xi32>,
    %get3A_74 = arith.constant 80 : index
    %get3A_75 = tpu.vector_load %arg7[%get3A_74] {strides = array<i32>} : memref<10240xi32, #tpu.memory_space<vmem>>, vector<16xi32>,
    %and3A_76 = arith.constant 16383 : i32
    %and3A_77 = vector.broadcast %and3A_76 : i32 to vector<16xi32>
    %and3A_78 = arith.andi %get3A_75, %and3A_77 : vector<16xi32>
    %swap3A_79 = arith.constant 80 : index
    %swap3A_80 = tpu.vector_load %arg10[%swap3A_79] {strides = array<i32>} : memref<128xi32, #tpu.memory_space<vmem>>, vector<16xi32>,
    tpu.vector_store %arg10[%swap3A_79], %and3A_78 {strides = array<i32>} : memref<128xi32, #tpu.memory_space<vmem>>, vector<16xi32>,
    %shift_right_arithmetic3A_81 = arith.constant 14 : i32
    %shift_right_arithmetic3A_82 = vector.broadcast %shift_right_arithmetic3A_81 : i32 to vector<16xi32>
    %shift_right_arithmetic3A_83 = arith.shrsi %get3A_75, %shift_right_arithmetic3A_82 : vector<16xi32>
    %swap3A_84 = arith.constant 80 : index
    %swap3A_85 = tpu.vector_load %arg12[%swap3A_84] {strides = array<i32>} : memref<128xi32, #tpu.memory_space<vmem>>, vector<16xi32>,
    tpu.vector_store %arg12[%swap3A_84], %shift_right_arithmetic3A_83 {strides = array<i32>} : memref<128xi32, #tpu.memory_space<vmem>>, vector<16xi32>,
    %get3A_86 = arith.constant 96 : index
    %get3A_87 = tpu.vector_load %arg7[%get3A_86] {strides = array<i32>} : memref<10240xi32, #tpu.memory_space<vmem>>, vector<16xi32>,
    %and3A_88 = arith.constant 16383 : i32
    %and3A_89 = vector.broadcast %and3A_88 : i32 to vector<16xi32>
    %and3A_90 = arith.andi %get3A_87, %and3A_89 : vector<16xi32>
    %swap3A_91 = arith.constant 96 : index
    %swap3A_92 = tpu.vector_load %arg10[%swap3A_91] {strides = array<i32>} : memref<128xi32, #tpu.memory_space<vmem>>, vector<16xi32>,
    tpu.vector_store %arg10[%swap3A_91], %and3A_90 {strides = array<i32>} : memref<128xi32, #tpu.memory_space<vmem>>, vector<16xi32>,
    %shift_right_arithmetic3A_93 = arith.constant 14 : i32
    %shift_right_arithmetic3A_94 = vector.broadcast %shift_right_arithmetic3A_93 : i32 to vector<16xi32>
    %shift_right_arithmetic3A_95 = arith.shrsi %get3A_87, %shift_right_arithmetic3A_94 : vector<16xi32>
    %swap3A_96 = arith.constant 96 : index
    %swap3A_97 = tpu.vector_load %arg12[%swap3A_96] {strides = array<i32>} : memref<128xi32, #tpu.memory_space<vmem>>, vector<16xi32>,
    tpu.vector_store %arg12[%swap3A_96], %shift_right_arithmetic3A_95 {strides = array<i32>} : memref<128xi32, #tpu.memory_space<vmem>>, vector<16xi32>,
    %get3A_98 = arith.constant 112 : index
    %get3A_99 = tpu.vector_load %arg7[%get3A_98] {strides = array<i32>} : memref<10240xi32, #tpu.memory_space<vmem>>, vector<16xi32>,
    %and3A_100 = arith.constant 16383 : i32
    %and3A_101 = vector.broadcast %and3A_100 : i32 to vector<16xi32>
    %and3A_102 = arith.andi %get3A_99, %and3A_101 : vector<16xi32>
    %swap3A_103 = arith.constant 112 : index
    %swap3A_104 = tpu.vector_load %arg10[%swap3A_103] {strides = array<i32>} : memref<128xi32, #tpu.memory_space<vmem>>, vector<16xi32>,
    tpu.vector_store %arg10[%swap3A_103], %and3A_102 {strides = array<i32>} : memref<128xi32, #tpu.memory_space<vmem>>, vector<16xi32>,
    %shift_right_arithmetic3A_105 = arith.constant 14 : i32
    %shift_right_arithmetic3A_106 = vector.broadcast %shift_right_arithmetic3A_105 : i32 to vector<16xi32>
    %shift_right_arithmetic3A_107 = arith.shrsi %get3A_99, %shift_right_arithmetic3A_106 : vector<16xi32>
    %swap3A_108 = arith.constant 112 : index
    %swap3A_109 = tpu.vector_load %arg12[%swap3A_108] {strides = array<i32>} : memref<128xi32, #tpu.memory_space<vmem>>, vector<16xi32>,
    tpu.vector_store %arg12[%swap3A_108], %shift_right_arithmetic3A_107 {strides = array<i32>} : memref<128xi32, #tpu.memory_space<vmem>>, vector<16xi32>,
    %dma_start3A = arith.constant 0 : i32
    %dma_start3A_110 = arith.constant 0 : i32
    %dma_start3A_111 = tpu.memref_slice %arg2[%dma_start3A, %dma_start3A_110] : memref<10000x128xf32, #tpu.memory_space<hbm>> -> memref<10000x128xf32, #tpu.memory_space<hbm>>
    tpu.enqueue_indirect_dma source(%dma_start3A_111 : memref<10000x128xf32, #tpu.memory_space<hbm>>) target(%arg8 : memref<128x128xf32, #tpu.memory_space<vmem>>) offsets(%arg10 : memref<128xi32, #tpu.memory_space<vmem>>) semaphore(%arg14 : memref<!tpu.dma_semaphore, #tpu.memory_space<semaphore_mem>>)
    %scan3A = arith.constant 0 : i32
    %scan3A_112 = arith.constant 0 : i32
    %scan3A_113 = arith.constant 40 : i32
    %scan3A_114 = arith.addi %scan3A_112, %scan3A_113 : i32
    %scan3A_115 = arith.constant 1 : i32
    scf.for %scan3A_138 = %scan3A_112 to %scan3A_114 step %scan3A_115  : i32 {
      %mul3A_139 = arith.constant 2 : i32
      %mul3A_140 = arith.muli %mul3A_139, %scan3A_138 : i32
      %add3A_141 = arith.constant 1 : i32
      %add3A_142 = arith.addi %mul3A_140, %add3A_141 : i32
      %mul3A_143 = arith.constant 128 : i32
      %mul3A_144 = arith.muli %add3A_142, %mul3A_143 : i32
      %add3A_145 = arith.constant 0 : i32
      %add3A_146 = arith.addi %mul3A_144, %add3A_145 : i32
      %get3A_147 = arith.index_cast %add3A_146 : i32 to index
      %get3A_148 = tpu.vector_load %arg7[%get3A_147] {strides = array<i32>} : memref<10240xi32, #tpu.memory_space<vmem>>, vector<16xi32>,
      %and3A_149 = arith.constant 16383 : i32
      %and3A_150 = vector.broadcast %and3A_149 : i32 to vector<16xi32>
      %and3A_151 = arith.andi %get3A_148, %and3A_150 : vector<16xi32>
      %swap3A_152 = arith.constant 0 : index
      %swap3A_153 = tpu.vector_load %arg11[%swap3A_152] {strides = array<i32>} : memref<128xi32, #tpu.memory_space<vmem>>, vector<16xi32>,
      tpu.vector_store %arg11[%swap3A_152], %and3A_151 {strides = array<i32>} : memref<128xi32, #tpu.memory_space<vmem>>, vector<16xi32>,
      %shift_right_arithmetic3A_154 = arith.constant 14 : i32
      %shift_right_arithmetic3A_155 = vector.broadcast %shift_right_arithmetic3A_154 : i32 to vector<16xi32>
      %shift_right_arithmetic3A_156 = arith.shrsi %get3A_148, %shift_right_arithmetic3A_155 : vector<16xi32>
      %swap3A_157 = arith.constant 0 : index
      %swap3A_158 = tpu.vector_load %arg13[%swap3A_157] {strides = array<i32>} : memref<128xi32, #tpu.memory_space<vmem>>, vector<16xi32>,
      tpu.vector_store %arg13[%swap3A_157], %shift_right_arithmetic3A_156 {strides = array<i32>} : memref<128xi32, #tpu.memory_space<vmem>>, vector<16xi32>,
      %mul3A_159 = arith.constant 128 : i32
      %mul3A_160 = arith.muli %add3A_142, %mul3A_159 : i32
      %add3A_161 = arith.constant 16 : i32
      %add3A_162 = arith.addi %mul3A_160, %add3A_161 : i32
      %get3A_163 = arith.index_cast %add3A_162 : i32 to index
      %get3A_164 = tpu.vector_load %arg7[%get3A_163] {strides = array<i32>} : memref<10240xi32, #tpu.memory_space<vmem>>, vector<16xi32>,
      %and3A_165 = arith.constant 16383 : i32
      %and3A_166 = vector.broadcast %and3A_165 : i32 to vector<16xi32>
      %and3A_167 = arith.andi %get3A_164, %and3A_166 : vector<16xi32>
      %swap3A_168 = arith.constant 16 : index
      %swap3A_169 = tpu.vector_load %arg11[%swap3A_168] {strides = array<i32>} : memref<128xi32, #tpu.memory_space<vmem>>, vector<16xi32>,
      tpu.vector_store %arg11[%swap3A_168], %and3A_167 {strides = array<i32>} : memref<128xi32, #tpu.memory_space<vmem>>, vector<16xi32>,
      %shift_right_arithmetic3A_170 = arith.constant 14 : i32
      %shift_right_arithmetic3A_171 = vector.broadcast %shift_right_arithmetic3A_170 : i32 to vector<16xi32>
      %shift_right_arithmetic3A_172 = arith.shrsi %get3A_164, %shift_right_arithmetic3A_171 : vector<16xi32>
      %swap3A_173 = arith.constant 16 : index
      %swap3A_174 = tpu.vector_load %arg13[%swap3A_173] {strides = array<i32>} : memref<128xi32, #tpu.memory_space<vmem>>, vector<16xi32>,
      tpu.vector_store %arg13[%swap3A_173], %shift_right_arithmetic3A_172 {strides = array<i32>} : memref<128xi32, #tpu.memory_space<vmem>>, vector<16xi32>,
      %mul3A_175 = arith.constant 128 : i32
      %mul3A_176 = arith.muli %add3A_142, %mul3A_175 : i32
      %add3A_177 = arith.constant 32 : i32
      %add3A_178 = arith.addi %mul3A_176, %add3A_177 : i32
      %get3A_179 = arith.index_cast %add3A_178 : i32 to index
      %get3A_180 = tpu.vector_load %arg7[%get3A_179] {strides = array<i32>} : memref<10240xi32, #tpu.memory_space<vmem>>, vector<16xi32>,
      %and3A_181 = arith.constant 16383 : i32
      %and3A_182 = vector.broadcast %and3A_181 : i32 to vector<16xi32>
      %and3A_183 = arith.andi %get3A_180, %and3A_182 : vector<16xi32>
      %swap3A_184 = arith.constant 32 : index
      %swap3A_185 = tpu.vector_load %arg11[%swap3A_184] {strides = array<i32>} : memref<128xi32, #tpu.memory_space<vmem>>, vector<16xi32>,
      tpu.vector_store %arg11[%swap3A_184], %and3A_183 {strides = array<i32>} : memref<128xi32, #tpu.memory_space<vmem>>, vector<16xi32>,
      %shift_right_arithmetic3A_186 = arith.constant 14 : i32
      %shift_right_arithmetic3A_187 = vector.broadcast %shift_right_arithmetic3A_186 : i32 to vector<16xi32>
      %shift_right_arithmetic3A_188 = arith.shrsi %get3A_180, %shift_right_arithmetic3A_187 : vector<16xi32>
      %swap3A_189 = arith.constant 32 : index
      %swap3A_190 = tpu.vector_load %arg13[%swap3A_189] {strides = array<i32>} : memref<128xi32, #tpu.memory_space<vmem>>, vector<16xi32>,
      tpu.vector_store %arg13[%swap3A_189], %shift_right_arithmetic3A_188 {strides = array<i32>} : memref<128xi32, #tpu.memory_space<vmem>>, vector<16xi32>,
      %mul3A_191 = arith.constant 128 : i32
      %mul3A_192 = arith.muli %add3A_142, %mul3A_191 : i32
      %add3A_193 = arith.constant 48 : i32
      %add3A_194 = arith.addi %mul3A_192, %add3A_193 : i32
      %get3A_195 = arith.index_cast %add3A_194 : i32 to index
      %get3A_196 = tpu.vector_load %arg7[%get3A_195] {strides = array<i32>} : memref<10240xi32, #tpu.memory_space<vmem>>, vector<16xi32>,
      %and3A_197 = arith.constant 16383 : i32
      %and3A_198 = vector.broadcast %and3A_197 : i32 to vector<16xi32>
      %and3A_199 = arith.andi %get3A_196, %and3A_198 : vector<16xi32>
      %swap3A_200 = arith.constant 48 : index
      %swap3A_201 = tpu.vector_load %arg11[%swap3A_200] {strides = array<i32>} : memref<128xi32, #tpu.memory_space<vmem>>, vector<16xi32>,
      tpu.vector_store %arg11[%swap3A_200], %and3A_199 {strides = array<i32>} : memref<128xi32, #tpu.memory_space<vmem>>, vector<16xi32>,
      %shift_right_arithmetic3A_202 = arith.constant 14 : i32
      %shift_right_arithmetic3A_203 = vector.broadcast %shift_right_arithmetic3A_202 : i32 to vector<16xi32>
      %shift_right_arithmetic3A_204 = arith.shrsi %get3A_196, %shift_right_arithmetic3A_203 : vector<16xi32>
      %swap3A_205 = arith.constant 48 : index
      %swap3A_206 = tpu.vector_load %arg13[%swap3A_205] {strides = array<i32>} : memref<128xi32, #tpu.memory_space<vmem>>, vector<16xi32>,
      tpu.vector_store %arg13[%swap3A_205], %shift_right_arithmetic3A_204 {strides = array<i32>} : memref<128xi32, #tpu.memory_space<vmem>>, vector<16xi32>,
      %mul3A_207 = arith.constant 128 : i32
      %mul3A_208 = arith.muli %add3A_142, %mul3A_207 : i32
      %add3A_209 = arith.constant 64 : i32
      %add3A_210 = arith.addi %mul3A_208, %add3A_209 : i32
      %get3A_211 = arith.index_cast %add3A_210 : i32 to index
      %get3A_212 = tpu.vector_load %arg7[%get3A_211] {strides = array<i32>} : memref<10240xi32, #tpu.memory_space<vmem>>, vector<16xi32>,
      %and3A_213 = arith.constant 16383 : i32
      %and3A_214 = vector.broadcast %and3A_213 : i32 to vector<16xi32>
      %and3A_215 = arith.andi %get3A_212, %and3A_214 : vector<16xi32>
      %swap3A_216 = arith.constant 64 : index
      %swap3A_217 = tpu.vector_load %arg11[%swap3A_216] {strides = array<i32>} : memref<128xi32, #tpu.memory_space<vmem>>, vector<16xi32>,
      tpu.vector_store %arg11[%swap3A_216], %and3A_215 {strides = array<i32>} : memref<128xi32, #tpu.memory_space<vmem>>, vector<16xi32>,
      %shift_right_arithmetic3A_218 = arith.constant 14 : i32
      %shift_right_arithmetic3A_219 = vector.broadcast %shift_right_arithmetic3A_218 : i32 to vector<16xi32>
      %shift_right_arithmetic3A_220 = arith.shrsi %get3A_212, %shift_right_arithmetic3A_219 : vector<16xi32>
      %swap3A_221 = arith.constant 64 : index
      %swap3A_222 = tpu.vector_load %arg13[%swap3A_221] {strides = array<i32>} : memref<128xi32, #tpu.memory_space<vmem>>, vector<16xi32>,
      tpu.vector_store %arg13[%swap3A_221], %shift_right_arithmetic3A_220 {strides = array<i32>} : memref<128xi32, #tpu.memory_space<vmem>>, vector<16xi32>,
      %mul3A_223 = arith.constant 128 : i32
      %mul3A_224 = arith.muli %add3A_142, %mul3A_223 : i32
      %add3A_225 = arith.constant 80 : i32
      %add3A_226 = arith.addi %mul3A_224, %add3A_225 : i32
      %get3A_227 = arith.index_cast %add3A_226 : i32 to index
      %get3A_228 = tpu.vector_load %arg7[%get3A_227] {strides = array<i32>} : memref<10240xi32, #tpu.memory_space<vmem>>, vector<16xi32>,
      %and3A_229 = arith.constant 16383 : i32
      %and3A_230 = vector.broadcast %and3A_229 : i32 to vector<16xi32>
      %and3A_231 = arith.andi %get3A_228, %and3A_230 : vector<16xi32>
      %swap3A_232 = arith.constant 80 : index
      %swap3A_233 = tpu.vector_load %arg11[%swap3A_232] {strides = array<i32>} : memref<128xi32, #tpu.memory_space<vmem>>, vector<16xi32>,
      tpu.vector_store %arg11[%swap3A_232], %and3A_231 {strides = array<i32>} : memref<128xi32, #tpu.memory_space<vmem>>, vector<16xi32>,
      %shift_right_arithmetic3A_234 = arith.constant 14 : i32
      %shift_right_arithmetic3A_235 = vector.broadcast %shift_right_arithmetic3A_234 : i32 to vector<16xi32>
      %shift_right_arithmetic3A_236 = arith.shrsi %get3A_228, %shift_right_arithmetic3A_235 : vector<16xi32>
      %swap3A_237 = arith.constant 80 : index
      %swap3A_238 = tpu.vector_load %arg13[%swap3A_237] {strides = array<i32>} : memref<128xi32, #tpu.memory_space<vmem>>, vector<16xi32>,
      tpu.vector_store %arg13[%swap3A_237], %shift_right_arithmetic3A_236 {strides = array<i32>} : memref<128xi32, #tpu.memory_space<vmem>>, vector<16xi32>,
      %mul3A_239 = arith.constant 128 : i32
      %mul3A_240 = arith.muli %add3A_142, %mul3A_239 : i32
      %add3A_241 = arith.constant 96 : i32
      %add3A_242 = arith.addi %mul3A_240, %add3A_241 : i32
      %get3A_243 = arith.index_cast %add3A_242 : i32 to index
      %get3A_244 = tpu.vector_load %arg7[%get3A_243] {strides = array<i32>} : memref<10240xi32, #tpu.memory_space<vmem>>, vector<16xi32>,
      %and3A_245 = arith.constant 16383 : i32
      %and3A_246 = vector.broadcast %and3A_245 : i32 to vector<16xi32>
      %and3A_247 = arith.andi %get3A_244, %and3A_246 : vector<16xi32>
      %swap3A_248 = arith.constant 96 : index
      %swap3A_249 = tpu.vector_load %arg11[%swap3A_248] {strides = array<i32>} : memref<128xi32, #tpu.memory_space<vmem>>, vector<16xi32>,
      tpu.vector_store %arg11[%swap3A_248], %and3A_247 {strides = array<i32>} : memref<128xi32, #tpu.memory_space<vmem>>, vector<16xi32>,
      %shift_right_arithmetic3A_250 = arith.constant 14 : i32
      %shift_right_arithmetic3A_251 = vector.broadcast %shift_right_arithmetic3A_250 : i32 to vector<16xi32>
      %shift_right_arithmetic3A_252 = arith.shrsi %get3A_244, %shift_right_arithmetic3A_251 : vector<16xi32>
      %swap3A_253 = arith.constant 96 : index
      %swap3A_254 = tpu.vector_load %arg13[%swap3A_253] {strides = array<i32>} : memref<128xi32, #tpu.memory_space<vmem>>, vector<16xi32>,
      tpu.vector_store %arg13[%swap3A_253], %shift_right_arithmetic3A_252 {strides = array<i32>} : memref<128xi32, #tpu.memory_space<vmem>>, vector<16xi32>,
      %mul3A_255 = arith.constant 128 : i32
      %mul3A_256 = arith.muli %add3A_142, %mul3A_255 : i32
      %add3A_257 = arith.constant 112 : i32
      %add3A_258 = arith.addi %mul3A_256, %add3A_257 : i32
      %get3A_259 = arith.index_cast %add3A_258 : i32 to index
      %get3A_260 = tpu.vector_load %arg7[%get3A_259] {strides = array<i32>} : memref<10240xi32, #tpu.memory_space<vmem>>, vector<16xi32>,
      %and3A_261 = arith.constant 16383 : i32
      %and3A_262 = vector.broadcast %and3A_261 : i32 to vector<16xi32>
      %and3A_263 = arith.andi %get3A_260, %and3A_262 : vector<16xi32>
      %swap3A_264 = arith.constant 112 : index
      %swap3A_265 = tpu.vector_load %arg11[%swap3A_264] {strides = array<i32>} : memref<128xi32, #tpu.memory_space<vmem>>, vector<16xi32>,
      tpu.vector_store %arg11[%swap3A_264], %and3A_263 {strides = array<i32>} : memref<128xi32, #tpu.memory_space<vmem>>, vector<16xi32>,
      %shift_right_arithmetic3A_266 = arith.constant 14 : i32
      %shift_right_arithmetic3A_267 = vector.broadcast %shift_right_arithmetic3A_266 : i32 to vector<16xi32>
      %shift_right_arithmetic3A_268 = arith.shrsi %get3A_260, %shift_right_arithmetic3A_267 : vector<16xi32>
      %swap3A_269 = arith.constant 112 : index
      %swap3A_270 = tpu.vector_load %arg13[%swap3A_269] {strides = array<i32>} : memref<128xi32, #tpu.memory_space<vmem>>, vector<16xi32>,
      tpu.vector_store %arg13[%swap3A_269], %shift_right_arithmetic3A_268 {strides = array<i32>} : memref<128xi32, #tpu.memory_space<vmem>>, vector<16xi32>,
      %add3A_271 = arith.constant 1 : i32
      %add3A_272 = arith.addi %mul3A_140, %add3A_271 : i32
      %dma_start3A_273 = arith.constant 0 : i32
      %dma_start3A_274 = arith.constant 0 : i32
      %dma_start3A_275 = tpu.memref_slice %arg2[%dma_start3A_273, %dma_start3A_274] : memref<10000x128xf32, #tpu.memory_space<hbm>> -> memref<10000x128xf32, #tpu.memory_space<hbm>>
      tpu.enqueue_indirect_dma source(%dma_start3A_275 : memref<10000x128xf32, #tpu.memory_space<hbm>>) target(%arg9 : memref<128x128xf32, #tpu.memory_space<vmem>>) offsets(%arg11 : memref<128xi32, #tpu.memory_space<vmem>>) semaphore(%arg15 : memref<!tpu.dma_semaphore, #tpu.memory_space<semaphore_mem>>)
      %dma_wait3A = arith.constant 0 : i32
      %dma_wait3A_276 = arith.constant 0 : i32
      %dma_wait3A_277 = tpu.memref_slice %arg2[%dma_wait3A, %dma_wait3A_276] : memref<10000x128xf32, #tpu.memory_space<hbm>> -> memref<10000x128xf32, #tpu.memory_space<hbm>>
      tpu.wait_indirect_dma semaphore(%arg14 : memref<!tpu.dma_semaphore, #tpu.memory_space<semaphore_mem>>) src(%dma_wait3A_277 : memref<10000x128xf32, #tpu.memory_space<hbm>>) dst(%arg8 : memref<128x128xf32, #tpu.memory_space<vmem>>)
      "tpu.region"() ({
        %run_scoped3A = tpu.sem_alloc : memref<!tpu.dma_semaphore, #tpu.memory_space<semaphore_mem>>
        %dma_start3A_285 = arith.constant 0 : i32
        %dma_start3A_286 = arith.constant 0 : i32
        %dma_start3A_287 = tpu.memref_slice %arg6[%dma_start3A_285, %dma_start3A_286] : memref<10112x128xf32, #tpu.memory_space<vmem_shared>> -> memref<10112x128xf32, #tpu.memory_space<vmem_shared>>
        tpu.enqueue_indirect_dma source(%arg8 : memref<128x128xf32, #tpu.memory_space<vmem>>) target(%dma_start3A_287 : memref<10112x128xf32, #tpu.memory_space<vmem_shared>>) offsets(%arg12 : memref<128xi32, #tpu.memory_space<vmem>>) semaphore(%run_scoped3A : memref<!tpu.dma_semaphore, #tpu.memory_space<semaphore_mem>>) {add = true}
        %dma_wait3A_288 = arith.constant 0 : i32
        %dma_wait3A_289 = arith.constant 0 : i32
        %dma_wait3A_290 = tpu.memref_slice %arg6[%dma_wait3A_288, %dma_wait3A_289] : memref<10112x128xf32, #tpu.memory_space<vmem_shared>> -> memref<10112x128xf32, #tpu.memory_space<vmem_shared>>
        tpu.wait_indirect_dma semaphore(%run_scoped3A : memref<!tpu.dma_semaphore, #tpu.memory_space<semaphore_mem>>) src(%arg8 : memref<128x128xf32, #tpu.memory_space<vmem>>) dst(%dma_wait3A_290 : memref<10112x128xf32, #tpu.memory_space<vmem_shared>>)
        tpu.yield
      }) : () -> ()
      %add3A_278 = arith.constant 1 : i32
      %add3A_279 = arith.addi %scan3A_138, %add3A_278 : i32
      %lt3A = arith.constant 40 : i32
      %lt3A_280 = arith.cmpi slt, %add3A_279, %lt3A : i32
      %convert_element_type3A = arith.extui %lt3A_280 : i1 to i32
      %cond3A = arith.constant 0 : i32
      %cond3A_281 = arith.cmpi ne, %convert_element_type3A, %cond3A : i32
      scf.if %cond3A_281 {
        %add3A_285 = arith.constant 2 : i32
        %add3A_286 = arith.addi %mul3A_140, %add3A_285 : i32
        %mul3A_287 = arith.constant 128 : i32
        %mul3A_288 = arith.muli %add3A_286, %mul3A_287 : i32
        %add3A_289 = arith.constant 0 : i32
        %add3A_290 = arith.addi %mul3A_288, %add3A_289 : i32
        %get3A_291 = arith.index_cast %add3A_290 : i32 to index
        %get3A_292 = tpu.vector_load %arg7[%get3A_291] {strides = array<i32>} : memref<10240xi32, #tpu.memory_space<vmem>>, vector<16xi32>,
        %and3A_293 = arith.constant 16383 : i32
        %and3A_294 = vector.broadcast %and3A_293 : i32 to vector<16xi32>
        %and3A_295 = arith.andi %get3A_292, %and3A_294 : vector<16xi32>
        %swap3A_296 = arith.constant 0 : index
        %swap3A_297 = tpu.vector_load %arg10[%swap3A_296] {strides = array<i32>} : memref<128xi32, #tpu.memory_space<vmem>>, vector<16xi32>,
        tpu.vector_store %arg10[%swap3A_296], %and3A_295 {strides = array<i32>} : memref<128xi32, #tpu.memory_space<vmem>>, vector<16xi32>,
        %shift_right_arithmetic3A_298 = arith.constant 14 : i32
        %shift_right_arithmetic3A_299 = vector.broadcast %shift_right_arithmetic3A_298 : i32 to vector<16xi32>
        %shift_right_arithmetic3A_300 = arith.shrsi %get3A_292, %shift_right_arithmetic3A_299 : vector<16xi32>
        %swap3A_301 = arith.constant 0 : index
        %swap3A_302 = tpu.vector_load %arg12[%swap3A_301] {strides = array<i32>} : memref<128xi32, #tpu.memory_space<vmem>>, vector<16xi32>,
        tpu.vector_store %arg12[%swap3A_301], %shift_right_arithmetic3A_300 {strides = array<i32>} : memref<128xi32, #tpu.memory_space<vmem>>, vector<16xi32>,
        %mul3A_303 = arith.constant 128 : i32
        %mul3A_304 = arith.muli %add3A_286, %mul3A_303 : i32
        %add3A_305 = arith.constant 16 : i32
        %add3A_306 = arith.addi %mul3A_304, %add3A_305 : i32
        %get3A_307 = arith.index_cast %add3A_306 : i32 to index
        %get3A_308 = tpu.vector_load %arg7[%get3A_307] {strides = array<i32>} : memref<10240xi32, #tpu.memory_space<vmem>>, vector<16xi32>,
        %and3A_309 = arith.constant 16383 : i32
        %and3A_310 = vector.broadcast %and3A_309 : i32 to vector<16xi32>
        %and3A_311 = arith.andi %get3A_308, %and3A_310 : vector<16xi32>
        %swap3A_312 = arith.constant 16 : index
        %swap3A_313 = tpu.vector_load %arg10[%swap3A_312] {strides = array<i32>} : memref<128xi32, #tpu.memory_space<vmem>>, vector<16xi32>,
        tpu.vector_store %arg10[%swap3A_312], %and3A_311 {strides = array<i32>} : memref<128xi32, #tpu.memory_space<vmem>>, vector<16xi32>,
        %shift_right_arithmetic3A_314 = arith.constant 14 : i32
        %shift_right_arithmetic3A_315 = vector.broadcast %shift_right_arithmetic3A_314 : i32 to vector<16xi32>
        %shift_right_arithmetic3A_316 = arith.shrsi %get3A_308, %shift_right_arithmetic3A_315 : vector<16xi32>
        %swap3A_317 = arith.constant 16 : index
        %swap3A_318 = tpu.vector_load %arg12[%swap3A_317] {strides = array<i32>} : memref<128xi32, #tpu.memory_space<vmem>>, vector<16xi32>,
        tpu.vector_store %arg12[%swap3A_317], %shift_right_arithmetic3A_316 {strides = array<i32>} : memref<128xi32, #tpu.memory_space<vmem>>, vector<16xi32>,
        %mul3A_319 = arith.constant 128 : i32
        %mul3A_320 = arith.muli %add3A_286, %mul3A_319 : i32
        %add3A_321 = arith.constant 32 : i32
        %add3A_322 = arith.addi %mul3A_320, %add3A_321 : i32
        %get3A_323 = arith.index_cast %add3A_322 : i32 to index
        %get3A_324 = tpu.vector_load %arg7[%get3A_323] {strides = array<i32>} : memref<10240xi32, #tpu.memory_space<vmem>>, vector<16xi32>,
        %and3A_325 = arith.constant 16383 : i32
        %and3A_326 = vector.broadcast %and3A_325 : i32 to vector<16xi32>
        %and3A_327 = arith.andi %get3A_324, %and3A_326 : vector<16xi32>
        %swap3A_328 = arith.constant 32 : index
        %swap3A_329 = tpu.vector_load %arg10[%swap3A_328] {strides = array<i32>} : memref<128xi32, #tpu.memory_space<vmem>>, vector<16xi32>,
        tpu.vector_store %arg10[%swap3A_328], %and3A_327 {strides = array<i32>} : memref<128xi32, #tpu.memory_space<vmem>>, vector<16xi32>,
        %shift_right_arithmetic3A_330 = arith.constant 14 : i32
        %shift_right_arithmetic3A_331 = vector.broadcast %shift_right_arithmetic3A_330 : i32 to vector<16xi32>
        %shift_right_arithmetic3A_332 = arith.shrsi %get3A_324, %shift_right_arithmetic3A_331 : vector<16xi32>
        %swap3A_333 = arith.constant 32 : index
        %swap3A_334 = tpu.vector_load %arg12[%swap3A_333] {strides = array<i32>} : memref<128xi32, #tpu.memory_space<vmem>>, vector<16xi32>,
        tpu.vector_store %arg12[%swap3A_333], %shift_right_arithmetic3A_332 {strides = array<i32>} : memref<128xi32, #tpu.memory_space<vmem>>, vector<16xi32>,
        %mul3A_335 = arith.constant 128 : i32
        %mul3A_336 = arith.muli %add3A_286, %mul3A_335 : i32
        %add3A_337 = arith.constant 48 : i32
        %add3A_338 = arith.addi %mul3A_336, %add3A_337 : i32
        %get3A_339 = arith.index_cast %add3A_338 : i32 to index
        %get3A_340 = tpu.vector_load %arg7[%get3A_339] {strides = array<i32>} : memref<10240xi32, #tpu.memory_space<vmem>>, vector<16xi32>,
        %and3A_341 = arith.constant 16383 : i32
        %and3A_342 = vector.broadcast %and3A_341 : i32 to vector<16xi32>
        %and3A_343 = arith.andi %get3A_340, %and3A_342 : vector<16xi32>
        %swap3A_344 = arith.constant 48 : index
        %swap3A_345 = tpu.vector_load %arg10[%swap3A_344] {strides = array<i32>} : memref<128xi32, #tpu.memory_space<vmem>>, vector<16xi32>,
        tpu.vector_store %arg10[%swap3A_344], %and3A_343 {strides = array<i32>} : memref<128xi32, #tpu.memory_space<vmem>>, vector<16xi32>,
        %shift_right_arithmetic3A_346 = arith.constant 14 : i32
        %shift_right_arithmetic3A_347 = vector.broadcast %shift_right_arithmetic3A_346 : i32 to vector<16xi32>
        %shift_right_arithmetic3A_348 = arith.shrsi %get3A_340, %shift_right_arithmetic3A_347 : vector<16xi32>
        %swap3A_349 = arith.constant 48 : index
        %swap3A_350 = tpu.vector_load %arg12[%swap3A_349] {strides = array<i32>} : memref<128xi32, #tpu.memory_space<vmem>>, vector<16xi32>,
        tpu.vector_store %arg12[%swap3A_349], %shift_right_arithmetic3A_348 {strides = array<i32>} : memref<128xi32, #tpu.memory_space<vmem>>, vector<16xi32>,
        %mul3A_351 = arith.constant 128 : i32
        %mul3A_352 = arith.muli %add3A_286, %mul3A_351 : i32
        %add3A_353 = arith.constant 64 : i32
        %add3A_354 = arith.addi %mul3A_352, %add3A_353 : i32
        %get3A_355 = arith.index_cast %add3A_354 : i32 to index
        %get3A_356 = tpu.vector_load %arg7[%get3A_355] {strides = array<i32>} : memref<10240xi32, #tpu.memory_space<vmem>>, vector<16xi32>,
        %and3A_357 = arith.constant 16383 : i32
        %and3A_358 = vector.broadcast %and3A_357 : i32 to vector<16xi32>
        %and3A_359 = arith.andi %get3A_356, %and3A_358 : vector<16xi32>
        %swap3A_360 = arith.constant 64 : index
        %swap3A_361 = tpu.vector_load %arg10[%swap3A_360] {strides = array<i32>} : memref<128xi32, #tpu.memory_space<vmem>>, vector<16xi32>,
        tpu.vector_store %arg10[%swap3A_360], %and3A_359 {strides = array<i32>} : memref<128xi32, #tpu.memory_space<vmem>>, vector<16xi32>,
        %shift_right_arithmetic3A_362 = arith.constant 14 : i32
        %shift_right_arithmetic3A_363 = vector.broadcast %shift_right_arithmetic3A_362 : i32 to vector<16xi32>
        %shift_right_arithmetic3A_364 = arith.shrsi %get3A_356, %shift_right_arithmetic3A_363 : vector<16xi32>
        %swap3A_365 = arith.constant 64 : index
        %swap3A_366 = tpu.vector_load %arg12[%swap3A_365] {strides = array<i32>} : memref<128xi32, #tpu.memory_space<vmem>>, vector<16xi32>,
        tpu.vector_store %arg12[%swap3A_365], %shift_right_arithmetic3A_364 {strides = array<i32>} : memref<128xi32, #tpu.memory_space<vmem>>, vector<16xi32>,
        %mul3A_367 = arith.constant 128 : i32
        %mul3A_368 = arith.muli %add3A_286, %mul3A_367 : i32
        %add3A_369 = arith.constant 80 : i32
        %add3A_370 = arith.addi %mul3A_368, %add3A_369 : i32
        %get3A_371 = arith.index_cast %add3A_370 : i32 to index
        %get3A_372 = tpu.vector_load %arg7[%get3A_371] {strides = array<i32>} : memref<10240xi32, #tpu.memory_space<vmem>>, vector<16xi32>,
        %and3A_373 = arith.constant 16383 : i32
        %and3A_374 = vector.broadcast %and3A_373 : i32 to vector<16xi32>
        %and3A_375 = arith.andi %get3A_372, %and3A_374 : vector<16xi32>
        %swap3A_376 = arith.constant 80 : index
        %swap3A_377 = tpu.vector_load %arg10[%swap3A_376] {strides = array<i32>} : memref<128xi32, #tpu.memory_space<vmem>>, vector<16xi32>,
        tpu.vector_store %arg10[%swap3A_376], %and3A_375 {strides = array<i32>} : memref<128xi32, #tpu.memory_space<vmem>>, vector<16xi32>,
        %shift_right_arithmetic3A_378 = arith.constant 14 : i32
        %shift_right_arithmetic3A_379 = vector.broadcast %shift_right_arithmetic3A_378 : i32 to vector<16xi32>
        %shift_right_arithmetic3A_380 = arith.shrsi %get3A_372, %shift_right_arithmetic3A_379 : vector<16xi32>
        %swap3A_381 = arith.constant 80 : index
        %swap3A_382 = tpu.vector_load %arg12[%swap3A_381] {strides = array<i32>} : memref<128xi32, #tpu.memory_space<vmem>>, vector<16xi32>,
        tpu.vector_store %arg12[%swap3A_381], %shift_right_arithmetic3A_380 {strides = array<i32>} : memref<128xi32, #tpu.memory_space<vmem>>, vector<16xi32>,
        %mul3A_383 = arith.constant 128 : i32
        %mul3A_384 = arith.muli %add3A_286, %mul3A_383 : i32
        %add3A_385 = arith.constant 96 : i32
        %add3A_386 = arith.addi %mul3A_384, %add3A_385 : i32
        %get3A_387 = arith.index_cast %add3A_386 : i32 to index
        %get3A_388 = tpu.vector_load %arg7[%get3A_387] {strides = array<i32>} : memref<10240xi32, #tpu.memory_space<vmem>>, vector<16xi32>,
        %and3A_389 = arith.constant 16383 : i32
        %and3A_390 = vector.broadcast %and3A_389 : i32 to vector<16xi32>
        %and3A_391 = arith.andi %get3A_388, %and3A_390 : vector<16xi32>
        %swap3A_392 = arith.constant 96 : index
        %swap3A_393 = tpu.vector_load %arg10[%swap3A_392] {strides = array<i32>} : memref<128xi32, #tpu.memory_space<vmem>>, vector<16xi32>,
        tpu.vector_store %arg10[%swap3A_392], %and3A_391 {strides = array<i32>} : memref<128xi32, #tpu.memory_space<vmem>>, vector<16xi32>,
        %shift_right_arithmetic3A_394 = arith.constant 14 : i32
        %shift_right_arithmetic3A_395 = vector.broadcast %shift_right_arithmetic3A_394 : i32 to vector<16xi32>
        %shift_right_arithmetic3A_396 = arith.shrsi %get3A_388, %shift_right_arithmetic3A_395 : vector<16xi32>
        %swap3A_397 = arith.constant 96 : index
        %swap3A_398 = tpu.vector_load %arg12[%swap3A_397] {strides = array<i32>} : memref<128xi32, #tpu.memory_space<vmem>>, vector<16xi32>,
        tpu.vector_store %arg12[%swap3A_397], %shift_right_arithmetic3A_396 {strides = array<i32>} : memref<128xi32, #tpu.memory_space<vmem>>, vector<16xi32>,
        %mul3A_399 = arith.constant 128 : i32
        %mul3A_400 = arith.muli %add3A_286, %mul3A_399 : i32
        %add3A_401 = arith.constant 112 : i32
        %add3A_402 = arith.addi %mul3A_400, %add3A_401 : i32
        %get3A_403 = arith.index_cast %add3A_402 : i32 to index
        %get3A_404 = tpu.vector_load %arg7[%get3A_403] {strides = array<i32>} : memref<10240xi32, #tpu.memory_space<vmem>>, vector<16xi32>,
        %and3A_405 = arith.constant 16383 : i32
        %and3A_406 = vector.broadcast %and3A_405 : i32 to vector<16xi32>
        %and3A_407 = arith.andi %get3A_404, %and3A_406 : vector<16xi32>
        %swap3A_408 = arith.constant 112 : index
        %swap3A_409 = tpu.vector_load %arg10[%swap3A_408] {strides = array<i32>} : memref<128xi32, #tpu.memory_space<vmem>>, vector<16xi32>,
        tpu.vector_store %arg10[%swap3A_408], %and3A_407 {strides = array<i32>} : memref<128xi32, #tpu.memory_space<vmem>>, vector<16xi32>,
        %shift_right_arithmetic3A_410 = arith.constant 14 : i32
        %shift_right_arithmetic3A_411 = vector.broadcast %shift_right_arithmetic3A_410 : i32 to vector<16xi32>
        %shift_right_arithmetic3A_412 = arith.shrsi %get3A_404, %shift_right_arithmetic3A_411 : vector<16xi32>
        %swap3A_413 = arith.constant 112 : index
        %swap3A_414 = tpu.vector_load %arg12[%swap3A_413] {strides = array<i32>} : memref<128xi32, #tpu.memory_space<vmem>>, vector<16xi32>,
        tpu.vector_store %arg12[%swap3A_413], %shift_right_arithmetic3A_412 {strides = array<i32>} : memref<128xi32, #tpu.memory_space<vmem>>, vector<16xi32>,
        %add3A_415 = arith.constant 2 : i32
        %add3A_416 = arith.addi %mul3A_140, %add3A_415 : i32
        %dma_start3A_417 = arith.constant 0 : i32
        %dma_start3A_418 = arith.constant 0 : i32
        %dma_start3A_419 = tpu.memref_slice %arg2[%dma_start3A_417, %dma_start3A_418] : memref<10000x128xf32, #tpu.memory_space<hbm>> -> memref<10000x128xf32, #tpu.memory_space<hbm>>
        tpu.enqueue_indirect_dma source(%dma_start3A_419 : memref<10000x128xf32, #tpu.memory_space<hbm>>) target(%arg8 : memref<128x128xf32, #tpu.memory_space<vmem>>) offsets(%arg10 : memref<128xi32, #tpu.memory_space<vmem>>) semaphore(%arg14 : memref<!tpu.dma_semaphore, #tpu.memory_space<semaphore_mem>>)
      } else {
      }
      %dma_wait3A_282 = arith.constant 0 : i32
      %dma_wait3A_283 = arith.constant 0 : i32
      %dma_wait3A_284 = tpu.memref_slice %arg2[%dma_wait3A_282, %dma_wait3A_283] : memref<10000x128xf32, #tpu.memory_space<hbm>> -> memref<10000x128xf32, #tpu.memory_space<hbm>>
      tpu.wait_indirect_dma semaphore(%arg15 : memref<!tpu.dma_semaphore, #tpu.memory_space<semaphore_mem>>) src(%dma_wait3A_284 : memref<10000x128xf32, #tpu.memory_space<hbm>>) dst(%arg9 : memref<128x128xf32, #tpu.memory_space<vmem>>)
      "tpu.region"() ({
        %run_scoped3A = tpu.sem_alloc : memref<!tpu.dma_semaphore, #tpu.memory_space<semaphore_mem>>
        %dma_start3A_285 = arith.constant 0 : i32
        %dma_start3A_286 = arith.constant 0 : i32
        %dma_start3A_287 = tpu.memref_slice %arg6[%dma_start3A_285, %dma_start3A_286] : memref<10112x128xf32, #tpu.memory_space<vmem_shared>> -> memref<10112x128xf32, #tpu.memory_space<vmem_shared>>
        tpu.enqueue_indirect_dma source(%arg9 : memref<128x128xf32, #tpu.memory_space<vmem>>) target(%dma_start3A_287 : memref<10112x128xf32, #tpu.memory_space<vmem_shared>>) offsets(%arg13 : memref<128xi32, #tpu.memory_space<vmem>>) semaphore(%run_scoped3A : memref<!tpu.dma_semaphore, #tpu.memory_space<semaphore_mem>>) {add = true}
        %dma_wait3A_288 = arith.constant 0 : i32
        %dma_wait3A_289 = arith.constant 0 : i32
        %dma_wait3A_290 = tpu.memref_slice %arg6[%dma_wait3A_288, %dma_wait3A_289] : memref<10112x128xf32, #tpu.memory_space<vmem_shared>> -> memref<10112x128xf32, #tpu.memory_space<vmem_shared>>
        tpu.wait_indirect_dma semaphore(%run_scoped3A : memref<!tpu.dma_semaphore, #tpu.memory_space<semaphore_mem>>) src(%arg9 : memref<128x128xf32, #tpu.memory_space<vmem>>) dst(%dma_wait3A_290 : memref<10112x128xf32, #tpu.memory_space<vmem_shared>>)
        tpu.yield
      }) : () -> ()
    }
    %scan3A_116 = arith.constant 40 : i32
    %barrier3A_117 = arith.constant 0 : index
    tpu.barrier barrier_id(%barrier3A_117)
    %mul3A_118 = arith.constant 632 : i32
    %mul3A_119 = arith.muli %arg1, %mul3A_118 : i32
    %add3A_120 = arith.constant 0 : i32
    %add3A_121 = arith.addi %mul3A_119, %add3A_120 : i32
    "tpu.region"() ({
      %run_scoped3A = tpu.sem_alloc : memref<!tpu.dma_semaphore, #tpu.memory_space<semaphore_mem>>
      %dma_start3A_138 = arith.constant 0 : i32
      %dma_start3A_139 = arith.constant 0 : i32
      %dma_start3A_140 = tpu.memref_slice %arg8[%dma_start3A_138, %dma_start3A_139] : memref<128x128xf32, #tpu.memory_space<vmem>> -> memref<128x128xf32, #tpu.memory_space<vmem>>
      %dma_start3A_141 = arith.constant 0 : i32
      %dma_start3A_142 = tpu.memref_slice %arg6[%add3A_121, %dma_start3A_141] : memref<10112x128xf32, #tpu.memory_space<vmem_shared>> -> memref<128x128xf32, #tpu.memory_space<vmem_shared>>
      %dma_start3A_143 = arith.constant 0 : i32
      %dma_start3A_144 = arith.constant 0 : i32
      %dma_start3A_145 = tpu.memref_slice %arg8[%dma_start3A_143, %dma_start3A_144] : memref<128x128xf32, #tpu.memory_space<vmem>> -> memref<128x128xf32, #tpu.memory_space<vmem>>
      %dma_start3A_146 = arith.constant 0 : i32
      %dma_start3A_147 = tpu.memref_slice %arg6[%add3A_121, %dma_start3A_146] : memref<10112x128xf32, #tpu.memory_space<vmem_shared>> -> memref<128x128xf32, #tpu.memory_space<vmem_shared>>
      tpu.enqueue_dma source(%dma_start3A_147 : memref<128x128xf32, #tpu.memory_space<vmem_shared>>) target(%dma_start3A_145 : memref<128x128xf32, #tpu.memory_space<vmem>>) target_semaphore(%run_scoped3A : memref<!tpu.dma_semaphore, #tpu.memory_space<semaphore_mem>>)
      %dma_wait3A = arith.constant 0 : i32
      %dma_wait3A_148 = arith.constant 0 : i32
      %dma_wait3A_149 = tpu.memref_slice %arg8[%dma_wait3A, %dma_wait3A_148] : memref<128x128xf32, #tpu.memory_space<vmem>> -> memref<128x128xf32, #tpu.memory_space<vmem>>
      %dma_wait3A_150 = arith.constant 0 : i32
      %dma_wait3A_151 = tpu.memref_slice %arg6[%add3A_121, %dma_wait3A_150] : memref<10112x128xf32, #tpu.memory_space<vmem_shared>> -> memref<128x128xf32, #tpu.memory_space<vmem_shared>>
      %dma_wait3A_152 = arith.constant 0 : i32
      %dma_wait3A_153 = arith.constant 0 : i32
      %dma_wait3A_154 = tpu.memref_slice %arg8[%dma_wait3A_152, %dma_wait3A_153] : memref<128x128xf32, #tpu.memory_space<vmem>> -> memref<128x128xf32, #tpu.memory_space<vmem>>
      %dma_wait3A_155 = arith.constant 0 : i32
      %dma_wait3A_156 = tpu.memref_slice %arg6[%add3A_121, %dma_wait3A_155] : memref<10112x128xf32, #tpu.memory_space<vmem_shared>> -> memref<128x128xf32, #tpu.memory_space<vmem_shared>>
      tpu.wait_dma2 semaphore(%run_scoped3A : memref<!tpu.dma_semaphore, #tpu.memory_space<semaphore_mem>>) src(%dma_wait3A_156 : memref<128x128xf32, #tpu.memory_space<vmem_shared>>) dst(%dma_wait3A_154 : memref<128x128xf32, #tpu.memory_space<vmem>>)
      tpu.yield
    }) : () -> ()
    "tpu.region"() ({
      %run_scoped3A = tpu.sem_alloc : memref<!tpu.dma_semaphore, #tpu.memory_space<semaphore_mem>>
      %dma_start3A_138 = arith.constant 0 : i32
      %dma_start3A_139 = arith.constant 0 : i32
      %dma_start3A_140 = tpu.memref_slice %arg8[%dma_start3A_138, %dma_start3A_139] : memref<128x128xf32, #tpu.memory_space<vmem>> -> memref<128x128xf32, #tpu.memory_space<vmem>>
      %dma_start3A_141 = arith.constant 0 : i32
      %dma_start3A_142 = tpu.memref_slice %arg5[%arg0, %add3A_121, %dma_start3A_141] : memref<2x10112x128xf32, #tpu.memory_space<hbm>> -> memref<1x128x128xf32, #tpu.memory_space<hbm>>
      %dma_start3A_143 = tpu.memref_squeeze %dma_start3A_142 : memref<1x128x128xf32, #tpu.memory_space<hbm>> -> memref<128x128xf32, #tpu.memory_space<hbm>>
      %dma_start3A_144 = arith.constant 0 : i32
      %dma_start3A_145 = tpu.memref_slice %arg5[%arg0, %add3A_121, %dma_start3A_144] : memref<2x10112x128xf32, #tpu.memory_space<hbm>> -> memref<1x128x128xf32, #tpu.memory_space<hbm>>
      %dma_start3A_146 = tpu.memref_squeeze %dma_start3A_145 : memref<1x128x128xf32, #tpu.memory_space<hbm>> -> memref<128x128xf32, #tpu.memory_space<hbm>>
      %dma_start3A_147 = arith.constant 0 : i32
      %dma_start3A_148 = arith.constant 0 : i32
      %dma_start3A_149 = tpu.memref_slice %arg8[%dma_start3A_147, %dma_start3A_148] : memref<128x128xf32, #tpu.memory_space<vmem>> -> memref<128x128xf32, #tpu.memory_space<vmem>>
      tpu.enqueue_dma source(%dma_start3A_149 : memref<128x128xf32, #tpu.memory_space<vmem>>) target(%dma_start3A_146 : memref<128x128xf32, #tpu.memory_space<hbm>>) target_semaphore(%run_scoped3A : memref<!tpu.dma_semaphore, #tpu.memory_space<semaphore_mem>>)
      %dma_wait3A = arith.constant 0 : i32
      %dma_wait3A_150 = arith.constant 0 : i32
      %dma_wait3A_151 = tpu.memref_slice %arg8[%dma_wait3A, %dma_wait3A_150] : memref<128x128xf32, #tpu.memory_space<vmem>> -> memref<128x128xf32, #tpu.memory_space<vmem>>
      %dma_wait3A_152 = arith.constant 0 : i32
      %dma_wait3A_153 = tpu.memref_slice %arg5[%arg0, %add3A_121, %dma_wait3A_152] : memref<2x10112x128xf32, #tpu.memory_space<hbm>> -> memref<1x128x128xf32, #tpu.memory_space<hbm>>
      %dma_wait3A_154 = tpu.memref_squeeze %dma_wait3A_153 : memref<1x128x128xf32, #tpu.memory_space<hbm>> -> memref<128x128xf32, #tpu.memory_space<hbm>>
      %dma_wait3A_155 = arith.constant 0 : i32
      %dma_wait3A_156 = tpu.memref_slice %arg5[%arg0, %add3A_121, %dma_wait3A_155] : memref<2x10112x128xf32, #tpu.memory_space<hbm>> -> memref<1x128x128xf32, #tpu.memory_space<hbm>>
      %dma_wait3A_157 = tpu.memref_squeeze %dma_wait3A_156 : memref<1x128x128xf32, #tpu.memory_space<hbm>> -> memref<128x128xf32, #tpu.memory_space<hbm>>
      %dma_wait3A_158 = arith.constant 0 : i32
      %dma_wait3A_159 = arith.constant 0 : i32
      %dma_wait3A_160 = tpu.memref_slice %arg8[%dma_wait3A_158, %dma_wait3A_159] : memref<128x128xf32, #tpu.memory_space<vmem>> -> memref<128x128xf32, #tpu.memory_space<vmem>>
      tpu.wait_dma2 semaphore(%run_scoped3A : memref<!tpu.dma_semaphore, #tpu.memory_space<semaphore_mem>>) src(%dma_wait3A_160 : memref<128x128xf32, #tpu.memory_space<vmem>>) dst(%dma_wait3A_157 : memref<128x128xf32, #tpu.memory_space<hbm>>)
      tpu.yield
    }) : () -> ()
    %mul3A_122 = arith.constant 632 : i32
    %mul3A_123 = arith.muli %arg1, %mul3A_122 : i32
    %add3A_124 = arith.constant 128 : i32
    %add3A_125 = arith.addi %mul3A_123, %add3A_124 : i32
    "tpu.region"() ({
      %run_scoped3A = tpu.sem_alloc : memref<!tpu.dma_semaphore, #tpu.memory_space<semaphore_mem>>
      %dma_start3A_138 = arith.constant 0 : i32
      %dma_start3A_139 = arith.constant 0 : i32
      %dma_start3A_140 = tpu.memref_slice %arg8[%dma_start3A_138, %dma_start3A_139] : memref<128x128xf32, #tpu.memory_space<vmem>> -> memref<128x128xf32, #tpu.memory_space<vmem>>
      %dma_start3A_141 = arith.constant 0 : i32
      %dma_start3A_142 = tpu.memref_slice %arg6[%add3A_125, %dma_start3A_141] : memref<10112x128xf32, #tpu.memory_space<vmem_shared>> -> memref<128x128xf32, #tpu.memory_space<vmem_shared>>
      %dma_start3A_143 = arith.constant 0 : i32
      %dma_start3A_144 = arith.constant 0 : i32
      %dma_start3A_145 = tpu.memref_slice %arg8[%dma_start3A_143, %dma_start3A_144] : memref<128x128xf32, #tpu.memory_space<vmem>> -> memref<128x128xf32, #tpu.memory_space<vmem>>
      %dma_start3A_146 = arith.constant 0 : i32
      %dma_start3A_147 = tpu.memref_slice %arg6[%add3A_125, %dma_start3A_146] : memref<10112x128xf32, #tpu.memory_space<vmem_shared>> -> memref<128x128xf32, #tpu.memory_space<vmem_shared>>
      tpu.enqueue_dma source(%dma_start3A_147 : memref<128x128xf32, #tpu.memory_space<vmem_shared>>) target(%dma_start3A_145 : memref<128x128xf32, #tpu.memory_space<vmem>>) target_semaphore(%run_scoped3A : memref<!tpu.dma_semaphore, #tpu.memory_space<semaphore_mem>>)
      %dma_wait3A = arith.constant 0 : i32
      %dma_wait3A_148 = arith.constant 0 : i32
      %dma_wait3A_149 = tpu.memref_slice %arg8[%dma_wait3A, %dma_wait3A_148] : memref<128x128xf32, #tpu.memory_space<vmem>> -> memref<128x128xf32, #tpu.memory_space<vmem>>
      %dma_wait3A_150 = arith.constant 0 : i32
      %dma_wait3A_151 = tpu.memref_slice %arg6[%add3A_125, %dma_wait3A_150] : memref<10112x128xf32, #tpu.memory_space<vmem_shared>> -> memref<128x128xf32, #tpu.memory_space<vmem_shared>>
      %dma_wait3A_152 = arith.constant 0 : i32
      %dma_wait3A_153 = arith.constant 0 : i32
      %dma_wait3A_154 = tpu.memref_slice %arg8[%dma_wait3A_152, %dma_wait3A_153] : memref<128x128xf32, #tpu.memory_space<vmem>> -> memref<128x128xf32, #tpu.memory_space<vmem>>
      %dma_wait3A_155 = arith.constant 0 : i32
      %dma_wait3A_156 = tpu.memref_slice %arg6[%add3A_125, %dma_wait3A_155] : memref<10112x128xf32, #tpu.memory_space<vmem_shared>> -> memref<128x128xf32, #tpu.memory_space<vmem_shared>>
      tpu.wait_dma2 semaphore(%run_scoped3A : memref<!tpu.dma_semaphore, #tpu.memory_space<semaphore_mem>>) src(%dma_wait3A_156 : memref<128x128xf32, #tpu.memory_space<vmem_shared>>) dst(%dma_wait3A_154 : memref<128x128xf32, #tpu.memory_space<vmem>>)
      tpu.yield
    }) : () -> ()
    "tpu.region"() ({
      %run_scoped3A = tpu.sem_alloc : memref<!tpu.dma_semaphore, #tpu.memory_space<semaphore_mem>>
      %dma_start3A_138 = arith.constant 0 : i32
      %dma_start3A_139 = arith.constant 0 : i32
      %dma_start3A_140 = tpu.memref_slice %arg8[%dma_start3A_138, %dma_start3A_139] : memref<128x128xf32, #tpu.memory_space<vmem>> -> memref<128x128xf32, #tpu.memory_space<vmem>>
      %dma_start3A_141 = arith.constant 0 : i32
      %dma_start3A_142 = tpu.memref_slice %arg5[%arg0, %add3A_125, %dma_start3A_141] : memref<2x10112x128xf32, #tpu.memory_space<hbm>> -> memref<1x128x128xf32, #tpu.memory_space<hbm>>
      %dma_start3A_143 = tpu.memref_squeeze %dma_start3A_142 : memref<1x128x128xf32, #tpu.memory_space<hbm>> -> memref<128x128xf32, #tpu.memory_space<hbm>>
      %dma_start3A_144 = arith.constant 0 : i32
      %dma_start3A_145 = tpu.memref_slice %arg5[%arg0, %add3A_125, %dma_start3A_144] : memref<2x10112x128xf32, #tpu.memory_space<hbm>> -> memref<1x128x128xf32, #tpu.memory_space<hbm>>
      %dma_start3A_146 = tpu.memref_squeeze %dma_start3A_145 : memref<1x128x128xf32, #tpu.memory_space<hbm>> -> memref<128x128xf32, #tpu.memory_space<hbm>>
      %dma_start3A_147 = arith.constant 0 : i32
      %dma_start3A_148 = arith.constant 0 : i32
      %dma_start3A_149 = tpu.memref_slice %arg8[%dma_start3A_147, %dma_start3A_148] : memref<128x128xf32, #tpu.memory_space<vmem>> -> memref<128x128xf32, #tpu.memory_space<vmem>>
      tpu.enqueue_dma source(%dma_start3A_149 : memref<128x128xf32, #tpu.memory_space<vmem>>) target(%dma_start3A_146 : memref<128x128xf32, #tpu.memory_space<hbm>>) target_semaphore(%run_scoped3A : memref<!tpu.dma_semaphore, #tpu.memory_space<semaphore_mem>>)
      %dma_wait3A = arith.constant 0 : i32
      %dma_wait3A_150 = arith.constant 0 : i32
      %dma_wait3A_151 = tpu.memref_slice %arg8[%dma_wait3A, %dma_wait3A_150] : memref<128x128xf32, #tpu.memory_space<vmem>> -> memref<128x128xf32, #tpu.memory_space<vmem>>
      %dma_wait3A_152 = arith.constant 0 : i32
      %dma_wait3A_153 = tpu.memref_slice %arg5[%arg0, %add3A_125, %dma_wait3A_152] : memref<2x10112x128xf32, #tpu.memory_space<hbm>> -> memref<1x128x128xf32, #tpu.memory_space<hbm>>
      %dma_wait3A_154 = tpu.memref_squeeze %dma_wait3A_153 : memref<1x128x128xf32, #tpu.memory_space<hbm>> -> memref<128x128xf32, #tpu.memory_space<hbm>>
      %dma_wait3A_155 = arith.constant 0 : i32
      %dma_wait3A_156 = tpu.memref_slice %arg5[%arg0, %add3A_125, %dma_wait3A_155] : memref<2x10112x128xf32, #tpu.memory_space<hbm>> -> memref<1x128x128xf32, #tpu.memory_space<hbm>>
      %dma_wait3A_157 = tpu.memref_squeeze %dma_wait3A_156 : memref<1x128x128xf32, #tpu.memory_space<hbm>> -> memref<128x128xf32, #tpu.memory_space<hbm>>
      %dma_wait3A_158 = arith.constant 0 : i32
      %dma_wait3A_159 = arith.constant 0 : i32
      %dma_wait3A_160 = tpu.memref_slice %arg8[%dma_wait3A_158, %dma_wait3A_159] : memref<128x128xf32, #tpu.memory_space<vmem>> -> memref<128x128xf32, #tpu.memory_space<vmem>>
      tpu.wait_dma2 semaphore(%run_scoped3A : memref<!tpu.dma_semaphore, #tpu.memory_space<semaphore_mem>>) src(%dma_wait3A_160 : memref<128x128xf32, #tpu.memory_space<vmem>>) dst(%dma_wait3A_157 : memref<128x128xf32, #tpu.memory_space<hbm>>)
      tpu.yield
    }) : () -> ()
    %mul3A_126 = arith.constant 632 : i32
    %mul3A_127 = arith.muli %arg1, %mul3A_126 : i32
    %add3A_128 = arith.constant 256 : i32
    %add3A_129 = arith.addi %mul3A_127, %add3A_128 : i32
    "tpu.region"() ({
      %run_scoped3A = tpu.sem_alloc : memref<!tpu.dma_semaphore, #tpu.memory_space<semaphore_mem>>
      %dma_start3A_138 = arith.constant 0 : i32
      %dma_start3A_139 = arith.constant 0 : i32
      %dma_start3A_140 = tpu.memref_slice %arg8[%dma_start3A_138, %dma_start3A_139] : memref<128x128xf32, #tpu.memory_space<vmem>> -> memref<128x128xf32, #tpu.memory_space<vmem>>
      %dma_start3A_141 = arith.constant 0 : i32
      %dma_start3A_142 = tpu.memref_slice %arg6[%add3A_129, %dma_start3A_141] : memref<10112x128xf32, #tpu.memory_space<vmem_shared>> -> memref<128x128xf32, #tpu.memory_space<vmem_shared>>
      %dma_start3A_143 = arith.constant 0 : i32
      %dma_start3A_144 = arith.constant 0 : i32
      %dma_start3A_145 = tpu.memref_slice %arg8[%dma_start3A_143, %dma_start3A_144] : memref<128x128xf32, #tpu.memory_space<vmem>> -> memref<128x128xf32, #tpu.memory_space<vmem>>
      %dma_start3A_146 = arith.constant 0 : i32
      %dma_start3A_147 = tpu.memref_slice %arg6[%add3A_129, %dma_start3A_146] : memref<10112x128xf32, #tpu.memory_space<vmem_shared>> -> memref<128x128xf32, #tpu.memory_space<vmem_shared>>
      tpu.enqueue_dma source(%dma_start3A_147 : memref<128x128xf32, #tpu.memory_space<vmem_shared>>) target(%dma_start3A_145 : memref<128x128xf32, #tpu.memory_space<vmem>>) target_semaphore(%run_scoped3A : memref<!tpu.dma_semaphore, #tpu.memory_space<semaphore_mem>>)
      %dma_wait3A = arith.constant 0 : i32
      %dma_wait3A_148 = arith.constant 0 : i32
      %dma_wait3A_149 = tpu.memref_slice %arg8[%dma_wait3A, %dma_wait3A_148] : memref<128x128xf32, #tpu.memory_space<vmem>> -> memref<128x128xf32, #tpu.memory_space<vmem>>
      %dma_wait3A_150 = arith.constant 0 : i32
      %dma_wait3A_151 = tpu.memref_slice %arg6[%add3A_129, %dma_wait3A_150] : memref<10112x128xf32, #tpu.memory_space<vmem_shared>> -> memref<128x128xf32, #tpu.memory_space<vmem_shared>>
      %dma_wait3A_152 = arith.constant 0 : i32
      %dma_wait3A_153 = arith.constant 0 : i32
      %dma_wait3A_154 = tpu.memref_slice %arg8[%dma_wait3A_152, %dma_wait3A_153] : memref<128x128xf32, #tpu.memory_space<vmem>> -> memref<128x128xf32, #tpu.memory_space<vmem>>
      %dma_wait3A_155 = arith.constant 0 : i32
      %dma_wait3A_156 = tpu.memref_slice %arg6[%add3A_129, %dma_wait3A_155] : memref<10112x128xf32, #tpu.memory_space<vmem_shared>> -> memref<128x128xf32, #tpu.memory_space<vmem_shared>>
      tpu.wait_dma2 semaphore(%run_scoped3A : memref<!tpu.dma_semaphore, #tpu.memory_space<semaphore_mem>>) src(%dma_wait3A_156 : memref<128x128xf32, #tpu.memory_space<vmem_shared>>) dst(%dma_wait3A_154 : memref<128x128xf32, #tpu.memory_space<vmem>>)
      tpu.yield
    }) : () -> ()
    "tpu.region"() ({
      %run_scoped3A = tpu.sem_alloc : memref<!tpu.dma_semaphore, #tpu.memory_space<semaphore_mem>>
      %dma_start3A_138 = arith.constant 0 : i32
      %dma_start3A_139 = arith.constant 0 : i32
      %dma_start3A_140 = tpu.memref_slice %arg8[%dma_start3A_138, %dma_start3A_139] : memref<128x128xf32, #tpu.memory_space<vmem>> -> memref<128x128xf32, #tpu.memory_space<vmem>>
      %dma_start3A_141 = arith.constant 0 : i32
      %dma_start3A_142 = tpu.memref_slice %arg5[%arg0, %add3A_129, %dma_start3A_141] : memref<2x10112x128xf32, #tpu.memory_space<hbm>> -> memref<1x128x128xf32, #tpu.memory_space<hbm>>
      %dma_start3A_143 = tpu.memref_squeeze %dma_start3A_142 : memref<1x128x128xf32, #tpu.memory_space<hbm>> -> memref<128x128xf32, #tpu.memory_space<hbm>>
      %dma_start3A_144 = arith.constant 0 : i32
      %dma_start3A_145 = tpu.memref_slice %arg5[%arg0, %add3A_129, %dma_start3A_144] : memref<2x10112x128xf32, #tpu.memory_space<hbm>> -> memref<1x128x128xf32, #tpu.memory_space<hbm>>
      %dma_start3A_146 = tpu.memref_squeeze %dma_start3A_145 : memref<1x128x128xf32, #tpu.memory_space<hbm>> -> memref<128x128xf32, #tpu.memory_space<hbm>>
      %dma_start3A_147 = arith.constant 0 : i32
      %dma_start3A_148 = arith.constant 0 : i32
      %dma_start3A_149 = tpu.memref_slice %arg8[%dma_start3A_147, %dma_start3A_148] : memref<128x128xf32, #tpu.memory_space<vmem>> -> memref<128x128xf32, #tpu.memory_space<vmem>>
      tpu.enqueue_dma source(%dma_start3A_149 : memref<128x128xf32, #tpu.memory_space<vmem>>) target(%dma_start3A_146 : memref<128x128xf32, #tpu.memory_space<hbm>>) target_semaphore(%run_scoped3A : memref<!tpu.dma_semaphore, #tpu.memory_space<semaphore_mem>>)
      %dma_wait3A = arith.constant 0 : i32
      %dma_wait3A_150 = arith.constant 0 : i32
      %dma_wait3A_151 = tpu.memref_slice %arg8[%dma_wait3A, %dma_wait3A_150] : memref<128x128xf32, #tpu.memory_space<vmem>> -> memref<128x128xf32, #tpu.memory_space<vmem>>
      %dma_wait3A_152 = arith.constant 0 : i32
      %dma_wait3A_153 = tpu.memref_slice %arg5[%arg0, %add3A_129, %dma_wait3A_152] : memref<2x10112x128xf32, #tpu.memory_space<hbm>> -> memref<1x128x128xf32, #tpu.memory_space<hbm>>
      %dma_wait3A_154 = tpu.memref_squeeze %dma_wait3A_153 : memref<1x128x128xf32, #tpu.memory_space<hbm>> -> memref<128x128xf32, #tpu.memory_space<hbm>>
      %dma_wait3A_155 = arith.constant 0 : i32
      %dma_wait3A_156 = tpu.memref_slice %arg5[%arg0, %add3A_129, %dma_wait3A_155] : memref<2x10112x128xf32, #tpu.memory_space<hbm>> -> memref<1x128x128xf32, #tpu.memory_space<hbm>>
      %dma_wait3A_157 = tpu.memref_squeeze %dma_wait3A_156 : memref<1x128x128xf32, #tpu.memory_space<hbm>> -> memref<128x128xf32, #tpu.memory_space<hbm>>
      %dma_wait3A_158 = arith.constant 0 : i32
      %dma_wait3A_159 = arith.constant 0 : i32
      %dma_wait3A_160 = tpu.memref_slice %arg8[%dma_wait3A_158, %dma_wait3A_159] : memref<128x128xf32, #tpu.memory_space<vmem>> -> memref<128x128xf32, #tpu.memory_space<vmem>>
      tpu.wait_dma2 semaphore(%run_scoped3A : memref<!tpu.dma_semaphore, #tpu.memory_space<semaphore_mem>>) src(%dma_wait3A_160 : memref<128x128xf32, #tpu.memory_space<vmem>>) dst(%dma_wait3A_157 : memref<128x128xf32, #tpu.memory_space<hbm>>)
      tpu.yield
    }) : () -> ()
    %mul3A_130 = arith.constant 632 : i32
    %mul3A_131 = arith.muli %arg1, %mul3A_130 : i32
    %add3A_132 = arith.constant 384 : i32
    %add3A_133 = arith.addi %mul3A_131, %add3A_132 : i32
    "tpu.region"() ({
      %run_scoped3A = tpu.sem_alloc : memref<!tpu.dma_semaphore, #tpu.memory_space<semaphore_mem>>
      %dma_start3A_138 = arith.constant 0 : i32
      %dma_start3A_139 = arith.constant 0 : i32
      %dma_start3A_140 = tpu.memref_slice %arg8[%dma_start3A_138, %dma_start3A_139] : memref<128x128xf32, #tpu.memory_space<vmem>> -> memref<128x128xf32, #tpu.memory_space<vmem>>
      %dma_start3A_141 = arith.constant 0 : i32
      %dma_start3A_142 = tpu.memref_slice %arg6[%add3A_133, %dma_start3A_141] : memref<10112x128xf32, #tpu.memory_space<vmem_shared>> -> memref<128x128xf32, #tpu.memory_space<vmem_shared>>
      %dma_start3A_143 = arith.constant 0 : i32
      %dma_start3A_144 = arith.constant 0 : i32
      %dma_start3A_145 = tpu.memref_slice %arg8[%dma_start3A_143, %dma_start3A_144] : memref<128x128xf32, #tpu.memory_space<vmem>> -> memref<128x128xf32, #tpu.memory_space<vmem>>
      %dma_start3A_146 = arith.constant 0 : i32
      %dma_start3A_147 = tpu.memref_slice %arg6[%add3A_133, %dma_start3A_146] : memref<10112x128xf32, #tpu.memory_space<vmem_shared>> -> memref<128x128xf32, #tpu.memory_space<vmem_shared>>
      tpu.enqueue_dma source(%dma_start3A_147 : memref<128x128xf32, #tpu.memory_space<vmem_shared>>) target(%dma_start3A_145 : memref<128x128xf32, #tpu.memory_space<vmem>>) target_semaphore(%run_scoped3A : memref<!tpu.dma_semaphore, #tpu.memory_space<semaphore_mem>>)
      %dma_wait3A = arith.constant 0 : i32
      %dma_wait3A_148 = arith.constant 0 : i32
      %dma_wait3A_149 = tpu.memref_slice %arg8[%dma_wait3A, %dma_wait3A_148] : memref<128x128xf32, #tpu.memory_space<vmem>> -> memref<128x128xf32, #tpu.memory_space<vmem>>
      %dma_wait3A_150 = arith.constant 0 : i32
      %dma_wait3A_151 = tpu.memref_slice %arg6[%add3A_133, %dma_wait3A_150] : memref<10112x128xf32, #tpu.memory_space<vmem_shared>> -> memref<128x128xf32, #tpu.memory_space<vmem_shared>>
      %dma_wait3A_152 = arith.constant 0 : i32
      %dma_wait3A_153 = arith.constant 0 : i32
      %dma_wait3A_154 = tpu.memref_slice %arg8[%dma_wait3A_152, %dma_wait3A_153] : memref<128x128xf32, #tpu.memory_space<vmem>> -> memref<128x128xf32, #tpu.memory_space<vmem>>
      %dma_wait3A_155 = arith.constant 0 : i32
      %dma_wait3A_156 = tpu.memref_slice %arg6[%add3A_133, %dma_wait3A_155] : memref<10112x128xf32, #tpu.memory_space<vmem_shared>> -> memref<128x128xf32, #tpu.memory_space<vmem_shared>>
      tpu.wait_dma2 semaphore(%run_scoped3A : memref<!tpu.dma_semaphore, #tpu.memory_space<semaphore_mem>>) src(%dma_wait3A_156 : memref<128x128xf32, #tpu.memory_space<vmem_shared>>) dst(%dma_wait3A_154 : memref<128x128xf32, #tpu.memory_space<vmem>>)
      tpu.yield
    }) : () -> ()
    "tpu.region"() ({
      %run_scoped3A = tpu.sem_alloc : memref<!tpu.dma_semaphore, #tpu.memory_space<semaphore_mem>>
      %dma_start3A_138 = arith.constant 0 : i32
      %dma_start3A_139 = arith.constant 0 : i32
      %dma_start3A_140 = tpu.memref_slice %arg8[%dma_start3A_138, %dma_start3A_139] : memref<128x128xf32, #tpu.memory_space<vmem>> -> memref<128x128xf32, #tpu.memory_space<vmem>>
      %dma_start3A_141 = arith.constant 0 : i32
      %dma_start3A_142 = tpu.memref_slice %arg5[%arg0, %add3A_133, %dma_start3A_141] : memref<2x10112x128xf32, #tpu.memory_space<hbm>> -> memref<1x128x128xf32, #tpu.memory_space<hbm>>
      %dma_start3A_143 = tpu.memref_squeeze %dma_start3A_142 : memref<1x128x128xf32, #tpu.memory_space<hbm>> -> memref<128x128xf32, #tpu.memory_space<hbm>>
      %dma_start3A_144 = arith.constant 0 : i32
      %dma_start3A_145 = tpu.memref_slice %arg5[%arg0, %add3A_133, %dma_start3A_144] : memref<2x10112x128xf32, #tpu.memory_space<hbm>> -> memref<1x128x128xf32, #tpu.memory_space<hbm>>
      %dma_start3A_146 = tpu.memref_squeeze %dma_start3A_145 : memref<1x128x128xf32, #tpu.memory_space<hbm>> -> memref<128x128xf32, #tpu.memory_space<hbm>>
      %dma_start3A_147 = arith.constant 0 : i32
      %dma_start3A_148 = arith.constant 0 : i32
      %dma_start3A_149 = tpu.memref_slice %arg8[%dma_start3A_147, %dma_start3A_148] : memref<128x128xf32, #tpu.memory_space<vmem>> -> memref<128x128xf32, #tpu.memory_space<vmem>>
      tpu.enqueue_dma source(%dma_start3A_149 : memref<128x128xf32, #tpu.memory_space<vmem>>) target(%dma_start3A_146 : memref<128x128xf32, #tpu.memory_space<hbm>>) target_semaphore(%run_scoped3A : memref<!tpu.dma_semaphore, #tpu.memory_space<semaphore_mem>>)
      %dma_wait3A = arith.constant 0 : i32
      %dma_wait3A_150 = arith.constant 0 : i32
      %dma_wait3A_151 = tpu.memref_slice %arg8[%dma_wait3A, %dma_wait3A_150] : memref<128x128xf32, #tpu.memory_space<vmem>> -> memref<128x128xf32, #tpu.memory_space<vmem>>
      %dma_wait3A_152 = arith.constant 0 : i32
      %dma_wait3A_153 = tpu.memref_slice %arg5[%arg0, %add3A_133, %dma_wait3A_152] : memref<2x10112x128xf32, #tpu.memory_space<hbm>> -> memref<1x128x128xf32, #tpu.memory_space<hbm>>
      %dma_wait3A_154 = tpu.memref_squeeze %dma_wait3A_153 : memref<1x128x128xf32, #tpu.memory_space<hbm>> -> memref<128x128xf32, #tpu.memory_space<hbm>>
      %dma_wait3A_155 = arith.constant 0 : i32
      %dma_wait3A_156 = tpu.memref_slice %arg5[%arg0, %add3A_133, %dma_wait3A_155] : memref<2x10112x128xf32, #tpu.memory_space<hbm>> -> memref<1x128x128xf32, #tpu.memory_space<hbm>>
      %dma_wait3A_157 = tpu.memref_squeeze %dma_wait3A_156 : memref<1x128x128xf32, #tpu.memory_space<hbm>> -> memref<128x128xf32, #tpu.memory_space<hbm>>
      %dma_wait3A_158 = arith.constant 0 : i32
      %dma_wait3A_159 = arith.constant 0 : i32
      %dma_wait3A_160 = tpu.memref_slice %arg8[%dma_wait3A_158, %dma_wait3A_159] : memref<128x128xf32, #tpu.memory_space<vmem>> -> memref<128x128xf32, #tpu.memory_space<vmem>>
      tpu.wait_dma2 semaphore(%run_scoped3A : memref<!tpu.dma_semaphore, #tpu.memory_space<semaphore_mem>>) src(%dma_wait3A_160 : memref<128x128xf32, #tpu.memory_space<vmem>>) dst(%dma_wait3A_157 : memref<128x128xf32, #tpu.memory_space<hbm>>)
      tpu.yield
    }) : () -> ()
    %mul3A_134 = arith.constant 632 : i32
    %mul3A_135 = arith.muli %arg1, %mul3A_134 : i32
    %add3A_136 = arith.constant 512 : i32
    %add3A_137 = arith.addi %mul3A_135, %add3A_136 : i32
    "tpu.region"() ({
      %run_scoped3A = tpu.sem_alloc : memref<!tpu.dma_semaphore, #tpu.memory_space<semaphore_mem>>
      %dma_start3A_138 = arith.constant 0 : i32
      %dma_start3A_139 = arith.constant 0 : i32
      %dma_start3A_140 = tpu.memref_slice %arg8[%dma_start3A_138, %dma_start3A_139] : memref<128x128xf32, #tpu.memory_space<vmem>> -> memref<120x128xf32, #tpu.memory_space<vmem>>
      %dma_start3A_141 = arith.constant 0 : i32
      %dma_start3A_142 = tpu.memref_slice %arg6[%add3A_137, %dma_start3A_141] : memref<10112x128xf32, #tpu.memory_space<vmem_shared>> -> memref<120x128xf32, #tpu.memory_space<vmem_shared>>
      %dma_start3A_143 = arith.constant 0 : i32
      %dma_start3A_144 = arith.constant 0 : i32
      %dma_start3A_145 = tpu.memref_slice %arg8[%dma_start3A_143, %dma_start3A_144] : memref<128x128xf32, #tpu.memory_space<vmem>> -> memref<120x128xf32, #tpu.memory_space<vmem>>
      %dma_start3A_146 = arith.constant 0 : i32
      %dma_start3A_147 = tpu.memref_slice %arg6[%add3A_137, %dma_start3A_146] : memref<10112x128xf32, #tpu.memory_space<vmem_shared>> -> memref<120x128xf32, #tpu.memory_space<vmem_shared>>
      tpu.enqueue_dma source(%dma_start3A_147 : memref<120x128xf32, #tpu.memory_space<vmem_shared>>) target(%dma_start3A_145 : memref<120x128xf32, #tpu.memory_space<vmem>>) target_semaphore(%run_scoped3A : memref<!tpu.dma_semaphore, #tpu.memory_space<semaphore_mem>>)
      %dma_wait3A = arith.constant 0 : i32
      %dma_wait3A_148 = arith.constant 0 : i32
      %dma_wait3A_149 = tpu.memref_slice %arg8[%dma_wait3A, %dma_wait3A_148] : memref<128x128xf32, #tpu.memory_space<vmem>> -> memref<120x128xf32, #tpu.memory_space<vmem>>
      %dma_wait3A_150 = arith.constant 0 : i32
      %dma_wait3A_151 = tpu.memref_slice %arg6[%add3A_137, %dma_wait3A_150] : memref<10112x128xf32, #tpu.memory_space<vmem_shared>> -> memref<120x128xf32, #tpu.memory_space<vmem_shared>>
      %dma_wait3A_152 = arith.constant 0 : i32
      %dma_wait3A_153 = arith.constant 0 : i32
      %dma_wait3A_154 = tpu.memref_slice %arg8[%dma_wait3A_152, %dma_wait3A_153] : memref<128x128xf32, #tpu.memory_space<vmem>> -> memref<120x128xf32, #tpu.memory_space<vmem>>
      %dma_wait3A_155 = arith.constant 0 : i32
      %dma_wait3A_156 = tpu.memref_slice %arg6[%add3A_137, %dma_wait3A_155] : memref<10112x128xf32, #tpu.memory_space<vmem_shared>> -> memref<120x128xf32, #tpu.memory_space<vmem_shared>>
      tpu.wait_dma2 semaphore(%run_scoped3A : memref<!tpu.dma_semaphore, #tpu.memory_space<semaphore_mem>>) src(%dma_wait3A_156 : memref<120x128xf32, #tpu.memory_space<vmem_shared>>) dst(%dma_wait3A_154 : memref<120x128xf32, #tpu.memory_space<vmem>>)
      tpu.yield
    }) : () -> ()
    "tpu.region"() ({
      %run_scoped3A = tpu.sem_alloc : memref<!tpu.dma_semaphore, #tpu.memory_space<semaphore_mem>>
      %dma_start3A_138 = arith.constant 0 : i32
      %dma_start3A_139 = arith.constant 0 : i32
      %dma_start3A_140 = tpu.memref_slice %arg8[%dma_start3A_138, %dma_start3A_139] : memref<128x128xf32, #tpu.memory_space<vmem>> -> memref<120x128xf32, #tpu.memory_space<vmem>>
      %dma_start3A_141 = arith.constant 0 : i32
      %dma_start3A_142 = tpu.memref_slice %arg5[%arg0, %add3A_137, %dma_start3A_141] : memref<2x10112x128xf32, #tpu.memory_space<hbm>> -> memref<1x120x128xf32, #tpu.memory_space<hbm>>
      %dma_start3A_143 = tpu.memref_squeeze %dma_start3A_142 : memref<1x120x128xf32, #tpu.memory_space<hbm>> -> memref<120x128xf32, #tpu.memory_space<hbm>>
      %dma_start3A_144 = arith.constant 0 : i32
      %dma_start3A_145 = tpu.memref_slice %arg5[%arg0, %add3A_137, %dma_start3A_144] : memref<2x10112x128xf32, #tpu.memory_space<hbm>> -> memref<1x120x128xf32, #tpu.memory_space<hbm>>
      %dma_start3A_146 = tpu.memref_squeeze %dma_start3A_145 : memref<1x120x128xf32, #tpu.memory_space<hbm>> -> memref<120x128xf32, #tpu.memory_space<hbm>>
      %dma_start3A_147 = arith.constant 0 : i32
      %dma_start3A_148 = arith.constant 0 : i32
      %dma_start3A_149 = tpu.memref_slice %arg8[%dma_start3A_147, %dma_start3A_148] : memref<128x128xf32, #tpu.memory_space<vmem>> -> memref<120x128xf32, #tpu.memory_space<vmem>>
      tpu.enqueue_dma source(%dma_start3A_149 : memref<120x128xf32, #tpu.memory_space<vmem>>) target(%dma_start3A_146 : memref<120x128xf32, #tpu.memory_space<hbm>>) target_semaphore(%run_scoped3A : memref<!tpu.dma_semaphore, #tpu.memory_space<semaphore_mem>>)
      %dma_wait3A = arith.constant 0 : i32
      %dma_wait3A_150 = arith.constant 0 : i32
      %dma_wait3A_151 = tpu.memref_slice %arg8[%dma_wait3A, %dma_wait3A_150] : memref<128x128xf32, #tpu.memory_space<vmem>> -> memref<120x128xf32, #tpu.memory_space<vmem>>
      %dma_wait3A_152 = arith.constant 0 : i32
      %dma_wait3A_153 = tpu.memref_slice %arg5[%arg0, %add3A_137, %dma_wait3A_152] : memref<2x10112x128xf32, #tpu.memory_space<hbm>> -> memref<1x120x128xf32, #tpu.memory_space<hbm>>
      %dma_wait3A_154 = tpu.memref_squeeze %dma_wait3A_153 : memref<1x120x128xf32, #tpu.memory_space<hbm>> -> memref<120x128xf32, #tpu.memory_space<hbm>>
      %dma_wait3A_155 = arith.constant 0 : i32
      %dma_wait3A_156 = tpu.memref_slice %arg5[%arg0, %add3A_137, %dma_wait3A_155] : memref<2x10112x128xf32, #tpu.memory_space<hbm>> -> memref<1x120x128xf32, #tpu.memory_space<hbm>>
      %dma_wait3A_157 = tpu.memref_squeeze %dma_wait3A_156 : memref<1x120x128xf32, #tpu.memory_space<hbm>> -> memref<120x128xf32, #tpu.memory_space<hbm>>
      %dma_wait3A_158 = arith.constant 0 : i32
      %dma_wait3A_159 = arith.constant 0 : i32
      %dma_wait3A_160 = tpu.memref_slice %arg8[%dma_wait3A_158, %dma_wait3A_159] : memref<128x128xf32, #tpu.memory_space<vmem>> -> memref<120x128xf32, #tpu.memory_space<vmem>>
      tpu.wait_dma2 semaphore(%run_scoped3A : memref<!tpu.dma_semaphore, #tpu.memory_space<semaphore_mem>>) src(%dma_wait3A_160 : memref<120x128xf32, #tpu.memory_space<vmem>>) dst(%dma_wait3A_157 : memref<120x128xf32, #tpu.memory_space<hbm>>)
      tpu.yield
    }) : () -> ()
    return
  }
}

#map = affine_map<(d0, d1) -> (0, 0)>
#map1 = affine_map<(d0, d1) -> (0, 0, 0)>
module attributes {stable_mosaic.version = 14 : i64} {
  func.func @_agg_kernel(%arg0: i32, %arg1: i32, %arg2: memref<10000x128xf32, #tpu.memory_space<hbm>>, %arg3: memref<2x16x10240xi32, #tpu.memory_space<hbm>>, %arg4: memref<128x128xf32, #tpu.memory_space<hbm>>, %arg5: memref<2x10112x128xf32, #tpu.memory_space<hbm>>, %arg6: memref<10112x128xf32, #tpu.memory_space<vmem_shared>>, %arg7: memref<10240xi32, #tpu.memory_space<vmem>>, %arg8: memref<128x128xf32, #tpu.memory_space<vmem>>, %arg9: memref<128x128xf32, #tpu.memory_space<vmem>>, %arg10: memref<128xi32, #tpu.memory_space<vmem>>, %arg11: memref<128xi32, #tpu.memory_space<vmem>>, %arg12: memref<128xi32, #tpu.memory_space<vmem>>, %arg13: memref<128xi32, #tpu.memory_space<vmem>>, %arg14: memref<!tpu.dma_semaphore, #tpu.memory_space<semaphore_mem>>, %arg15: memref<!tpu.dma_semaphore, #tpu.memory_space<semaphore_mem>>) attributes {dimension_semantics = [#tpu.dimension_semantics<core_parallel>, #tpu.dimension_semantics<subcore_parallel>], iteration_bounds = array<i64: 2, 16>, scalar_prefetch = 0 : i64, scratch_operands = 10 : i64, tpu.core_type = #tpu.core_type<sc_vector_subcore>, window_params = [{transform_indices = #map}, {transform_indices = #map1}, {transform_indices = #map}, {transform_indices = #map1}]} {
    "tpu.region"() ({
      %run_scoped3A = tpu.sem_alloc : memref<!tpu.dma_semaphore, #tpu.memory_space<semaphore_mem>>
      tpu.enqueue_dma source(%arg4 : memref<128x128xf32, #tpu.memory_space<hbm>>) target(%arg8 : memref<128x128xf32, #tpu.memory_space<vmem>>) target_semaphore(%run_scoped3A : memref<!tpu.dma_semaphore, #tpu.memory_space<semaphore_mem>>)
      tpu.wait_dma2 semaphore(%run_scoped3A : memref<!tpu.dma_semaphore, #tpu.memory_space<semaphore_mem>>) src(%arg4 : memref<128x128xf32, #tpu.memory_space<hbm>>) dst(%arg8 : memref<128x128xf32, #tpu.memory_space<vmem>>)
      tpu.yield
    }) : () -> ()
    %mul3A = arith.constant 632 : i32
    %mul3A_0 = arith.muli %arg1, %mul3A : i32
    %add3A = arith.constant 0 : i32
    %add3A_1 = arith.addi %mul3A_0, %add3A : i32
    "tpu.region"() ({
      %run_scoped3A = tpu.sem_alloc : memref<!tpu.dma_semaphore, #tpu.memory_space<semaphore_mem>>
      %dma_start3A_138 = arith.constant 0 : i32
      %dma_start3A_139 = arith.constant 0 : i32
      %dma_start3A_140 = tpu.memref_slice %arg8[%dma_start3A_138, %dma_start3A_139] : memref<128x128xf32, #tpu.memory_space<vmem>> -> memref<128x128xf32, #tpu.memory_space<vmem>>
      %dma_start3A_141 = arith.constant 0 : i32
      %dma_start3A_142 = tpu.memref_slice %arg6[%add3A_1, %dma_start3A_141] : memref<10112x128xf32, #tpu.memory_space<vmem_shared>> -> memref<128x128xf32, #tpu.memory_space<vmem_shared>>
      %dma_start3A_143 = arith.constant 0 : i32
      %dma_start3A_144 = tpu.memref_slice %arg6[%add3A_1, %dma_start3A_143] : memref<10112x128xf32, #tpu.memory_space<vmem_shared>> -> memref<128x128xf32, #tpu.memory_space<vmem_shared>>
      %dma_start3A_145 = arith.constant 0 : i32
      %dma_start3A_146 = arith.constant 0 : i32
      %dma_start3A_147 = tpu.memref_slice %arg8[%dma_start3A_145, %dma_start3A_146] : memref<128x128xf32, #tpu.memory_space<vmem>> -> memref<128x128xf32, #tpu.memory_space<vmem>>
      tpu.enqueue_dma source(%dma_start3A_147 : memref<128x128xf32, #tpu.memory_space<vmem>>) target(%dma_start3A_144 : memref<128x128xf32, #tpu.memory_space<vmem_shared>>) target_semaphore(%run_scoped3A : memref<!tpu.dma_semaphore, #tpu.memory_space<semaphore_mem>>)
      %dma_wait3A = arith.constant 0 : i32
      %dma_wait3A_148 = arith.constant 0 : i32
      %dma_wait3A_149 = tpu.memref_slice %arg8[%dma_wait3A, %dma_wait3A_148] : memref<128x128xf32, #tpu.memory_space<vmem>> -> memref<128x128xf32, #tpu.memory_space<vmem>>
      %dma_wait3A_150 = arith.constant 0 : i32
      %dma_wait3A_151 = tpu.memref_slice %arg6[%add3A_1, %dma_wait3A_150] : memref<10112x128xf32, #tpu.memory_space<vmem_shared>> -> memref<128x128xf32, #tpu.memory_space<vmem_shared>>
      %dma_wait3A_152 = arith.constant 0 : i32
      %dma_wait3A_153 = tpu.memref_slice %arg6[%add3A_1, %dma_wait3A_152] : memref<10112x128xf32, #tpu.memory_space<vmem_shared>> -> memref<128x128xf32, #tpu.memory_space<vmem_shared>>
      %dma_wait3A_154 = arith.constant 0 : i32
      %dma_wait3A_155 = arith.constant 0 : i32
      %dma_wait3A_156 = tpu.memref_slice %arg8[%dma_wait3A_154, %dma_wait3A_155] : memref<128x128xf32, #tpu.memory_space<vmem>> -> memref<128x128xf32, #tpu.memory_space<vmem>>
      tpu.wait_dma2 semaphore(%run_scoped3A : memref<!tpu.dma_semaphore, #tpu.memory_space<semaphore_mem>>) src(%dma_wait3A_156 : memref<128x128xf32, #tpu.memory_space<vmem>>) dst(%dma_wait3A_153 : memref<128x128xf32, #tpu.memory_space<vmem_shared>>)
      tpu.yield
    }) : () -> ()
    %mul3A_2 = arith.constant 632 : i32
    %mul3A_3 = arith.muli %arg1, %mul3A_2 : i32
    %add3A_4 = arith.constant 128 : i32
    %add3A_5 = arith.addi %mul3A_3, %add3A_4 : i32
    "tpu.region"() ({
      %run_scoped3A = tpu.sem_alloc : memref<!tpu.dma_semaphore, #tpu.memory_space<semaphore_mem>>
      %dma_start3A_138 = arith.constant 0 : i32
      %dma_start3A_139 = arith.constant 0 : i32
      %dma_start3A_140 = tpu.memref_slice %arg8[%dma_start3A_138, %dma_start3A_139] : memref<128x128xf32, #tpu.memory_space<vmem>> -> memref<128x128xf32, #tpu.memory_space<vmem>>
      %dma_start3A_141 = arith.constant 0 : i32
      %dma_start3A_142 = tpu.memref_slice %arg6[%add3A_5, %dma_start3A_141] : memref<10112x128xf32, #tpu.memory_space<vmem_shared>> -> memref<128x128xf32, #tpu.memory_space<vmem_shared>>
      %dma_start3A_143 = arith.constant 0 : i32
      %dma_start3A_144 = tpu.memref_slice %arg6[%add3A_5, %dma_start3A_143] : memref<10112x128xf32, #tpu.memory_space<vmem_shared>> -> memref<128x128xf32, #tpu.memory_space<vmem_shared>>
      %dma_start3A_145 = arith.constant 0 : i32
      %dma_start3A_146 = arith.constant 0 : i32
      %dma_start3A_147 = tpu.memref_slice %arg8[%dma_start3A_145, %dma_start3A_146] : memref<128x128xf32, #tpu.memory_space<vmem>> -> memref<128x128xf32, #tpu.memory_space<vmem>>
      tpu.enqueue_dma source(%dma_start3A_147 : memref<128x128xf32, #tpu.memory_space<vmem>>) target(%dma_start3A_144 : memref<128x128xf32, #tpu.memory_space<vmem_shared>>) target_semaphore(%run_scoped3A : memref<!tpu.dma_semaphore, #tpu.memory_space<semaphore_mem>>)
      %dma_wait3A = arith.constant 0 : i32
      %dma_wait3A_148 = arith.constant 0 : i32
      %dma_wait3A_149 = tpu.memref_slice %arg8[%dma_wait3A, %dma_wait3A_148] : memref<128x128xf32, #tpu.memory_space<vmem>> -> memref<128x128xf32, #tpu.memory_space<vmem>>
      %dma_wait3A_150 = arith.constant 0 : i32
      %dma_wait3A_151 = tpu.memref_slice %arg6[%add3A_5, %dma_wait3A_150] : memref<10112x128xf32, #tpu.memory_space<vmem_shared>> -> memref<128x128xf32, #tpu.memory_space<vmem_shared>>
      %dma_wait3A_152 = arith.constant 0 : i32
      %dma_wait3A_153 = tpu.memref_slice %arg6[%add3A_5, %dma_wait3A_152] : memref<10112x128xf32, #tpu.memory_space<vmem_shared>> -> memref<128x128xf32, #tpu.memory_space<vmem_shared>>
      %dma_wait3A_154 = arith.constant 0 : i32
      %dma_wait3A_155 = arith.constant 0 : i32
      %dma_wait3A_156 = tpu.memref_slice %arg8[%dma_wait3A_154, %dma_wait3A_155] : memref<128x128xf32, #tpu.memory_space<vmem>> -> memref<128x128xf32, #tpu.memory_space<vmem>>
      tpu.wait_dma2 semaphore(%run_scoped3A : memref<!tpu.dma_semaphore, #tpu.memory_space<semaphore_mem>>) src(%dma_wait3A_156 : memref<128x128xf32, #tpu.memory_space<vmem>>) dst(%dma_wait3A_153 : memref<128x128xf32, #tpu.memory_space<vmem_shared>>)
      tpu.yield
    }) : () -> ()
    %mul3A_6 = arith.constant 632 : i32
    %mul3A_7 = arith.muli %arg1, %mul3A_6 : i32
    %add3A_8 = arith.constant 256 : i32
    %add3A_9 = arith.addi %mul3A_7, %add3A_8 : i32
    "tpu.region"() ({
      %run_scoped3A = tpu.sem_alloc : memref<!tpu.dma_semaphore, #tpu.memory_space<semaphore_mem>>
      %dma_start3A_138 = arith.constant 0 : i32
      %dma_start3A_139 = arith.constant 0 : i32
      %dma_start3A_140 = tpu.memref_slice %arg8[%dma_start3A_138, %dma_start3A_139] : memref<128x128xf32, #tpu.memory_space<vmem>> -> memref<128x128xf32, #tpu.memory_space<vmem>>
      %dma_start3A_141 = arith.constant 0 : i32
      %dma_start3A_142 = tpu.memref_slice %arg6[%add3A_9, %dma_start3A_141] : memref<10112x128xf32, #tpu.memory_space<vmem_shared>> -> memref<128x128xf32, #tpu.memory_space<vmem_shared>>
      %dma_start3A_143 = arith.constant 0 : i32
      %dma_start3A_144 = tpu.memref_slice %arg6[%add3A_9, %dma_start3A_143] : memref<10112x128xf32, #tpu.memory_space<vmem_shared>> -> memref<128x128xf32, #tpu.memory_space<vmem_shared>>
      %dma_start3A_145 = arith.constant 0 : i32
      %dma_start3A_146 = arith.constant 0 : i32
      %dma_start3A_147 = tpu.memref_slice %arg8[%dma_start3A_145, %dma_start3A_146] : memref<128x128xf32, #tpu.memory_space<vmem>> -> memref<128x128xf32, #tpu.memory_space<vmem>>
      tpu.enqueue_dma source(%dma_start3A_147 : memref<128x128xf32, #tpu.memory_space<vmem>>) target(%dma_start3A_144 : memref<128x128xf32, #tpu.memory_space<vmem_shared>>) target_semaphore(%run_scoped3A : memref<!tpu.dma_semaphore, #tpu.memory_space<semaphore_mem>>)
      %dma_wait3A = arith.constant 0 : i32
      %dma_wait3A_148 = arith.constant 0 : i32
      %dma_wait3A_149 = tpu.memref_slice %arg8[%dma_wait3A, %dma_wait3A_148] : memref<128x128xf32, #tpu.memory_space<vmem>> -> memref<128x128xf32, #tpu.memory_space<vmem>>
      %dma_wait3A_150 = arith.constant 0 : i32
      %dma_wait3A_151 = tpu.memref_slice %arg6[%add3A_9, %dma_wait3A_150] : memref<10112x128xf32, #tpu.memory_space<vmem_shared>> -> memref<128x128xf32, #tpu.memory_space<vmem_shared>>
      %dma_wait3A_152 = arith.constant 0 : i32
      %dma_wait3A_153 = tpu.memref_slice %arg6[%add3A_9, %dma_wait3A_152] : memref<10112x128xf32, #tpu.memory_space<vmem_shared>> -> memref<128x128xf32, #tpu.memory_space<vmem_shared>>
      %dma_wait3A_154 = arith.constant 0 : i32
      %dma_wait3A_155 = arith.constant 0 : i32
      %dma_wait3A_156 = tpu.memref_slice %arg8[%dma_wait3A_154, %dma_wait3A_155] : memref<128x128xf32, #tpu.memory_space<vmem>> -> memref<128x128xf32, #tpu.memory_space<vmem>>
      tpu.wait_dma2 semaphore(%run_scoped3A : memref<!tpu.dma_semaphore, #tpu.memory_space<semaphore_mem>>) src(%dma_wait3A_156 : memref<128x128xf32, #tpu.memory_space<vmem>>) dst(%dma_wait3A_153 : memref<128x128xf32, #tpu.memory_space<vmem_shared>>)
      tpu.yield
    }) : () -> ()
    %mul3A_10 = arith.constant 632 : i32
    %mul3A_11 = arith.muli %arg1, %mul3A_10 : i32
    %add3A_12 = arith.constant 384 : i32
    %add3A_13 = arith.addi %mul3A_11, %add3A_12 : i32
    "tpu.region"() ({
      %run_scoped3A = tpu.sem_alloc : memref<!tpu.dma_semaphore, #tpu.memory_space<semaphore_mem>>
      %dma_start3A_138 = arith.constant 0 : i32
      %dma_start3A_139 = arith.constant 0 : i32
      %dma_start3A_140 = tpu.memref_slice %arg8[%dma_start3A_138, %dma_start3A_139] : memref<128x128xf32, #tpu.memory_space<vmem>> -> memref<128x128xf32, #tpu.memory_space<vmem>>
      %dma_start3A_141 = arith.constant 0 : i32
      %dma_start3A_142 = tpu.memref_slice %arg6[%add3A_13, %dma_start3A_141] : memref<10112x128xf32, #tpu.memory_space<vmem_shared>> -> memref<128x128xf32, #tpu.memory_space<vmem_shared>>
      %dma_start3A_143 = arith.constant 0 : i32
      %dma_start3A_144 = tpu.memref_slice %arg6[%add3A_13, %dma_start3A_143] : memref<10112x128xf32, #tpu.memory_space<vmem_shared>> -> memref<128x128xf32, #tpu.memory_space<vmem_shared>>
      %dma_start3A_145 = arith.constant 0 : i32
      %dma_start3A_146 = arith.constant 0 : i32
      %dma_start3A_147 = tpu.memref_slice %arg8[%dma_start3A_145, %dma_start3A_146] : memref<128x128xf32, #tpu.memory_space<vmem>> -> memref<128x128xf32, #tpu.memory_space<vmem>>
      tpu.enqueue_dma source(%dma_start3A_147 : memref<128x128xf32, #tpu.memory_space<vmem>>) target(%dma_start3A_144 : memref<128x128xf32, #tpu.memory_space<vmem_shared>>) target_semaphore(%run_scoped3A : memref<!tpu.dma_semaphore, #tpu.memory_space<semaphore_mem>>)
      %dma_wait3A = arith.constant 0 : i32
      %dma_wait3A_148 = arith.constant 0 : i32
      %dma_wait3A_149 = tpu.memref_slice %arg8[%dma_wait3A, %dma_wait3A_148] : memref<128x128xf32, #tpu.memory_space<vmem>> -> memref<128x128xf32, #tpu.memory_space<vmem>>
      %dma_wait3A_150 = arith.constant 0 : i32
      %dma_wait3A_151 = tpu.memref_slice %arg6[%add3A_13, %dma_wait3A_150] : memref<10112x128xf32, #tpu.memory_space<vmem_shared>> -> memref<128x128xf32, #tpu.memory_space<vmem_shared>>
      %dma_wait3A_152 = arith.constant 0 : i32
      %dma_wait3A_153 = tpu.memref_slice %arg6[%add3A_13, %dma_wait3A_152] : memref<10112x128xf32, #tpu.memory_space<vmem_shared>> -> memref<128x128xf32, #tpu.memory_space<vmem_shared>>
      %dma_wait3A_154 = arith.constant 0 : i32
      %dma_wait3A_155 = arith.constant 0 : i32
      %dma_wait3A_156 = tpu.memref_slice %arg8[%dma_wait3A_154, %dma_wait3A_155] : memref<128x128xf32, #tpu.memory_space<vmem>> -> memref<128x128xf32, #tpu.memory_space<vmem>>
      tpu.wait_dma2 semaphore(%run_scoped3A : memref<!tpu.dma_semaphore, #tpu.memory_space<semaphore_mem>>) src(%dma_wait3A_156 : memref<128x128xf32, #tpu.memory_space<vmem>>) dst(%dma_wait3A_153 : memref<128x128xf32, #tpu.memory_space<vmem_shared>>)
      tpu.yield
    }) : () -> ()
    %mul3A_14 = arith.constant 632 : i32
    %mul3A_15 = arith.muli %arg1, %mul3A_14 : i32
    %add3A_16 = arith.constant 512 : i32
    %add3A_17 = arith.addi %mul3A_15, %add3A_16 : i32
    "tpu.region"() ({
      %run_scoped3A = tpu.sem_alloc : memref<!tpu.dma_semaphore, #tpu.memory_space<semaphore_mem>>
      %dma_start3A_138 = arith.constant 0 : i32
      %dma_start3A_139 = arith.constant 0 : i32
      %dma_start3A_140 = tpu.memref_slice %arg8[%dma_start3A_138, %dma_start3A_139] : memref<128x128xf32, #tpu.memory_space<vmem>> -> memref<120x128xf32, #tpu.memory_space<vmem>>
      %dma_start3A_141 = arith.constant 0 : i32
      %dma_start3A_142 = tpu.memref_slice %arg6[%add3A_17, %dma_start3A_141] : memref<10112x128xf32, #tpu.memory_space<vmem_shared>> -> memref<120x128xf32, #tpu.memory_space<vmem_shared>>
      %dma_start3A_143 = arith.constant 0 : i32
      %dma_start3A_144 = tpu.memref_slice %arg6[%add3A_17, %dma_start3A_143] : memref<10112x128xf32, #tpu.memory_space<vmem_shared>> -> memref<120x128xf32, #tpu.memory_space<vmem_shared>>
      %dma_start3A_145 = arith.constant 0 : i32
      %dma_start3A_146 = arith.constant 0 : i32
      %dma_start3A_147 = tpu.memref_slice %arg8[%dma_start3A_145, %dma_start3A_146] : memref<128x128xf32, #tpu.memory_space<vmem>> -> memref<120x128xf32, #tpu.memory_space<vmem>>
      tpu.enqueue_dma source(%dma_start3A_147 : memref<120x128xf32, #tpu.memory_space<vmem>>) target(%dma_start3A_144 : memref<120x128xf32, #tpu.memory_space<vmem_shared>>) target_semaphore(%run_scoped3A : memref<!tpu.dma_semaphore, #tpu.memory_space<semaphore_mem>>)
      %dma_wait3A = arith.constant 0 : i32
      %dma_wait3A_148 = arith.constant 0 : i32
      %dma_wait3A_149 = tpu.memref_slice %arg8[%dma_wait3A, %dma_wait3A_148] : memref<128x128xf32, #tpu.memory_space<vmem>> -> memref<120x128xf32, #tpu.memory_space<vmem>>
      %dma_wait3A_150 = arith.constant 0 : i32
      %dma_wait3A_151 = tpu.memref_slice %arg6[%add3A_17, %dma_wait3A_150] : memref<10112x128xf32, #tpu.memory_space<vmem_shared>> -> memref<120x128xf32, #tpu.memory_space<vmem_shared>>
      %dma_wait3A_152 = arith.constant 0 : i32
      %dma_wait3A_153 = tpu.memref_slice %arg6[%add3A_17, %dma_wait3A_152] : memref<10112x128xf32, #tpu.memory_space<vmem_shared>> -> memref<120x128xf32, #tpu.memory_space<vmem_shared>>
      %dma_wait3A_154 = arith.constant 0 : i32
      %dma_wait3A_155 = arith.constant 0 : i32
      %dma_wait3A_156 = tpu.memref_slice %arg8[%dma_wait3A_154, %dma_wait3A_155] : memref<128x128xf32, #tpu.memory_space<vmem>> -> memref<120x128xf32, #tpu.memory_space<vmem>>
      tpu.wait_dma2 semaphore(%run_scoped3A : memref<!tpu.dma_semaphore, #tpu.memory_space<semaphore_mem>>) src(%dma_wait3A_156 : memref<120x128xf32, #tpu.memory_space<vmem>>) dst(%dma_wait3A_153 : memref<120x128xf32, #tpu.memory_space<vmem_shared>>)
      tpu.yield
    }) : () -> ()
    "tpu.region"() ({
      %run_scoped3A = tpu.sem_alloc : memref<!tpu.dma_semaphore, #tpu.memory_space<semaphore_mem>>
      %dma_start3A_138 = arith.constant 0 : i32
      %dma_start3A_139 = tpu.memref_slice %arg3[%arg0, %arg1, %dma_start3A_138] : memref<2x16x10240xi32, #tpu.memory_space<hbm>> -> memref<1x1x10240xi32, #tpu.memory_space<hbm>>
      %dma_start3A_140 = tpu.memref_squeeze %dma_start3A_139 : memref<1x1x10240xi32, #tpu.memory_space<hbm>> -> memref<10240xi32, #tpu.memory_space<hbm>>
      %dma_start3A_141 = arith.constant 0 : i32
      %dma_start3A_142 = tpu.memref_slice %arg3[%arg0, %arg1, %dma_start3A_141] : memref<2x16x10240xi32, #tpu.memory_space<hbm>> -> memref<1x1x10240xi32, #tpu.memory_space<hbm>>
      %dma_start3A_143 = tpu.memref_squeeze %dma_start3A_142 : memref<1x1x10240xi32, #tpu.memory_space<hbm>> -> memref<10240xi32, #tpu.memory_space<hbm>>
      tpu.enqueue_dma source(%dma_start3A_143 : memref<10240xi32, #tpu.memory_space<hbm>>) target(%arg7 : memref<10240xi32, #tpu.memory_space<vmem>>) target_semaphore(%run_scoped3A : memref<!tpu.dma_semaphore, #tpu.memory_space<semaphore_mem>>)
      %dma_wait3A = arith.constant 0 : i32
      %dma_wait3A_144 = tpu.memref_slice %arg3[%arg0, %arg1, %dma_wait3A] : memref<2x16x10240xi32, #tpu.memory_space<hbm>> -> memref<1x1x10240xi32, #tpu.memory_space<hbm>>
      %dma_wait3A_145 = tpu.memref_squeeze %dma_wait3A_144 : memref<1x1x10240xi32, #tpu.memory_space<hbm>> -> memref<10240xi32, #tpu.memory_space<hbm>>
      %dma_wait3A_146 = arith.constant 0 : i32
      %dma_wait3A_147 = tpu.memref_slice %arg3[%arg0, %arg1, %dma_wait3A_146] : memref<2x16x10240xi32, #tpu.memory_space<hbm>> -> memref<1x1x10240xi32, #tpu.memory_space<hbm>>
      %dma_wait3A_148 = tpu.memref_squeeze %dma_wait3A_147 : memref<1x1x10240xi32, #tpu.memory_space<hbm>> -> memref<10240xi32, #tpu.memory_space<hbm>>
      tpu.wait_dma2 semaphore(%run_scoped3A : memref<!tpu.dma_semaphore, #tpu.memory_space<semaphore_mem>>) src(%dma_wait3A_148 : memref<10240xi32, #tpu.memory_space<hbm>>) dst(%arg7 : memref<10240xi32, #tpu.memory_space<vmem>>)
      tpu.yield
    }) : () -> ()
    %barrier3A = arith.constant 0 : index
    tpu.barrier barrier_id(%barrier3A)
    %get3A = arith.constant 0 : index
    %get3A_18 = tpu.vector_load %arg7[%get3A] {strides = array<i32>} : memref<10240xi32, #tpu.memory_space<vmem>>, vector<16xi32>,
    %and3A = arith.constant 16383 : i32
    %and3A_19 = vector.broadcast %and3A : i32 to vector<16xi32>
    %and3A_20 = arith.andi %get3A_18, %and3A_19 : vector<16xi32>
    %swap3A = arith.constant 0 : index
    %swap3A_21 = tpu.vector_load %arg10[%swap3A] {strides = array<i32>} : memref<128xi32, #tpu.memory_space<vmem>>, vector<16xi32>,
    tpu.vector_store %arg10[%swap3A], %and3A_20 {strides = array<i32>} : memref<128xi32, #tpu.memory_space<vmem>>, vector<16xi32>,
    %shift_right_arithmetic3A = arith.constant 14 : i32
    %shift_right_arithmetic3A_22 = vector.broadcast %shift_right_arithmetic3A : i32 to vector<16xi32>
    %shift_right_arithmetic3A_23 = arith.shrsi %get3A_18, %shift_right_arithmetic3A_22 : vector<16xi32>
    %swap3A_24 = arith.constant 0 : index
    %swap3A_25 = tpu.vector_load %arg12[%swap3A_24] {strides = array<i32>} : memref<128xi32, #tpu.memory_space<vmem>>, vector<16xi32>,
    tpu.vector_store %arg12[%swap3A_24], %shift_right_arithmetic3A_23 {strides = array<i32>} : memref<128xi32, #tpu.memory_space<vmem>>, vector<16xi32>,
    %get3A_26 = arith.constant 16 : index
    %get3A_27 = tpu.vector_load %arg7[%get3A_26] {strides = array<i32>} : memref<10240xi32, #tpu.memory_space<vmem>>, vector<16xi32>,
    %and3A_28 = arith.constant 16383 : i32
    %and3A_29 = vector.broadcast %and3A_28 : i32 to vector<16xi32>
    %and3A_30 = arith.andi %get3A_27, %and3A_29 : vector<16xi32>
    %swap3A_31 = arith.constant 16 : index
    %swap3A_32 = tpu.vector_load %arg10[%swap3A_31] {strides = array<i32>} : memref<128xi32, #tpu.memory_space<vmem>>, vector<16xi32>,
    tpu.vector_store %arg10[%swap3A_31], %and3A_30 {strides = array<i32>} : memref<128xi32, #tpu.memory_space<vmem>>, vector<16xi32>,
    %shift_right_arithmetic3A_33 = arith.constant 14 : i32
    %shift_right_arithmetic3A_34 = vector.broadcast %shift_right_arithmetic3A_33 : i32 to vector<16xi32>
    %shift_right_arithmetic3A_35 = arith.shrsi %get3A_27, %shift_right_arithmetic3A_34 : vector<16xi32>
    %swap3A_36 = arith.constant 16 : index
    %swap3A_37 = tpu.vector_load %arg12[%swap3A_36] {strides = array<i32>} : memref<128xi32, #tpu.memory_space<vmem>>, vector<16xi32>,
    tpu.vector_store %arg12[%swap3A_36], %shift_right_arithmetic3A_35 {strides = array<i32>} : memref<128xi32, #tpu.memory_space<vmem>>, vector<16xi32>,
    %get3A_38 = arith.constant 32 : index
    %get3A_39 = tpu.vector_load %arg7[%get3A_38] {strides = array<i32>} : memref<10240xi32, #tpu.memory_space<vmem>>, vector<16xi32>,
    %and3A_40 = arith.constant 16383 : i32
    %and3A_41 = vector.broadcast %and3A_40 : i32 to vector<16xi32>
    %and3A_42 = arith.andi %get3A_39, %and3A_41 : vector<16xi32>
    %swap3A_43 = arith.constant 32 : index
    %swap3A_44 = tpu.vector_load %arg10[%swap3A_43] {strides = array<i32>} : memref<128xi32, #tpu.memory_space<vmem>>, vector<16xi32>,
    tpu.vector_store %arg10[%swap3A_43], %and3A_42 {strides = array<i32>} : memref<128xi32, #tpu.memory_space<vmem>>, vector<16xi32>,
    %shift_right_arithmetic3A_45 = arith.constant 14 : i32
    %shift_right_arithmetic3A_46 = vector.broadcast %shift_right_arithmetic3A_45 : i32 to vector<16xi32>
    %shift_right_arithmetic3A_47 = arith.shrsi %get3A_39, %shift_right_arithmetic3A_46 : vector<16xi32>
    %swap3A_48 = arith.constant 32 : index
    %swap3A_49 = tpu.vector_load %arg12[%swap3A_48] {strides = array<i32>} : memref<128xi32, #tpu.memory_space<vmem>>, vector<16xi32>,
    tpu.vector_store %arg12[%swap3A_48], %shift_right_arithmetic3A_47 {strides = array<i32>} : memref<128xi32, #tpu.memory_space<vmem>>, vector<16xi32>,
    %get3A_50 = arith.constant 48 : index
    %get3A_51 = tpu.vector_load %arg7[%get3A_50] {strides = array<i32>} : memref<10240xi32, #tpu.memory_space<vmem>>, vector<16xi32>,
    %and3A_52 = arith.constant 16383 : i32
    %and3A_53 = vector.broadcast %and3A_52 : i32 to vector<16xi32>
    %and3A_54 = arith.andi %get3A_51, %and3A_53 : vector<16xi32>
    %swap3A_55 = arith.constant 48 : index
    %swap3A_56 = tpu.vector_load %arg10[%swap3A_55] {strides = array<i32>} : memref<128xi32, #tpu.memory_space<vmem>>, vector<16xi32>,
    tpu.vector_store %arg10[%swap3A_55], %and3A_54 {strides = array<i32>} : memref<128xi32, #tpu.memory_space<vmem>>, vector<16xi32>,
    %shift_right_arithmetic3A_57 = arith.constant 14 : i32
    %shift_right_arithmetic3A_58 = vector.broadcast %shift_right_arithmetic3A_57 : i32 to vector<16xi32>
    %shift_right_arithmetic3A_59 = arith.shrsi %get3A_51, %shift_right_arithmetic3A_58 : vector<16xi32>
    %swap3A_60 = arith.constant 48 : index
    %swap3A_61 = tpu.vector_load %arg12[%swap3A_60] {strides = array<i32>} : memref<128xi32, #tpu.memory_space<vmem>>, vector<16xi32>,
    tpu.vector_store %arg12[%swap3A_60], %shift_right_arithmetic3A_59 {strides = array<i32>} : memref<128xi32, #tpu.memory_space<vmem>>, vector<16xi32>,
    %get3A_62 = arith.constant 64 : index
    %get3A_63 = tpu.vector_load %arg7[%get3A_62] {strides = array<i32>} : memref<10240xi32, #tpu.memory_space<vmem>>, vector<16xi32>,
    %and3A_64 = arith.constant 16383 : i32
    %and3A_65 = vector.broadcast %and3A_64 : i32 to vector<16xi32>
    %and3A_66 = arith.andi %get3A_63, %and3A_65 : vector<16xi32>
    %swap3A_67 = arith.constant 64 : index
    %swap3A_68 = tpu.vector_load %arg10[%swap3A_67] {strides = array<i32>} : memref<128xi32, #tpu.memory_space<vmem>>, vector<16xi32>,
    tpu.vector_store %arg10[%swap3A_67], %and3A_66 {strides = array<i32>} : memref<128xi32, #tpu.memory_space<vmem>>, vector<16xi32>,
    %shift_right_arithmetic3A_69 = arith.constant 14 : i32
    %shift_right_arithmetic3A_70 = vector.broadcast %shift_right_arithmetic3A_69 : i32 to vector<16xi32>
    %shift_right_arithmetic3A_71 = arith.shrsi %get3A_63, %shift_right_arithmetic3A_70 : vector<16xi32>
    %swap3A_72 = arith.constant 64 : index
    %swap3A_73 = tpu.vector_load %arg12[%swap3A_72] {strides = array<i32>} : memref<128xi32, #tpu.memory_space<vmem>>, vector<16xi32>,
    tpu.vector_store %arg12[%swap3A_72], %shift_right_arithmetic3A_71 {strides = array<i32>} : memref<128xi32, #tpu.memory_space<vmem>>, vector<16xi32>,
    %get3A_74 = arith.constant 80 : index
    %get3A_75 = tpu.vector_load %arg7[%get3A_74] {strides = array<i32>} : memref<10240xi32, #tpu.memory_space<vmem>>, vector<16xi32>,
    %and3A_76 = arith.constant 16383 : i32
    %and3A_77 = vector.broadcast %and3A_76 : i32 to vector<16xi32>
    %and3A_78 = arith.andi %get3A_75, %and3A_77 : vector<16xi32>
    %swap3A_79 = arith.constant 80 : index
    %swap3A_80 = tpu.vector_load %arg10[%swap3A_79] {strides = array<i32>} : memref<128xi32, #tpu.memory_space<vmem>>, vector<16xi32>,
    tpu.vector_store %arg10[%swap3A_79], %and3A_78 {strides = array<i32>} : memref<128xi32, #tpu.memory_space<vmem>>, vector<16xi32>,
    %shift_right_arithmetic3A_81 = arith.constant 14 : i32
    %shift_right_arithmetic3A_82 = vector.broadcast %shift_right_arithmetic3A_81 : i32 to vector<16xi32>
    %shift_right_arithmetic3A_83 = arith.shrsi %get3A_75, %shift_right_arithmetic3A_82 : vector<16xi32>
    %swap3A_84 = arith.constant 80 : index
    %swap3A_85 = tpu.vector_load %arg12[%swap3A_84] {strides = array<i32>} : memref<128xi32, #tpu.memory_space<vmem>>, vector<16xi32>,
    tpu.vector_store %arg12[%swap3A_84], %shift_right_arithmetic3A_83 {strides = array<i32>} : memref<128xi32, #tpu.memory_space<vmem>>, vector<16xi32>,
    %get3A_86 = arith.constant 96 : index
    %get3A_87 = tpu.vector_load %arg7[%get3A_86] {strides = array<i32>} : memref<10240xi32, #tpu.memory_space<vmem>>, vector<16xi32>,
    %and3A_88 = arith.constant 16383 : i32
    %and3A_89 = vector.broadcast %and3A_88 : i32 to vector<16xi32>
    %and3A_90 = arith.andi %get3A_87, %and3A_89 : vector<16xi32>
    %swap3A_91 = arith.constant 96 : index
    %swap3A_92 = tpu.vector_load %arg10[%swap3A_91] {strides = array<i32>} : memref<128xi32, #tpu.memory_space<vmem>>, vector<16xi32>,
    tpu.vector_store %arg10[%swap3A_91], %and3A_90 {strides = array<i32>} : memref<128xi32, #tpu.memory_space<vmem>>, vector<16xi32>,
    %shift_right_arithmetic3A_93 = arith.constant 14 : i32
    %shift_right_arithmetic3A_94 = vector.broadcast %shift_right_arithmetic3A_93 : i32 to vector<16xi32>
    %shift_right_arithmetic3A_95 = arith.shrsi %get3A_87, %shift_right_arithmetic3A_94 : vector<16xi32>
    %swap3A_96 = arith.constant 96 : index
    %swap3A_97 = tpu.vector_load %arg12[%swap3A_96] {strides = array<i32>} : memref<128xi32, #tpu.memory_space<vmem>>, vector<16xi32>,
    tpu.vector_store %arg12[%swap3A_96], %shift_right_arithmetic3A_95 {strides = array<i32>} : memref<128xi32, #tpu.memory_space<vmem>>, vector<16xi32>,
    %get3A_98 = arith.constant 112 : index
    %get3A_99 = tpu.vector_load %arg7[%get3A_98] {strides = array<i32>} : memref<10240xi32, #tpu.memory_space<vmem>>, vector<16xi32>,
    %and3A_100 = arith.constant 16383 : i32
    %and3A_101 = vector.broadcast %and3A_100 : i32 to vector<16xi32>
    %and3A_102 = arith.andi %get3A_99, %and3A_101 : vector<16xi32>
    %swap3A_103 = arith.constant 112 : index
    %swap3A_104 = tpu.vector_load %arg10[%swap3A_103] {strides = array<i32>} : memref<128xi32, #tpu.memory_space<vmem>>, vector<16xi32>,
    tpu.vector_store %arg10[%swap3A_103], %and3A_102 {strides = array<i32>} : memref<128xi32, #tpu.memory_space<vmem>>, vector<16xi32>,
    %shift_right_arithmetic3A_105 = arith.constant 14 : i32
    %shift_right_arithmetic3A_106 = vector.broadcast %shift_right_arithmetic3A_105 : i32 to vector<16xi32>
    %shift_right_arithmetic3A_107 = arith.shrsi %get3A_99, %shift_right_arithmetic3A_106 : vector<16xi32>
    %swap3A_108 = arith.constant 112 : index
    %swap3A_109 = tpu.vector_load %arg12[%swap3A_108] {strides = array<i32>} : memref<128xi32, #tpu.memory_space<vmem>>, vector<16xi32>,
    tpu.vector_store %arg12[%swap3A_108], %shift_right_arithmetic3A_107 {strides = array<i32>} : memref<128xi32, #tpu.memory_space<vmem>>, vector<16xi32>,
    %dma_start3A = arith.constant 0 : i32
    %dma_start3A_110 = arith.constant 0 : i32
    %dma_start3A_111 = tpu.memref_slice %arg2[%dma_start3A, %dma_start3A_110] : memref<10000x128xf32, #tpu.memory_space<hbm>> -> memref<10000x128xf32, #tpu.memory_space<hbm>>
    tpu.enqueue_indirect_dma source(%dma_start3A_111 : memref<10000x128xf32, #tpu.memory_space<hbm>>) target(%arg8 : memref<128x128xf32, #tpu.memory_space<vmem>>) offsets(%arg10 : memref<128xi32, #tpu.memory_space<vmem>>) semaphore(%arg14 : memref<!tpu.dma_semaphore, #tpu.memory_space<semaphore_mem>>)
    %scan3A = arith.constant 0 : i32
    %scan3A_112 = arith.constant 0 : i32
    %scan3A_113 = arith.constant 40 : i32
    %scan3A_114 = arith.addi %scan3A_112, %scan3A_113 : i32
    %scan3A_115 = arith.constant 1 : i32
    scf.for %scan3A_138 = %scan3A_112 to %scan3A_114 step %scan3A_115  : i32 {
      %mul3A_139 = arith.constant 2 : i32
      %mul3A_140 = arith.muli %mul3A_139, %scan3A_138 : i32
      %add3A_141 = arith.constant 1 : i32
      %add3A_142 = arith.addi %mul3A_140, %add3A_141 : i32
      %mul3A_143 = arith.constant 128 : i32
      %mul3A_144 = arith.muli %add3A_142, %mul3A_143 : i32
      %add3A_145 = arith.constant 0 : i32
      %add3A_146 = arith.addi %mul3A_144, %add3A_145 : i32
      %get3A_147 = arith.index_cast %add3A_146 : i32 to index
      %get3A_148 = tpu.vector_load %arg7[%get3A_147] {strides = array<i32>} : memref<10240xi32, #tpu.memory_space<vmem>>, vector<16xi32>,
      %and3A_149 = arith.constant 16383 : i32
      %and3A_150 = vector.broadcast %and3A_149 : i32 to vector<16xi32>
      %and3A_151 = arith.andi %get3A_148, %and3A_150 : vector<16xi32>
      %swap3A_152 = arith.constant 0 : index
      %swap3A_153 = tpu.vector_load %arg11[%swap3A_152] {strides = array<i32>} : memref<128xi32, #tpu.memory_space<vmem>>, vector<16xi32>,
      tpu.vector_store %arg11[%swap3A_152], %and3A_151 {strides = array<i32>} : memref<128xi32, #tpu.memory_space<vmem>>, vector<16xi32>,
      %shift_right_arithmetic3A_154 = arith.constant 14 : i32
      %shift_right_arithmetic3A_155 = vector.broadcast %shift_right_arithmetic3A_154 : i32 to vector<16xi32>
      %shift_right_arithmetic3A_156 = arith.shrsi %get3A_148, %shift_right_arithmetic3A_155 : vector<16xi32>
      %swap3A_157 = arith.constant 0 : index
      %swap3A_158 = tpu.vector_load %arg13[%swap3A_157] {strides = array<i32>} : memref<128xi32, #tpu.memory_space<vmem>>, vector<16xi32>,
      tpu.vector_store %arg13[%swap3A_157], %shift_right_arithmetic3A_156 {strides = array<i32>} : memref<128xi32, #tpu.memory_space<vmem>>, vector<16xi32>,
      %mul3A_159 = arith.constant 128 : i32
      %mul3A_160 = arith.muli %add3A_142, %mul3A_159 : i32
      %add3A_161 = arith.constant 16 : i32
      %add3A_162 = arith.addi %mul3A_160, %add3A_161 : i32
      %get3A_163 = arith.index_cast %add3A_162 : i32 to index
      %get3A_164 = tpu.vector_load %arg7[%get3A_163] {strides = array<i32>} : memref<10240xi32, #tpu.memory_space<vmem>>, vector<16xi32>,
      %and3A_165 = arith.constant 16383 : i32
      %and3A_166 = vector.broadcast %and3A_165 : i32 to vector<16xi32>
      %and3A_167 = arith.andi %get3A_164, %and3A_166 : vector<16xi32>
      %swap3A_168 = arith.constant 16 : index
      %swap3A_169 = tpu.vector_load %arg11[%swap3A_168] {strides = array<i32>} : memref<128xi32, #tpu.memory_space<vmem>>, vector<16xi32>,
      tpu.vector_store %arg11[%swap3A_168], %and3A_167 {strides = array<i32>} : memref<128xi32, #tpu.memory_space<vmem>>, vector<16xi32>,
      %shift_right_arithmetic3A_170 = arith.constant 14 : i32
      %shift_right_arithmetic3A_171 = vector.broadcast %shift_right_arithmetic3A_170 : i32 to vector<16xi32>
      %shift_right_arithmetic3A_172 = arith.shrsi %get3A_164, %shift_right_arithmetic3A_171 : vector<16xi32>
      %swap3A_173 = arith.constant 16 : index
      %swap3A_174 = tpu.vector_load %arg13[%swap3A_173] {strides = array<i32>} : memref<128xi32, #tpu.memory_space<vmem>>, vector<16xi32>,
      tpu.vector_store %arg13[%swap3A_173], %shift_right_arithmetic3A_172 {strides = array<i32>} : memref<128xi32, #tpu.memory_space<vmem>>, vector<16xi32>,
      %mul3A_175 = arith.constant 128 : i32
      %mul3A_176 = arith.muli %add3A_142, %mul3A_175 : i32
      %add3A_177 = arith.constant 32 : i32
      %add3A_178 = arith.addi %mul3A_176, %add3A_177 : i32
      %get3A_179 = arith.index_cast %add3A_178 : i32 to index
      %get3A_180 = tpu.vector_load %arg7[%get3A_179] {strides = array<i32>} : memref<10240xi32, #tpu.memory_space<vmem>>, vector<16xi32>,
      %and3A_181 = arith.constant 16383 : i32
      %and3A_182 = vector.broadcast %and3A_181 : i32 to vector<16xi32>
      %and3A_183 = arith.andi %get3A_180, %and3A_182 : vector<16xi32>
      %swap3A_184 = arith.constant 32 : index
      %swap3A_185 = tpu.vector_load %arg11[%swap3A_184] {strides = array<i32>} : memref<128xi32, #tpu.memory_space<vmem>>, vector<16xi32>,
      tpu.vector_store %arg11[%swap3A_184], %and3A_183 {strides = array<i32>} : memref<128xi32, #tpu.memory_space<vmem>>, vector<16xi32>,
      %shift_right_arithmetic3A_186 = arith.constant 14 : i32
      %shift_right_arithmetic3A_187 = vector.broadcast %shift_right_arithmetic3A_186 : i32 to vector<16xi32>
      %shift_right_arithmetic3A_188 = arith.shrsi %get3A_180, %shift_right_arithmetic3A_187 : vector<16xi32>
      %swap3A_189 = arith.constant 32 : index
      %swap3A_190 = tpu.vector_load %arg13[%swap3A_189] {strides = array<i32>} : memref<128xi32, #tpu.memory_space<vmem>>, vector<16xi32>,
      tpu.vector_store %arg13[%swap3A_189], %shift_right_arithmetic3A_188 {strides = array<i32>} : memref<128xi32, #tpu.memory_space<vmem>>, vector<16xi32>,
      %mul3A_191 = arith.constant 128 : i32
      %mul3A_192 = arith.muli %add3A_142, %mul3A_191 : i32
      %add3A_193 = arith.constant 48 : i32
      %add3A_194 = arith.addi %mul3A_192, %add3A_193 : i32
      %get3A_195 = arith.index_cast %add3A_194 : i32 to index
      %get3A_196 = tpu.vector_load %arg7[%get3A_195] {strides = array<i32>} : memref<10240xi32, #tpu.memory_space<vmem>>, vector<16xi32>,
      %and3A_197 = arith.constant 16383 : i32
      %and3A_198 = vector.broadcast %and3A_197 : i32 to vector<16xi32>
      %and3A_199 = arith.andi %get3A_196, %and3A_198 : vector<16xi32>
      %swap3A_200 = arith.constant 48 : index
      %swap3A_201 = tpu.vector_load %arg11[%swap3A_200] {strides = array<i32>} : memref<128xi32, #tpu.memory_space<vmem>>, vector<16xi32>,
      tpu.vector_store %arg11[%swap3A_200], %and3A_199 {strides = array<i32>} : memref<128xi32, #tpu.memory_space<vmem>>, vector<16xi32>,
      %shift_right_arithmetic3A_202 = arith.constant 14 : i32
      %shift_right_arithmetic3A_203 = vector.broadcast %shift_right_arithmetic3A_202 : i32 to vector<16xi32>
      %shift_right_arithmetic3A_204 = arith.shrsi %get3A_196, %shift_right_arithmetic3A_203 : vector<16xi32>
      %swap3A_205 = arith.constant 48 : index
      %swap3A_206 = tpu.vector_load %arg13[%swap3A_205] {strides = array<i32>} : memref<128xi32, #tpu.memory_space<vmem>>, vector<16xi32>,
      tpu.vector_store %arg13[%swap3A_205], %shift_right_arithmetic3A_204 {strides = array<i32>} : memref<128xi32, #tpu.memory_space<vmem>>, vector<16xi32>,
      %mul3A_207 = arith.constant 128 : i32
      %mul3A_208 = arith.muli %add3A_142, %mul3A_207 : i32
      %add3A_209 = arith.constant 64 : i32
      %add3A_210 = arith.addi %mul3A_208, %add3A_209 : i32
      %get3A_211 = arith.index_cast %add3A_210 : i32 to index
      %get3A_212 = tpu.vector_load %arg7[%get3A_211] {strides = array<i32>} : memref<10240xi32, #tpu.memory_space<vmem>>, vector<16xi32>,
      %and3A_213 = arith.constant 16383 : i32
      %and3A_214 = vector.broadcast %and3A_213 : i32 to vector<16xi32>
      %and3A_215 = arith.andi %get3A_212, %and3A_214 : vector<16xi32>
      %swap3A_216 = arith.constant 64 : index
      %swap3A_217 = tpu.vector_load %arg11[%swap3A_216] {strides = array<i32>} : memref<128xi32, #tpu.memory_space<vmem>>, vector<16xi32>,
      tpu.vector_store %arg11[%swap3A_216], %and3A_215 {strides = array<i32>} : memref<128xi32, #tpu.memory_space<vmem>>, vector<16xi32>,
      %shift_right_arithmetic3A_218 = arith.constant 14 : i32
      %shift_right_arithmetic3A_219 = vector.broadcast %shift_right_arithmetic3A_218 : i32 to vector<16xi32>
      %shift_right_arithmetic3A_220 = arith.shrsi %get3A_212, %shift_right_arithmetic3A_219 : vector<16xi32>
      %swap3A_221 = arith.constant 64 : index
      %swap3A_222 = tpu.vector_load %arg13[%swap3A_221] {strides = array<i32>} : memref<128xi32, #tpu.memory_space<vmem>>, vector<16xi32>,
      tpu.vector_store %arg13[%swap3A_221], %shift_right_arithmetic3A_220 {strides = array<i32>} : memref<128xi32, #tpu.memory_space<vmem>>, vector<16xi32>,
      %mul3A_223 = arith.constant 128 : i32
      %mul3A_224 = arith.muli %add3A_142, %mul3A_223 : i32
      %add3A_225 = arith.constant 80 : i32
      %add3A_226 = arith.addi %mul3A_224, %add3A_225 : i32
      %get3A_227 = arith.index_cast %add3A_226 : i32 to index
      %get3A_228 = tpu.vector_load %arg7[%get3A_227] {strides = array<i32>} : memref<10240xi32, #tpu.memory_space<vmem>>, vector<16xi32>,
      %and3A_229 = arith.constant 16383 : i32
      %and3A_230 = vector.broadcast %and3A_229 : i32 to vector<16xi32>
      %and3A_231 = arith.andi %get3A_228, %and3A_230 : vector<16xi32>
      %swap3A_232 = arith.constant 80 : index
      %swap3A_233 = tpu.vector_load %arg11[%swap3A_232] {strides = array<i32>} : memref<128xi32, #tpu.memory_space<vmem>>, vector<16xi32>,
      tpu.vector_store %arg11[%swap3A_232], %and3A_231 {strides = array<i32>} : memref<128xi32, #tpu.memory_space<vmem>>, vector<16xi32>,
      %shift_right_arithmetic3A_234 = arith.constant 14 : i32
      %shift_right_arithmetic3A_235 = vector.broadcast %shift_right_arithmetic3A_234 : i32 to vector<16xi32>
      %shift_right_arithmetic3A_236 = arith.shrsi %get3A_228, %shift_right_arithmetic3A_235 : vector<16xi32>
      %swap3A_237 = arith.constant 80 : index
      %swap3A_238 = tpu.vector_load %arg13[%swap3A_237] {strides = array<i32>} : memref<128xi32, #tpu.memory_space<vmem>>, vector<16xi32>,
      tpu.vector_store %arg13[%swap3A_237], %shift_right_arithmetic3A_236 {strides = array<i32>} : memref<128xi32, #tpu.memory_space<vmem>>, vector<16xi32>,
      %mul3A_239 = arith.constant 128 : i32
      %mul3A_240 = arith.muli %add3A_142, %mul3A_239 : i32
      %add3A_241 = arith.constant 96 : i32
      %add3A_242 = arith.addi %mul3A_240, %add3A_241 : i32
      %get3A_243 = arith.index_cast %add3A_242 : i32 to index
      %get3A_244 = tpu.vector_load %arg7[%get3A_243] {strides = array<i32>} : memref<10240xi32, #tpu.memory_space<vmem>>, vector<16xi32>,
      %and3A_245 = arith.constant 16383 : i32
      %and3A_246 = vector.broadcast %and3A_245 : i32 to vector<16xi32>
      %and3A_247 = arith.andi %get3A_244, %and3A_246 : vector<16xi32>
      %swap3A_248 = arith.constant 96 : index
      %swap3A_249 = tpu.vector_load %arg11[%swap3A_248] {strides = array<i32>} : memref<128xi32, #tpu.memory_space<vmem>>, vector<16xi32>,
      tpu.vector_store %arg11[%swap3A_248], %and3A_247 {strides = array<i32>} : memref<128xi32, #tpu.memory_space<vmem>>, vector<16xi32>,
      %shift_right_arithmetic3A_250 = arith.constant 14 : i32
      %shift_right_arithmetic3A_251 = vector.broadcast %shift_right_arithmetic3A_250 : i32 to vector<16xi32>
      %shift_right_arithmetic3A_252 = arith.shrsi %get3A_244, %shift_right_arithmetic3A_251 : vector<16xi32>
      %swap3A_253 = arith.constant 96 : index
      %swap3A_254 = tpu.vector_load %arg13[%swap3A_253] {strides = array<i32>} : memref<128xi32, #tpu.memory_space<vmem>>, vector<16xi32>,
      tpu.vector_store %arg13[%swap3A_253], %shift_right_arithmetic3A_252 {strides = array<i32>} : memref<128xi32, #tpu.memory_space<vmem>>, vector<16xi32>,
      %mul3A_255 = arith.constant 128 : i32
      %mul3A_256 = arith.muli %add3A_142, %mul3A_255 : i32
      %add3A_257 = arith.constant 112 : i32
      %add3A_258 = arith.addi %mul3A_256, %add3A_257 : i32
      %get3A_259 = arith.index_cast %add3A_258 : i32 to index
      %get3A_260 = tpu.vector_load %arg7[%get3A_259] {strides = array<i32>} : memref<10240xi32, #tpu.memory_space<vmem>>, vector<16xi32>,
      %and3A_261 = arith.constant 16383 : i32
      %and3A_262 = vector.broadcast %and3A_261 : i32 to vector<16xi32>
      %and3A_263 = arith.andi %get3A_260, %and3A_262 : vector<16xi32>
      %swap3A_264 = arith.constant 112 : index
      %swap3A_265 = tpu.vector_load %arg11[%swap3A_264] {strides = array<i32>} : memref<128xi32, #tpu.memory_space<vmem>>, vector<16xi32>,
      tpu.vector_store %arg11[%swap3A_264], %and3A_263 {strides = array<i32>} : memref<128xi32, #tpu.memory_space<vmem>>, vector<16xi32>,
      %shift_right_arithmetic3A_266 = arith.constant 14 : i32
      %shift_right_arithmetic3A_267 = vector.broadcast %shift_right_arithmetic3A_266 : i32 to vector<16xi32>
      %shift_right_arithmetic3A_268 = arith.shrsi %get3A_260, %shift_right_arithmetic3A_267 : vector<16xi32>
      %swap3A_269 = arith.constant 112 : index
      %swap3A_270 = tpu.vector_load %arg13[%swap3A_269] {strides = array<i32>} : memref<128xi32, #tpu.memory_space<vmem>>, vector<16xi32>,
      tpu.vector_store %arg13[%swap3A_269], %shift_right_arithmetic3A_268 {strides = array<i32>} : memref<128xi32, #tpu.memory_space<vmem>>, vector<16xi32>,
      %add3A_271 = arith.constant 1 : i32
      %add3A_272 = arith.addi %mul3A_140, %add3A_271 : i32
      %dma_start3A_273 = arith.constant 0 : i32
      %dma_start3A_274 = arith.constant 0 : i32
      %dma_start3A_275 = tpu.memref_slice %arg2[%dma_start3A_273, %dma_start3A_274] : memref<10000x128xf32, #tpu.memory_space<hbm>> -> memref<10000x128xf32, #tpu.memory_space<hbm>>
      tpu.enqueue_indirect_dma source(%dma_start3A_275 : memref<10000x128xf32, #tpu.memory_space<hbm>>) target(%arg9 : memref<128x128xf32, #tpu.memory_space<vmem>>) offsets(%arg11 : memref<128xi32, #tpu.memory_space<vmem>>) semaphore(%arg15 : memref<!tpu.dma_semaphore, #tpu.memory_space<semaphore_mem>>)
      %dma_wait3A = arith.constant 0 : i32
      %dma_wait3A_276 = arith.constant 0 : i32
      %dma_wait3A_277 = tpu.memref_slice %arg2[%dma_wait3A, %dma_wait3A_276] : memref<10000x128xf32, #tpu.memory_space<hbm>> -> memref<10000x128xf32, #tpu.memory_space<hbm>>
      tpu.wait_indirect_dma semaphore(%arg14 : memref<!tpu.dma_semaphore, #tpu.memory_space<semaphore_mem>>) src(%dma_wait3A_277 : memref<10000x128xf32, #tpu.memory_space<hbm>>) dst(%arg8 : memref<128x128xf32, #tpu.memory_space<vmem>>)
      "tpu.region"() ({
        %run_scoped3A = tpu.sem_alloc : memref<!tpu.dma_semaphore, #tpu.memory_space<semaphore_mem>>
        %dma_start3A_285 = arith.constant 0 : i32
        %dma_start3A_286 = arith.constant 0 : i32
        %dma_start3A_287 = tpu.memref_slice %arg6[%dma_start3A_285, %dma_start3A_286] : memref<10112x128xf32, #tpu.memory_space<vmem_shared>> -> memref<10112x128xf32, #tpu.memory_space<vmem_shared>>
        tpu.enqueue_indirect_dma source(%arg8 : memref<128x128xf32, #tpu.memory_space<vmem>>) target(%dma_start3A_287 : memref<10112x128xf32, #tpu.memory_space<vmem_shared>>) offsets(%arg12 : memref<128xi32, #tpu.memory_space<vmem>>) semaphore(%run_scoped3A : memref<!tpu.dma_semaphore, #tpu.memory_space<semaphore_mem>>) {add = true}
        %dma_wait3A_288 = arith.constant 0 : i32
        %dma_wait3A_289 = arith.constant 0 : i32
        %dma_wait3A_290 = tpu.memref_slice %arg6[%dma_wait3A_288, %dma_wait3A_289] : memref<10112x128xf32, #tpu.memory_space<vmem_shared>> -> memref<10112x128xf32, #tpu.memory_space<vmem_shared>>
        tpu.wait_indirect_dma semaphore(%run_scoped3A : memref<!tpu.dma_semaphore, #tpu.memory_space<semaphore_mem>>) src(%arg8 : memref<128x128xf32, #tpu.memory_space<vmem>>) dst(%dma_wait3A_290 : memref<10112x128xf32, #tpu.memory_space<vmem_shared>>)
        tpu.yield
      }) : () -> ()
      %add3A_278 = arith.constant 1 : i32
      %add3A_279 = arith.addi %scan3A_138, %add3A_278 : i32
      %lt3A = arith.constant 40 : i32
      %lt3A_280 = arith.cmpi slt, %add3A_279, %lt3A : i32
      %convert_element_type3A = arith.extui %lt3A_280 : i1 to i32
      %cond3A = arith.constant 0 : i32
      %cond3A_281 = arith.cmpi ne, %convert_element_type3A, %cond3A : i32
      scf.if %cond3A_281 {
        %add3A_285 = arith.constant 2 : i32
        %add3A_286 = arith.addi %mul3A_140, %add3A_285 : i32
        %mul3A_287 = arith.constant 128 : i32
        %mul3A_288 = arith.muli %add3A_286, %mul3A_287 : i32
        %add3A_289 = arith.constant 0 : i32
        %add3A_290 = arith.addi %mul3A_288, %add3A_289 : i32
        %get3A_291 = arith.index_cast %add3A_290 : i32 to index
        %get3A_292 = tpu.vector_load %arg7[%get3A_291] {strides = array<i32>} : memref<10240xi32, #tpu.memory_space<vmem>>, vector<16xi32>,
        %and3A_293 = arith.constant 16383 : i32
        %and3A_294 = vector.broadcast %and3A_293 : i32 to vector<16xi32>
        %and3A_295 = arith.andi %get3A_292, %and3A_294 : vector<16xi32>
        %swap3A_296 = arith.constant 0 : index
        %swap3A_297 = tpu.vector_load %arg10[%swap3A_296] {strides = array<i32>} : memref<128xi32, #tpu.memory_space<vmem>>, vector<16xi32>,
        tpu.vector_store %arg10[%swap3A_296], %and3A_295 {strides = array<i32>} : memref<128xi32, #tpu.memory_space<vmem>>, vector<16xi32>,
        %shift_right_arithmetic3A_298 = arith.constant 14 : i32
        %shift_right_arithmetic3A_299 = vector.broadcast %shift_right_arithmetic3A_298 : i32 to vector<16xi32>
        %shift_right_arithmetic3A_300 = arith.shrsi %get3A_292, %shift_right_arithmetic3A_299 : vector<16xi32>
        %swap3A_301 = arith.constant 0 : index
        %swap3A_302 = tpu.vector_load %arg12[%swap3A_301] {strides = array<i32>} : memref<128xi32, #tpu.memory_space<vmem>>, vector<16xi32>,
        tpu.vector_store %arg12[%swap3A_301], %shift_right_arithmetic3A_300 {strides = array<i32>} : memref<128xi32, #tpu.memory_space<vmem>>, vector<16xi32>,
        %mul3A_303 = arith.constant 128 : i32
        %mul3A_304 = arith.muli %add3A_286, %mul3A_303 : i32
        %add3A_305 = arith.constant 16 : i32
        %add3A_306 = arith.addi %mul3A_304, %add3A_305 : i32
        %get3A_307 = arith.index_cast %add3A_306 : i32 to index
        %get3A_308 = tpu.vector_load %arg7[%get3A_307] {strides = array<i32>} : memref<10240xi32, #tpu.memory_space<vmem>>, vector<16xi32>,
        %and3A_309 = arith.constant 16383 : i32
        %and3A_310 = vector.broadcast %and3A_309 : i32 to vector<16xi32>
        %and3A_311 = arith.andi %get3A_308, %and3A_310 : vector<16xi32>
        %swap3A_312 = arith.constant 16 : index
        %swap3A_313 = tpu.vector_load %arg10[%swap3A_312] {strides = array<i32>} : memref<128xi32, #tpu.memory_space<vmem>>, vector<16xi32>,
        tpu.vector_store %arg10[%swap3A_312], %and3A_311 {strides = array<i32>} : memref<128xi32, #tpu.memory_space<vmem>>, vector<16xi32>,
        %shift_right_arithmetic3A_314 = arith.constant 14 : i32
        %shift_right_arithmetic3A_315 = vector.broadcast %shift_right_arithmetic3A_314 : i32 to vector<16xi32>
        %shift_right_arithmetic3A_316 = arith.shrsi %get3A_308, %shift_right_arithmetic3A_315 : vector<16xi32>
        %swap3A_317 = arith.constant 16 : index
        %swap3A_318 = tpu.vector_load %arg12[%swap3A_317] {strides = array<i32>} : memref<128xi32, #tpu.memory_space<vmem>>, vector<16xi32>,
        tpu.vector_store %arg12[%swap3A_317], %shift_right_arithmetic3A_316 {strides = array<i32>} : memref<128xi32, #tpu.memory_space<vmem>>, vector<16xi32>,
        %mul3A_319 = arith.constant 128 : i32
        %mul3A_320 = arith.muli %add3A_286, %mul3A_319 : i32
        %add3A_321 = arith.constant 32 : i32
        %add3A_322 = arith.addi %mul3A_320, %add3A_321 : i32
        %get3A_323 = arith.index_cast %add3A_322 : i32 to index
        %get3A_324 = tpu.vector_load %arg7[%get3A_323] {strides = array<i32>} : memref<10240xi32, #tpu.memory_space<vmem>>, vector<16xi32>,
        %and3A_325 = arith.constant 16383 : i32
        %and3A_326 = vector.broadcast %and3A_325 : i32 to vector<16xi32>
        %and3A_327 = arith.andi %get3A_324, %and3A_326 : vector<16xi32>
        %swap3A_328 = arith.constant 32 : index
        %swap3A_329 = tpu.vector_load %arg10[%swap3A_328] {strides = array<i32>} : memref<128xi32, #tpu.memory_space<vmem>>, vector<16xi32>,
        tpu.vector_store %arg10[%swap3A_328], %and3A_327 {strides = array<i32>} : memref<128xi32, #tpu.memory_space<vmem>>, vector<16xi32>,
        %shift_right_arithmetic3A_330 = arith.constant 14 : i32
        %shift_right_arithmetic3A_331 = vector.broadcast %shift_right_arithmetic3A_330 : i32 to vector<16xi32>
        %shift_right_arithmetic3A_332 = arith.shrsi %get3A_324, %shift_right_arithmetic3A_331 : vector<16xi32>
        %swap3A_333 = arith.constant 32 : index
        %swap3A_334 = tpu.vector_load %arg12[%swap3A_333] {strides = array<i32>} : memref<128xi32, #tpu.memory_space<vmem>>, vector<16xi32>,
        tpu.vector_store %arg12[%swap3A_333], %shift_right_arithmetic3A_332 {strides = array<i32>} : memref<128xi32, #tpu.memory_space<vmem>>, vector<16xi32>,
        %mul3A_335 = arith.constant 128 : i32
        %mul3A_336 = arith.muli %add3A_286, %mul3A_335 : i32
        %add3A_337 = arith.constant 48 : i32
        %add3A_338 = arith.addi %mul3A_336, %add3A_337 : i32
        %get3A_339 = arith.index_cast %add3A_338 : i32 to index
        %get3A_340 = tpu.vector_load %arg7[%get3A_339] {strides = array<i32>} : memref<10240xi32, #tpu.memory_space<vmem>>, vector<16xi32>,
        %and3A_341 = arith.constant 16383 : i32
        %and3A_342 = vector.broadcast %and3A_341 : i32 to vector<16xi32>
        %and3A_343 = arith.andi %get3A_340, %and3A_342 : vector<16xi32>
        %swap3A_344 = arith.constant 48 : index
        %swap3A_345 = tpu.vector_load %arg10[%swap3A_344] {strides = array<i32>} : memref<128xi32, #tpu.memory_space<vmem>>, vector<16xi32>,
        tpu.vector_store %arg10[%swap3A_344], %and3A_343 {strides = array<i32>} : memref<128xi32, #tpu.memory_space<vmem>>, vector<16xi32>,
        %shift_right_arithmetic3A_346 = arith.constant 14 : i32
        %shift_right_arithmetic3A_347 = vector.broadcast %shift_right_arithmetic3A_346 : i32 to vector<16xi32>
        %shift_right_arithmetic3A_348 = arith.shrsi %get3A_340, %shift_right_arithmetic3A_347 : vector<16xi32>
        %swap3A_349 = arith.constant 48 : index
        %swap3A_350 = tpu.vector_load %arg12[%swap3A_349] {strides = array<i32>} : memref<128xi32, #tpu.memory_space<vmem>>, vector<16xi32>,
        tpu.vector_store %arg12[%swap3A_349], %shift_right_arithmetic3A_348 {strides = array<i32>} : memref<128xi32, #tpu.memory_space<vmem>>, vector<16xi32>,
        %mul3A_351 = arith.constant 128 : i32
        %mul3A_352 = arith.muli %add3A_286, %mul3A_351 : i32
        %add3A_353 = arith.constant 64 : i32
        %add3A_354 = arith.addi %mul3A_352, %add3A_353 : i32
        %get3A_355 = arith.index_cast %add3A_354 : i32 to index
        %get3A_356 = tpu.vector_load %arg7[%get3A_355] {strides = array<i32>} : memref<10240xi32, #tpu.memory_space<vmem>>, vector<16xi32>,
        %and3A_357 = arith.constant 16383 : i32
        %and3A_358 = vector.broadcast %and3A_357 : i32 to vector<16xi32>
        %and3A_359 = arith.andi %get3A_356, %and3A_358 : vector<16xi32>
        %swap3A_360 = arith.constant 64 : index
        %swap3A_361 = tpu.vector_load %arg10[%swap3A_360] {strides = array<i32>} : memref<128xi32, #tpu.memory_space<vmem>>, vector<16xi32>,
        tpu.vector_store %arg10[%swap3A_360], %and3A_359 {strides = array<i32>} : memref<128xi32, #tpu.memory_space<vmem>>, vector<16xi32>,
        %shift_right_arithmetic3A_362 = arith.constant 14 : i32
        %shift_right_arithmetic3A_363 = vector.broadcast %shift_right_arithmetic3A_362 : i32 to vector<16xi32>
        %shift_right_arithmetic3A_364 = arith.shrsi %get3A_356, %shift_right_arithmetic3A_363 : vector<16xi32>
        %swap3A_365 = arith.constant 64 : index
        %swap3A_366 = tpu.vector_load %arg12[%swap3A_365] {strides = array<i32>} : memref<128xi32, #tpu.memory_space<vmem>>, vector<16xi32>,
        tpu.vector_store %arg12[%swap3A_365], %shift_right_arithmetic3A_364 {strides = array<i32>} : memref<128xi32, #tpu.memory_space<vmem>>, vector<16xi32>,
        %mul3A_367 = arith.constant 128 : i32
        %mul3A_368 = arith.muli %add3A_286, %mul3A_367 : i32
        %add3A_369 = arith.constant 80 : i32
        %add3A_370 = arith.addi %mul3A_368, %add3A_369 : i32
        %get3A_371 = arith.index_cast %add3A_370 : i32 to index
        %get3A_372 = tpu.vector_load %arg7[%get3A_371] {strides = array<i32>} : memref<10240xi32, #tpu.memory_space<vmem>>, vector<16xi32>,
        %and3A_373 = arith.constant 16383 : i32
        %and3A_374 = vector.broadcast %and3A_373 : i32 to vector<16xi32>
        %and3A_375 = arith.andi %get3A_372, %and3A_374 : vector<16xi32>
        %swap3A_376 = arith.constant 80 : index
        %swap3A_377 = tpu.vector_load %arg10[%swap3A_376] {strides = array<i32>} : memref<128xi32, #tpu.memory_space<vmem>>, vector<16xi32>,
        tpu.vector_store %arg10[%swap3A_376], %and3A_375 {strides = array<i32>} : memref<128xi32, #tpu.memory_space<vmem>>, vector<16xi32>,
        %shift_right_arithmetic3A_378 = arith.constant 14 : i32
        %shift_right_arithmetic3A_379 = vector.broadcast %shift_right_arithmetic3A_378 : i32 to vector<16xi32>
        %shift_right_arithmetic3A_380 = arith.shrsi %get3A_372, %shift_right_arithmetic3A_379 : vector<16xi32>
        %swap3A_381 = arith.constant 80 : index
        %swap3A_382 = tpu.vector_load %arg12[%swap3A_381] {strides = array<i32>} : memref<128xi32, #tpu.memory_space<vmem>>, vector<16xi32>,
        tpu.vector_store %arg12[%swap3A_381], %shift_right_arithmetic3A_380 {strides = array<i32>} : memref<128xi32, #tpu.memory_space<vmem>>, vector<16xi32>,
        %mul3A_383 = arith.constant 128 : i32
        %mul3A_384 = arith.muli %add3A_286, %mul3A_383 : i32
        %add3A_385 = arith.constant 96 : i32
        %add3A_386 = arith.addi %mul3A_384, %add3A_385 : i32
        %get3A_387 = arith.index_cast %add3A_386 : i32 to index
        %get3A_388 = tpu.vector_load %arg7[%get3A_387] {strides = array<i32>} : memref<10240xi32, #tpu.memory_space<vmem>>, vector<16xi32>,
        %and3A_389 = arith.constant 16383 : i32
        %and3A_390 = vector.broadcast %and3A_389 : i32 to vector<16xi32>
        %and3A_391 = arith.andi %get3A_388, %and3A_390 : vector<16xi32>
        %swap3A_392 = arith.constant 96 : index
        %swap3A_393 = tpu.vector_load %arg10[%swap3A_392] {strides = array<i32>} : memref<128xi32, #tpu.memory_space<vmem>>, vector<16xi32>,
        tpu.vector_store %arg10[%swap3A_392], %and3A_391 {strides = array<i32>} : memref<128xi32, #tpu.memory_space<vmem>>, vector<16xi32>,
        %shift_right_arithmetic3A_394 = arith.constant 14 : i32
        %shift_right_arithmetic3A_395 = vector.broadcast %shift_right_arithmetic3A_394 : i32 to vector<16xi32>
        %shift_right_arithmetic3A_396 = arith.shrsi %get3A_388, %shift_right_arithmetic3A_395 : vector<16xi32>
        %swap3A_397 = arith.constant 96 : index
        %swap3A_398 = tpu.vector_load %arg12[%swap3A_397] {strides = array<i32>} : memref<128xi32, #tpu.memory_space<vmem>>, vector<16xi32>,
        tpu.vector_store %arg12[%swap3A_397], %shift_right_arithmetic3A_396 {strides = array<i32>} : memref<128xi32, #tpu.memory_space<vmem>>, vector<16xi32>,
        %mul3A_399 = arith.constant 128 : i32
        %mul3A_400 = arith.muli %add3A_286, %mul3A_399 : i32
        %add3A_401 = arith.constant 112 : i32
        %add3A_402 = arith.addi %mul3A_400, %add3A_401 : i32
        %get3A_403 = arith.index_cast %add3A_402 : i32 to index
        %get3A_404 = tpu.vector_load %arg7[%get3A_403] {strides = array<i32>} : memref<10240xi32, #tpu.memory_space<vmem>>, vector<16xi32>,
        %and3A_405 = arith.constant 16383 : i32
        %and3A_406 = vector.broadcast %and3A_405 : i32 to vector<16xi32>
        %and3A_407 = arith.andi %get3A_404, %and3A_406 : vector<16xi32>
        %swap3A_408 = arith.constant 112 : index
        %swap3A_409 = tpu.vector_load %arg10[%swap3A_408] {strides = array<i32>} : memref<128xi32, #tpu.memory_space<vmem>>, vector<16xi32>,
        tpu.vector_store %arg10[%swap3A_408], %and3A_407 {strides = array<i32>} : memref<128xi32, #tpu.memory_space<vmem>>, vector<16xi32>,
        %shift_right_arithmetic3A_410 = arith.constant 14 : i32
        %shift_right_arithmetic3A_411 = vector.broadcast %shift_right_arithmetic3A_410 : i32 to vector<16xi32>
        %shift_right_arithmetic3A_412 = arith.shrsi %get3A_404, %shift_right_arithmetic3A_411 : vector<16xi32>
        %swap3A_413 = arith.constant 112 : index
        %swap3A_414 = tpu.vector_load %arg12[%swap3A_413] {strides = array<i32>} : memref<128xi32, #tpu.memory_space<vmem>>, vector<16xi32>,
        tpu.vector_store %arg12[%swap3A_413], %shift_right_arithmetic3A_412 {strides = array<i32>} : memref<128xi32, #tpu.memory_space<vmem>>, vector<16xi32>,
        %add3A_415 = arith.constant 2 : i32
        %add3A_416 = arith.addi %mul3A_140, %add3A_415 : i32
        %dma_start3A_417 = arith.constant 0 : i32
        %dma_start3A_418 = arith.constant 0 : i32
        %dma_start3A_419 = tpu.memref_slice %arg2[%dma_start3A_417, %dma_start3A_418] : memref<10000x128xf32, #tpu.memory_space<hbm>> -> memref<10000x128xf32, #tpu.memory_space<hbm>>
        tpu.enqueue_indirect_dma source(%dma_start3A_419 : memref<10000x128xf32, #tpu.memory_space<hbm>>) target(%arg8 : memref<128x128xf32, #tpu.memory_space<vmem>>) offsets(%arg10 : memref<128xi32, #tpu.memory_space<vmem>>) semaphore(%arg14 : memref<!tpu.dma_semaphore, #tpu.memory_space<semaphore_mem>>)
      } else {
      }
      %dma_wait3A_282 = arith.constant 0 : i32
      %dma_wait3A_283 = arith.constant 0 : i32
      %dma_wait3A_284 = tpu.memref_slice %arg2[%dma_wait3A_282, %dma_wait3A_283] : memref<10000x128xf32, #tpu.memory_space<hbm>> -> memref<10000x128xf32, #tpu.memory_space<hbm>>
      tpu.wait_indirect_dma semaphore(%arg15 : memref<!tpu.dma_semaphore, #tpu.memory_space<semaphore_mem>>) src(%dma_wait3A_284 : memref<10000x128xf32, #tpu.memory_space<hbm>>) dst(%arg9 : memref<128x128xf32, #tpu.memory_space<vmem>>)
      "tpu.region"() ({
        %run_scoped3A = tpu.sem_alloc : memref<!tpu.dma_semaphore, #tpu.memory_space<semaphore_mem>>
        %dma_start3A_285 = arith.constant 0 : i32
        %dma_start3A_286 = arith.constant 0 : i32
        %dma_start3A_287 = tpu.memref_slice %arg6[%dma_start3A_285, %dma_start3A_286] : memref<10112x128xf32, #tpu.memory_space<vmem_shared>> -> memref<10112x128xf32, #tpu.memory_space<vmem_shared>>
        tpu.enqueue_indirect_dma source(%arg9 : memref<128x128xf32, #tpu.memory_space<vmem>>) target(%dma_start3A_287 : memref<10112x128xf32, #tpu.memory_space<vmem_shared>>) offsets(%arg13 : memref<128xi32, #tpu.memory_space<vmem>>) semaphore(%run_scoped3A : memref<!tpu.dma_semaphore, #tpu.memory_space<semaphore_mem>>) {add = true}
        %dma_wait3A_288 = arith.constant 0 : i32
        %dma_wait3A_289 = arith.constant 0 : i32
        %dma_wait3A_290 = tpu.memref_slice %arg6[%dma_wait3A_288, %dma_wait3A_289] : memref<10112x128xf32, #tpu.memory_space<vmem_shared>> -> memref<10112x128xf32, #tpu.memory_space<vmem_shared>>
        tpu.wait_indirect_dma semaphore(%run_scoped3A : memref<!tpu.dma_semaphore, #tpu.memory_space<semaphore_mem>>) src(%arg9 : memref<128x128xf32, #tpu.memory_space<vmem>>) dst(%dma_wait3A_290 : memref<10112x128xf32, #tpu.memory_space<vmem_shared>>)
        tpu.yield
      }) : () -> ()
    }
    %scan3A_116 = arith.constant 40 : i32
    %barrier3A_117 = arith.constant 0 : index
    tpu.barrier barrier_id(%barrier3A_117)
    %mul3A_118 = arith.constant 632 : i32
    %mul3A_119 = arith.muli %arg1, %mul3A_118 : i32
    %add3A_120 = arith.constant 0 : i32
    %add3A_121 = arith.addi %mul3A_119, %add3A_120 : i32
    "tpu.region"() ({
      %run_scoped3A = tpu.sem_alloc : memref<!tpu.dma_semaphore, #tpu.memory_space<semaphore_mem>>
      %dma_start3A_138 = arith.constant 0 : i32
      %dma_start3A_139 = arith.constant 0 : i32
      %dma_start3A_140 = tpu.memref_slice %arg8[%dma_start3A_138, %dma_start3A_139] : memref<128x128xf32, #tpu.memory_space<vmem>> -> memref<128x128xf32, #tpu.memory_space<vmem>>
      %dma_start3A_141 = arith.constant 0 : i32
      %dma_start3A_142 = tpu.memref_slice %arg6[%add3A_121, %dma_start3A_141] : memref<10112x128xf32, #tpu.memory_space<vmem_shared>> -> memref<128x128xf32, #tpu.memory_space<vmem_shared>>
      %dma_start3A_143 = arith.constant 0 : i32
      %dma_start3A_144 = arith.constant 0 : i32
      %dma_start3A_145 = tpu.memref_slice %arg8[%dma_start3A_143, %dma_start3A_144] : memref<128x128xf32, #tpu.memory_space<vmem>> -> memref<128x128xf32, #tpu.memory_space<vmem>>
      %dma_start3A_146 = arith.constant 0 : i32
      %dma_start3A_147 = tpu.memref_slice %arg6[%add3A_121, %dma_start3A_146] : memref<10112x128xf32, #tpu.memory_space<vmem_shared>> -> memref<128x128xf32, #tpu.memory_space<vmem_shared>>
      tpu.enqueue_dma source(%dma_start3A_147 : memref<128x128xf32, #tpu.memory_space<vmem_shared>>) target(%dma_start3A_145 : memref<128x128xf32, #tpu.memory_space<vmem>>) target_semaphore(%run_scoped3A : memref<!tpu.dma_semaphore, #tpu.memory_space<semaphore_mem>>)
      %dma_wait3A = arith.constant 0 : i32
      %dma_wait3A_148 = arith.constant 0 : i32
      %dma_wait3A_149 = tpu.memref_slice %arg8[%dma_wait3A, %dma_wait3A_148] : memref<128x128xf32, #tpu.memory_space<vmem>> -> memref<128x128xf32, #tpu.memory_space<vmem>>
      %dma_wait3A_150 = arith.constant 0 : i32
      %dma_wait3A_151 = tpu.memref_slice %arg6[%add3A_121, %dma_wait3A_150] : memref<10112x128xf32, #tpu.memory_space<vmem_shared>> -> memref<128x128xf32, #tpu.memory_space<vmem_shared>>
      %dma_wait3A_152 = arith.constant 0 : i32
      %dma_wait3A_153 = arith.constant 0 : i32
      %dma_wait3A_154 = tpu.memref_slice %arg8[%dma_wait3A_152, %dma_wait3A_153] : memref<128x128xf32, #tpu.memory_space<vmem>> -> memref<128x128xf32, #tpu.memory_space<vmem>>
      %dma_wait3A_155 = arith.constant 0 : i32
      %dma_wait3A_156 = tpu.memref_slice %arg6[%add3A_121, %dma_wait3A_155] : memref<10112x128xf32, #tpu.memory_space<vmem_shared>> -> memref<128x128xf32, #tpu.memory_space<vmem_shared>>
      tpu.wait_dma2 semaphore(%run_scoped3A : memref<!tpu.dma_semaphore, #tpu.memory_space<semaphore_mem>>) src(%dma_wait3A_156 : memref<128x128xf32, #tpu.memory_space<vmem_shared>>) dst(%dma_wait3A_154 : memref<128x128xf32, #tpu.memory_space<vmem>>)
      tpu.yield
    }) : () -> ()
    "tpu.region"() ({
      %run_scoped3A = tpu.sem_alloc : memref<!tpu.dma_semaphore, #tpu.memory_space<semaphore_mem>>
      %dma_start3A_138 = arith.constant 0 : i32
      %dma_start3A_139 = arith.constant 0 : i32
      %dma_start3A_140 = tpu.memref_slice %arg8[%dma_start3A_138, %dma_start3A_139] : memref<128x128xf32, #tpu.memory_space<vmem>> -> memref<128x128xf32, #tpu.memory_space<vmem>>
      %dma_start3A_141 = arith.constant 0 : i32
      %dma_start3A_142 = tpu.memref_slice %arg5[%arg0, %add3A_121, %dma_start3A_141] : memref<2x10112x128xf32, #tpu.memory_space<hbm>> -> memref<1x128x128xf32, #tpu.memory_space<hbm>>
      %dma_start3A_143 = tpu.memref_squeeze %dma_start3A_142 : memref<1x128x128xf32, #tpu.memory_space<hbm>> -> memref<128x128xf32, #tpu.memory_space<hbm>>
      %dma_start3A_144 = arith.constant 0 : i32
      %dma_start3A_145 = tpu.memref_slice %arg5[%arg0, %add3A_121, %dma_start3A_144] : memref<2x10112x128xf32, #tpu.memory_space<hbm>> -> memref<1x128x128xf32, #tpu.memory_space<hbm>>
      %dma_start3A_146 = tpu.memref_squeeze %dma_start3A_145 : memref<1x128x128xf32, #tpu.memory_space<hbm>> -> memref<128x128xf32, #tpu.memory_space<hbm>>
      %dma_start3A_147 = arith.constant 0 : i32
      %dma_start3A_148 = arith.constant 0 : i32
      %dma_start3A_149 = tpu.memref_slice %arg8[%dma_start3A_147, %dma_start3A_148] : memref<128x128xf32, #tpu.memory_space<vmem>> -> memref<128x128xf32, #tpu.memory_space<vmem>>
      tpu.enqueue_dma source(%dma_start3A_149 : memref<128x128xf32, #tpu.memory_space<vmem>>) target(%dma_start3A_146 : memref<128x128xf32, #tpu.memory_space<hbm>>) target_semaphore(%run_scoped3A : memref<!tpu.dma_semaphore, #tpu.memory_space<semaphore_mem>>)
      %dma_wait3A = arith.constant 0 : i32
      %dma_wait3A_150 = arith.constant 0 : i32
      %dma_wait3A_151 = tpu.memref_slice %arg8[%dma_wait3A, %dma_wait3A_150] : memref<128x128xf32, #tpu.memory_space<vmem>> -> memref<128x128xf32, #tpu.memory_space<vmem>>
      %dma_wait3A_152 = arith.constant 0 : i32
      %dma_wait3A_153 = tpu.memref_slice %arg5[%arg0, %add3A_121, %dma_wait3A_152] : memref<2x10112x128xf32, #tpu.memory_space<hbm>> -> memref<1x128x128xf32, #tpu.memory_space<hbm>>
      %dma_wait3A_154 = tpu.memref_squeeze %dma_wait3A_153 : memref<1x128x128xf32, #tpu.memory_space<hbm>> -> memref<128x128xf32, #tpu.memory_space<hbm>>
      %dma_wait3A_155 = arith.constant 0 : i32
      %dma_wait3A_156 = tpu.memref_slice %arg5[%arg0, %add3A_121, %dma_wait3A_155] : memref<2x10112x128xf32, #tpu.memory_space<hbm>> -> memref<1x128x128xf32, #tpu.memory_space<hbm>>
      %dma_wait3A_157 = tpu.memref_squeeze %dma_wait3A_156 : memref<1x128x128xf32, #tpu.memory_space<hbm>> -> memref<128x128xf32, #tpu.memory_space<hbm>>
      %dma_wait3A_158 = arith.constant 0 : i32
      %dma_wait3A_159 = arith.constant 0 : i32
      %dma_wait3A_160 = tpu.memref_slice %arg8[%dma_wait3A_158, %dma_wait3A_159] : memref<128x128xf32, #tpu.memory_space<vmem>> -> memref<128x128xf32, #tpu.memory_space<vmem>>
      tpu.wait_dma2 semaphore(%run_scoped3A : memref<!tpu.dma_semaphore, #tpu.memory_space<semaphore_mem>>) src(%dma_wait3A_160 : memref<128x128xf32, #tpu.memory_space<vmem>>) dst(%dma_wait3A_157 : memref<128x128xf32, #tpu.memory_space<hbm>>)
      tpu.yield
    }) : () -> ()
    %mul3A_122 = arith.constant 632 : i32
    %mul3A_123 = arith.muli %arg1, %mul3A_122 : i32
    %add3A_124 = arith.constant 128 : i32
    %add3A_125 = arith.addi %mul3A_123, %add3A_124 : i32
    "tpu.region"() ({
      %run_scoped3A = tpu.sem_alloc : memref<!tpu.dma_semaphore, #tpu.memory_space<semaphore_mem>>
      %dma_start3A_138 = arith.constant 0 : i32
      %dma_start3A_139 = arith.constant 0 : i32
      %dma_start3A_140 = tpu.memref_slice %arg8[%dma_start3A_138, %dma_start3A_139] : memref<128x128xf32, #tpu.memory_space<vmem>> -> memref<128x128xf32, #tpu.memory_space<vmem>>
      %dma_start3A_141 = arith.constant 0 : i32
      %dma_start3A_142 = tpu.memref_slice %arg6[%add3A_125, %dma_start3A_141] : memref<10112x128xf32, #tpu.memory_space<vmem_shared>> -> memref<128x128xf32, #tpu.memory_space<vmem_shared>>
      %dma_start3A_143 = arith.constant 0 : i32
      %dma_start3A_144 = arith.constant 0 : i32
      %dma_start3A_145 = tpu.memref_slice %arg8[%dma_start3A_143, %dma_start3A_144] : memref<128x128xf32, #tpu.memory_space<vmem>> -> memref<128x128xf32, #tpu.memory_space<vmem>>
      %dma_start3A_146 = arith.constant 0 : i32
      %dma_start3A_147 = tpu.memref_slice %arg6[%add3A_125, %dma_start3A_146] : memref<10112x128xf32, #tpu.memory_space<vmem_shared>> -> memref<128x128xf32, #tpu.memory_space<vmem_shared>>
      tpu.enqueue_dma source(%dma_start3A_147 : memref<128x128xf32, #tpu.memory_space<vmem_shared>>) target(%dma_start3A_145 : memref<128x128xf32, #tpu.memory_space<vmem>>) target_semaphore(%run_scoped3A : memref<!tpu.dma_semaphore, #tpu.memory_space<semaphore_mem>>)
      %dma_wait3A = arith.constant 0 : i32
      %dma_wait3A_148 = arith.constant 0 : i32
      %dma_wait3A_149 = tpu.memref_slice %arg8[%dma_wait3A, %dma_wait3A_148] : memref<128x128xf32, #tpu.memory_space<vmem>> -> memref<128x128xf32, #tpu.memory_space<vmem>>
      %dma_wait3A_150 = arith.constant 0 : i32
      %dma_wait3A_151 = tpu.memref_slice %arg6[%add3A_125, %dma_wait3A_150] : memref<10112x128xf32, #tpu.memory_space<vmem_shared>> -> memref<128x128xf32, #tpu.memory_space<vmem_shared>>
      %dma_wait3A_152 = arith.constant 0 : i32
      %dma_wait3A_153 = arith.constant 0 : i32
      %dma_wait3A_154 = tpu.memref_slice %arg8[%dma_wait3A_152, %dma_wait3A_153] : memref<128x128xf32, #tpu.memory_space<vmem>> -> memref<128x128xf32, #tpu.memory_space<vmem>>
      %dma_wait3A_155 = arith.constant 0 : i32
      %dma_wait3A_156 = tpu.memref_slice %arg6[%add3A_125, %dma_wait3A_155] : memref<10112x128xf32, #tpu.memory_space<vmem_shared>> -> memref<128x128xf32, #tpu.memory_space<vmem_shared>>
      tpu.wait_dma2 semaphore(%run_scoped3A : memref<!tpu.dma_semaphore, #tpu.memory_space<semaphore_mem>>) src(%dma_wait3A_156 : memref<128x128xf32, #tpu.memory_space<vmem_shared>>) dst(%dma_wait3A_154 : memref<128x128xf32, #tpu.memory_space<vmem>>)
      tpu.yield
    }) : () -> ()
    "tpu.region"() ({
      %run_scoped3A = tpu.sem_alloc : memref<!tpu.dma_semaphore, #tpu.memory_space<semaphore_mem>>
      %dma_start3A_138 = arith.constant 0 : i32
      %dma_start3A_139 = arith.constant 0 : i32
      %dma_start3A_140 = tpu.memref_slice %arg8[%dma_start3A_138, %dma_start3A_139] : memref<128x128xf32, #tpu.memory_space<vmem>> -> memref<128x128xf32, #tpu.memory_space<vmem>>
      %dma_start3A_141 = arith.constant 0 : i32
      %dma_start3A_142 = tpu.memref_slice %arg5[%arg0, %add3A_125, %dma_start3A_141] : memref<2x10112x128xf32, #tpu.memory_space<hbm>> -> memref<1x128x128xf32, #tpu.memory_space<hbm>>
      %dma_start3A_143 = tpu.memref_squeeze %dma_start3A_142 : memref<1x128x128xf32, #tpu.memory_space<hbm>> -> memref<128x128xf32, #tpu.memory_space<hbm>>
      %dma_start3A_144 = arith.constant 0 : i32
      %dma_start3A_145 = tpu.memref_slice %arg5[%arg0, %add3A_125, %dma_start3A_144] : memref<2x10112x128xf32, #tpu.memory_space<hbm>> -> memref<1x128x128xf32, #tpu.memory_space<hbm>>
      %dma_start3A_146 = tpu.memref_squeeze %dma_start3A_145 : memref<1x128x128xf32, #tpu.memory_space<hbm>> -> memref<128x128xf32, #tpu.memory_space<hbm>>
      %dma_start3A_147 = arith.constant 0 : i32
      %dma_start3A_148 = arith.constant 0 : i32
      %dma_start3A_149 = tpu.memref_slice %arg8[%dma_start3A_147, %dma_start3A_148] : memref<128x128xf32, #tpu.memory_space<vmem>> -> memref<128x128xf32, #tpu.memory_space<vmem>>
      tpu.enqueue_dma source(%dma_start3A_149 : memref<128x128xf32, #tpu.memory_space<vmem>>) target(%dma_start3A_146 : memref<128x128xf32, #tpu.memory_space<hbm>>) target_semaphore(%run_scoped3A : memref<!tpu.dma_semaphore, #tpu.memory_space<semaphore_mem>>)
      %dma_wait3A = arith.constant 0 : i32
      %dma_wait3A_150 = arith.constant 0 : i32
      %dma_wait3A_151 = tpu.memref_slice %arg8[%dma_wait3A, %dma_wait3A_150] : memref<128x128xf32, #tpu.memory_space<vmem>> -> memref<128x128xf32, #tpu.memory_space<vmem>>
      %dma_wait3A_152 = arith.constant 0 : i32
      %dma_wait3A_153 = tpu.memref_slice %arg5[%arg0, %add3A_125, %dma_wait3A_152] : memref<2x10112x128xf32, #tpu.memory_space<hbm>> -> memref<1x128x128xf32, #tpu.memory_space<hbm>>
      %dma_wait3A_154 = tpu.memref_squeeze %dma_wait3A_153 : memref<1x128x128xf32, #tpu.memory_space<hbm>> -> memref<128x128xf32, #tpu.memory_space<hbm>>
      %dma_wait3A_155 = arith.constant 0 : i32
      %dma_wait3A_156 = tpu.memref_slice %arg5[%arg0, %add3A_125, %dma_wait3A_155] : memref<2x10112x128xf32, #tpu.memory_space<hbm>> -> memref<1x128x128xf32, #tpu.memory_space<hbm>>
      %dma_wait3A_157 = tpu.memref_squeeze %dma_wait3A_156 : memref<1x128x128xf32, #tpu.memory_space<hbm>> -> memref<128x128xf32, #tpu.memory_space<hbm>>
      %dma_wait3A_158 = arith.constant 0 : i32
      %dma_wait3A_159 = arith.constant 0 : i32
      %dma_wait3A_160 = tpu.memref_slice %arg8[%dma_wait3A_158, %dma_wait3A_159] : memref<128x128xf32, #tpu.memory_space<vmem>> -> memref<128x128xf32, #tpu.memory_space<vmem>>
      tpu.wait_dma2 semaphore(%run_scoped3A : memref<!tpu.dma_semaphore, #tpu.memory_space<semaphore_mem>>) src(%dma_wait3A_160 : memref<128x128xf32, #tpu.memory_space<vmem>>) dst(%dma_wait3A_157 : memref<128x128xf32, #tpu.memory_space<hbm>>)
      tpu.yield
    }) : () -> ()
    %mul3A_126 = arith.constant 632 : i32
    %mul3A_127 = arith.muli %arg1, %mul3A_126 : i32
    %add3A_128 = arith.constant 256 : i32
    %add3A_129 = arith.addi %mul3A_127, %add3A_128 : i32
    "tpu.region"() ({
      %run_scoped3A = tpu.sem_alloc : memref<!tpu.dma_semaphore, #tpu.memory_space<semaphore_mem>>
      %dma_start3A_138 = arith.constant 0 : i32
      %dma_start3A_139 = arith.constant 0 : i32
      %dma_start3A_140 = tpu.memref_slice %arg8[%dma_start3A_138, %dma_start3A_139] : memref<128x128xf32, #tpu.memory_space<vmem>> -> memref<128x128xf32, #tpu.memory_space<vmem>>
      %dma_start3A_141 = arith.constant 0 : i32
      %dma_start3A_142 = tpu.memref_slice %arg6[%add3A_129, %dma_start3A_141] : memref<10112x128xf32, #tpu.memory_space<vmem_shared>> -> memref<128x128xf32, #tpu.memory_space<vmem_shared>>
      %dma_start3A_143 = arith.constant 0 : i32
      %dma_start3A_144 = arith.constant 0 : i32
      %dma_start3A_145 = tpu.memref_slice %arg8[%dma_start3A_143, %dma_start3A_144] : memref<128x128xf32, #tpu.memory_space<vmem>> -> memref<128x128xf32, #tpu.memory_space<vmem>>
      %dma_start3A_146 = arith.constant 0 : i32
      %dma_start3A_147 = tpu.memref_slice %arg6[%add3A_129, %dma_start3A_146] : memref<10112x128xf32, #tpu.memory_space<vmem_shared>> -> memref<128x128xf32, #tpu.memory_space<vmem_shared>>
      tpu.enqueue_dma source(%dma_start3A_147 : memref<128x128xf32, #tpu.memory_space<vmem_shared>>) target(%dma_start3A_145 : memref<128x128xf32, #tpu.memory_space<vmem>>) target_semaphore(%run_scoped3A : memref<!tpu.dma_semaphore, #tpu.memory_space<semaphore_mem>>)
      %dma_wait3A = arith.constant 0 : i32
      %dma_wait3A_148 = arith.constant 0 : i32
      %dma_wait3A_149 = tpu.memref_slice %arg8[%dma_wait3A, %dma_wait3A_148] : memref<128x128xf32, #tpu.memory_space<vmem>> -> memref<128x128xf32, #tpu.memory_space<vmem>>
      %dma_wait3A_150 = arith.constant 0 : i32
      %dma_wait3A_151 = tpu.memref_slice %arg6[%add3A_129, %dma_wait3A_150] : memref<10112x128xf32, #tpu.memory_space<vmem_shared>> -> memref<128x128xf32, #tpu.memory_space<vmem_shared>>
      %dma_wait3A_152 = arith.constant 0 : i32
      %dma_wait3A_153 = arith.constant 0 : i32
      %dma_wait3A_154 = tpu.memref_slice %arg8[%dma_wait3A_152, %dma_wait3A_153] : memref<128x128xf32, #tpu.memory_space<vmem>> -> memref<128x128xf32, #tpu.memory_space<vmem>>
      %dma_wait3A_155 = arith.constant 0 : i32
      %dma_wait3A_156 = tpu.memref_slice %arg6[%add3A_129, %dma_wait3A_155] : memref<10112x128xf32, #tpu.memory_space<vmem_shared>> -> memref<128x128xf32, #tpu.memory_space<vmem_shared>>
      tpu.wait_dma2 semaphore(%run_scoped3A : memref<!tpu.dma_semaphore, #tpu.memory_space<semaphore_mem>>) src(%dma_wait3A_156 : memref<128x128xf32, #tpu.memory_space<vmem_shared>>) dst(%dma_wait3A_154 : memref<128x128xf32, #tpu.memory_space<vmem>>)
      tpu.yield
    }) : () -> ()
    "tpu.region"() ({
      %run_scoped3A = tpu.sem_alloc : memref<!tpu.dma_semaphore, #tpu.memory_space<semaphore_mem>>
      %dma_start3A_138 = arith.constant 0 : i32
      %dma_start3A_139 = arith.constant 0 : i32
      %dma_start3A_140 = tpu.memref_slice %arg8[%dma_start3A_138, %dma_start3A_139] : memref<128x128xf32, #tpu.memory_space<vmem>> -> memref<128x128xf32, #tpu.memory_space<vmem>>
      %dma_start3A_141 = arith.constant 0 : i32
      %dma_start3A_142 = tpu.memref_slice %arg5[%arg0, %add3A_129, %dma_start3A_141] : memref<2x10112x128xf32, #tpu.memory_space<hbm>> -> memref<1x128x128xf32, #tpu.memory_space<hbm>>
      %dma_start3A_143 = tpu.memref_squeeze %dma_start3A_142 : memref<1x128x128xf32, #tpu.memory_space<hbm>> -> memref<128x128xf32, #tpu.memory_space<hbm>>
      %dma_start3A_144 = arith.constant 0 : i32
      %dma_start3A_145 = tpu.memref_slice %arg5[%arg0, %add3A_129, %dma_start3A_144] : memref<2x10112x128xf32, #tpu.memory_space<hbm>> -> memref<1x128x128xf32, #tpu.memory_space<hbm>>
      %dma_start3A_146 = tpu.memref_squeeze %dma_start3A_145 : memref<1x128x128xf32, #tpu.memory_space<hbm>> -> memref<128x128xf32, #tpu.memory_space<hbm>>
      %dma_start3A_147 = arith.constant 0 : i32
      %dma_start3A_148 = arith.constant 0 : i32
      %dma_start3A_149 = tpu.memref_slice %arg8[%dma_start3A_147, %dma_start3A_148] : memref<128x128xf32, #tpu.memory_space<vmem>> -> memref<128x128xf32, #tpu.memory_space<vmem>>
      tpu.enqueue_dma source(%dma_start3A_149 : memref<128x128xf32, #tpu.memory_space<vmem>>) target(%dma_start3A_146 : memref<128x128xf32, #tpu.memory_space<hbm>>) target_semaphore(%run_scoped3A : memref<!tpu.dma_semaphore, #tpu.memory_space<semaphore_mem>>)
      %dma_wait3A = arith.constant 0 : i32
      %dma_wait3A_150 = arith.constant 0 : i32
      %dma_wait3A_151 = tpu.memref_slice %arg8[%dma_wait3A, %dma_wait3A_150] : memref<128x128xf32, #tpu.memory_space<vmem>> -> memref<128x128xf32, #tpu.memory_space<vmem>>
      %dma_wait3A_152 = arith.constant 0 : i32
      %dma_wait3A_153 = tpu.memref_slice %arg5[%arg0, %add3A_129, %dma_wait3A_152] : memref<2x10112x128xf32, #tpu.memory_space<hbm>> -> memref<1x128x128xf32, #tpu.memory_space<hbm>>
      %dma_wait3A_154 = tpu.memref_squeeze %dma_wait3A_153 : memref<1x128x128xf32, #tpu.memory_space<hbm>> -> memref<128x128xf32, #tpu.memory_space<hbm>>
      %dma_wait3A_155 = arith.constant 0 : i32
      %dma_wait3A_156 = tpu.memref_slice %arg5[%arg0, %add3A_129, %dma_wait3A_155] : memref<2x10112x128xf32, #tpu.memory_space<hbm>> -> memref<1x128x128xf32, #tpu.memory_space<hbm>>
      %dma_wait3A_157 = tpu.memref_squeeze %dma_wait3A_156 : memref<1x128x128xf32, #tpu.memory_space<hbm>> -> memref<128x128xf32, #tpu.memory_space<hbm>>
      %dma_wait3A_158 = arith.constant 0 : i32
      %dma_wait3A_159 = arith.constant 0 : i32
      %dma_wait3A_160 = tpu.memref_slice %arg8[%dma_wait3A_158, %dma_wait3A_159] : memref<128x128xf32, #tpu.memory_space<vmem>> -> memref<128x128xf32, #tpu.memory_space<vmem>>
      tpu.wait_dma2 semaphore(%run_scoped3A : memref<!tpu.dma_semaphore, #tpu.memory_space<semaphore_mem>>) src(%dma_wait3A_160 : memref<128x128xf32, #tpu.memory_space<vmem>>) dst(%dma_wait3A_157 : memref<128x128xf32, #tpu.memory_space<hbm>>)
      tpu.yield
    }) : () -> ()
    %mul3A_130 = arith.constant 632 : i32
    %mul3A_131 = arith.muli %arg1, %mul3A_130 : i32
    %add3A_132 = arith.constant 384 : i32
    %add3A_133 = arith.addi %mul3A_131, %add3A_132 : i32
    "tpu.region"() ({
      %run_scoped3A = tpu.sem_alloc : memref<!tpu.dma_semaphore, #tpu.memory_space<semaphore_mem>>
      %dma_start3A_138 = arith.constant 0 : i32
      %dma_start3A_139 = arith.constant 0 : i32
      %dma_start3A_140 = tpu.memref_slice %arg8[%dma_start3A_138, %dma_start3A_139] : memref<128x128xf32, #tpu.memory_space<vmem>> -> memref<128x128xf32, #tpu.memory_space<vmem>>
      %dma_start3A_141 = arith.constant 0 : i32
      %dma_start3A_142 = tpu.memref_slice %arg6[%add3A_133, %dma_start3A_141] : memref<10112x128xf32, #tpu.memory_space<vmem_shared>> -> memref<128x128xf32, #tpu.memory_space<vmem_shared>>
      %dma_start3A_143 = arith.constant 0 : i32
      %dma_start3A_144 = arith.constant 0 : i32
      %dma_start3A_145 = tpu.memref_slice %arg8[%dma_start3A_143, %dma_start3A_144] : memref<128x128xf32, #tpu.memory_space<vmem>> -> memref<128x128xf32, #tpu.memory_space<vmem>>
      %dma_start3A_146 = arith.constant 0 : i32
      %dma_start3A_147 = tpu.memref_slice %arg6[%add3A_133, %dma_start3A_146] : memref<10112x128xf32, #tpu.memory_space<vmem_shared>> -> memref<128x128xf32, #tpu.memory_space<vmem_shared>>
      tpu.enqueue_dma source(%dma_start3A_147 : memref<128x128xf32, #tpu.memory_space<vmem_shared>>) target(%dma_start3A_145 : memref<128x128xf32, #tpu.memory_space<vmem>>) target_semaphore(%run_scoped3A : memref<!tpu.dma_semaphore, #tpu.memory_space<semaphore_mem>>)
      %dma_wait3A = arith.constant 0 : i32
      %dma_wait3A_148 = arith.constant 0 : i32
      %dma_wait3A_149 = tpu.memref_slice %arg8[%dma_wait3A, %dma_wait3A_148] : memref<128x128xf32, #tpu.memory_space<vmem>> -> memref<128x128xf32, #tpu.memory_space<vmem>>
      %dma_wait3A_150 = arith.constant 0 : i32
      %dma_wait3A_151 = tpu.memref_slice %arg6[%add3A_133, %dma_wait3A_150] : memref<10112x128xf32, #tpu.memory_space<vmem_shared>> -> memref<128x128xf32, #tpu.memory_space<vmem_shared>>
      %dma_wait3A_152 = arith.constant 0 : i32
      %dma_wait3A_153 = arith.constant 0 : i32
      %dma_wait3A_154 = tpu.memref_slice %arg8[%dma_wait3A_152, %dma_wait3A_153] : memref<128x128xf32, #tpu.memory_space<vmem>> -> memref<128x128xf32, #tpu.memory_space<vmem>>
      %dma_wait3A_155 = arith.constant 0 : i32
      %dma_wait3A_156 = tpu.memref_slice %arg6[%add3A_133, %dma_wait3A_155] : memref<10112x128xf32, #tpu.memory_space<vmem_shared>> -> memref<128x128xf32, #tpu.memory_space<vmem_shared>>
      tpu.wait_dma2 semaphore(%run_scoped3A : memref<!tpu.dma_semaphore, #tpu.memory_space<semaphore_mem>>) src(%dma_wait3A_156 : memref<128x128xf32, #tpu.memory_space<vmem_shared>>) dst(%dma_wait3A_154 : memref<128x128xf32, #tpu.memory_space<vmem>>)
      tpu.yield
    }) : () -> ()
    "tpu.region"() ({
      %run_scoped3A = tpu.sem_alloc : memref<!tpu.dma_semaphore, #tpu.memory_space<semaphore_mem>>
      %dma_start3A_138 = arith.constant 0 : i32
      %dma_start3A_139 = arith.constant 0 : i32
      %dma_start3A_140 = tpu.memref_slice %arg8[%dma_start3A_138, %dma_start3A_139] : memref<128x128xf32, #tpu.memory_space<vmem>> -> memref<128x128xf32, #tpu.memory_space<vmem>>
      %dma_start3A_141 = arith.constant 0 : i32
      %dma_start3A_142 = tpu.memref_slice %arg5[%arg0, %add3A_133, %dma_start3A_141] : memref<2x10112x128xf32, #tpu.memory_space<hbm>> -> memref<1x128x128xf32, #tpu.memory_space<hbm>>
      %dma_start3A_143 = tpu.memref_squeeze %dma_start3A_142 : memref<1x128x128xf32, #tpu.memory_space<hbm>> -> memref<128x128xf32, #tpu.memory_space<hbm>>
      %dma_start3A_144 = arith.constant 0 : i32
      %dma_start3A_145 = tpu.memref_slice %arg5[%arg0, %add3A_133, %dma_start3A_144] : memref<2x10112x128xf32, #tpu.memory_space<hbm>> -> memref<1x128x128xf32, #tpu.memory_space<hbm>>
      %dma_start3A_146 = tpu.memref_squeeze %dma_start3A_145 : memref<1x128x128xf32, #tpu.memory_space<hbm>> -> memref<128x128xf32, #tpu.memory_space<hbm>>
      %dma_start3A_147 = arith.constant 0 : i32
      %dma_start3A_148 = arith.constant 0 : i32
      %dma_start3A_149 = tpu.memref_slice %arg8[%dma_start3A_147, %dma_start3A_148] : memref<128x128xf32, #tpu.memory_space<vmem>> -> memref<128x128xf32, #tpu.memory_space<vmem>>
      tpu.enqueue_dma source(%dma_start3A_149 : memref<128x128xf32, #tpu.memory_space<vmem>>) target(%dma_start3A_146 : memref<128x128xf32, #tpu.memory_space<hbm>>) target_semaphore(%run_scoped3A : memref<!tpu.dma_semaphore, #tpu.memory_space<semaphore_mem>>)
      %dma_wait3A = arith.constant 0 : i32
      %dma_wait3A_150 = arith.constant 0 : i32
      %dma_wait3A_151 = tpu.memref_slice %arg8[%dma_wait3A, %dma_wait3A_150] : memref<128x128xf32, #tpu.memory_space<vmem>> -> memref<128x128xf32, #tpu.memory_space<vmem>>
      %dma_wait3A_152 = arith.constant 0 : i32
      %dma_wait3A_153 = tpu.memref_slice %arg5[%arg0, %add3A_133, %dma_wait3A_152] : memref<2x10112x128xf32, #tpu.memory_space<hbm>> -> memref<1x128x128xf32, #tpu.memory_space<hbm>>
      %dma_wait3A_154 = tpu.memref_squeeze %dma_wait3A_153 : memref<1x128x128xf32, #tpu.memory_space<hbm>> -> memref<128x128xf32, #tpu.memory_space<hbm>>
      %dma_wait3A_155 = arith.constant 0 : i32
      %dma_wait3A_156 = tpu.memref_slice %arg5[%arg0, %add3A_133, %dma_wait3A_155] : memref<2x10112x128xf32, #tpu.memory_space<hbm>> -> memref<1x128x128xf32, #tpu.memory_space<hbm>>
      %dma_wait3A_157 = tpu.memref_squeeze %dma_wait3A_156 : memref<1x128x128xf32, #tpu.memory_space<hbm>> -> memref<128x128xf32, #tpu.memory_space<hbm>>
      %dma_wait3A_158 = arith.constant 0 : i32
      %dma_wait3A_159 = arith.constant 0 : i32
      %dma_wait3A_160 = tpu.memref_slice %arg8[%dma_wait3A_158, %dma_wait3A_159] : memref<128x128xf32, #tpu.memory_space<vmem>> -> memref<128x128xf32, #tpu.memory_space<vmem>>
      tpu.wait_dma2 semaphore(%run_scoped3A : memref<!tpu.dma_semaphore, #tpu.memory_space<semaphore_mem>>) src(%dma_wait3A_160 : memref<128x128xf32, #tpu.memory_space<vmem>>) dst(%dma_wait3A_157 : memref<128x128xf32, #tpu.memory_space<hbm>>)
      tpu.yield
    }) : () -> ()
    %mul3A_134 = arith.constant 632 : i32
    %mul3A_135 = arith.muli %arg1, %mul3A_134 : i32
    %add3A_136 = arith.constant 512 : i32
    %add3A_137 = arith.addi %mul3A_135, %add3A_136 : i32
    "tpu.region"() ({
      %run_scoped3A = tpu.sem_alloc : memref<!tpu.dma_semaphore, #tpu.memory_space<semaphore_mem>>
      %dma_start3A_138 = arith.constant 0 : i32
      %dma_start3A_139 = arith.constant 0 : i32
      %dma_start3A_140 = tpu.memref_slice %arg8[%dma_start3A_138, %dma_start3A_139] : memref<128x128xf32, #tpu.memory_space<vmem>> -> memref<120x128xf32, #tpu.memory_space<vmem>>
      %dma_start3A_141 = arith.constant 0 : i32
      %dma_start3A_142 = tpu.memref_slice %arg6[%add3A_137, %dma_start3A_141] : memref<10112x128xf32, #tpu.memory_space<vmem_shared>> -> memref<120x128xf32, #tpu.memory_space<vmem_shared>>
      %dma_start3A_143 = arith.constant 0 : i32
      %dma_start3A_144 = arith.constant 0 : i32
      %dma_start3A_145 = tpu.memref_slice %arg8[%dma_start3A_143, %dma_start3A_144] : memref<128x128xf32, #tpu.memory_space<vmem>> -> memref<120x128xf32, #tpu.memory_space<vmem>>
      %dma_start3A_146 = arith.constant 0 : i32
      %dma_start3A_147 = tpu.memref_slice %arg6[%add3A_137, %dma_start3A_146] : memref<10112x128xf32, #tpu.memory_space<vmem_shared>> -> memref<120x128xf32, #tpu.memory_space<vmem_shared>>
      tpu.enqueue_dma source(%dma_start3A_147 : memref<120x128xf32, #tpu.memory_space<vmem_shared>>) target(%dma_start3A_145 : memref<120x128xf32, #tpu.memory_space<vmem>>) target_semaphore(%run_scoped3A : memref<!tpu.dma_semaphore, #tpu.memory_space<semaphore_mem>>)
      %dma_wait3A = arith.constant 0 : i32
      %dma_wait3A_148 = arith.constant 0 : i32
      %dma_wait3A_149 = tpu.memref_slice %arg8[%dma_wait3A, %dma_wait3A_148] : memref<128x128xf32, #tpu.memory_space<vmem>> -> memref<120x128xf32, #tpu.memory_space<vmem>>
      %dma_wait3A_150 = arith.constant 0 : i32
      %dma_wait3A_151 = tpu.memref_slice %arg6[%add3A_137, %dma_wait3A_150] : memref<10112x128xf32, #tpu.memory_space<vmem_shared>> -> memref<120x128xf32, #tpu.memory_space<vmem_shared>>
      %dma_wait3A_152 = arith.constant 0 : i32
      %dma_wait3A_153 = arith.constant 0 : i32
      %dma_wait3A_154 = tpu.memref_slice %arg8[%dma_wait3A_152, %dma_wait3A_153] : memref<128x128xf32, #tpu.memory_space<vmem>> -> memref<120x128xf32, #tpu.memory_space<vmem>>
      %dma_wait3A_155 = arith.constant 0 : i32
      %dma_wait3A_156 = tpu.memref_slice %arg6[%add3A_137, %dma_wait3A_155] : memref<10112x128xf32, #tpu.memory_space<vmem_shared>> -> memref<120x128xf32, #tpu.memory_space<vmem_shared>>
      tpu.wait_dma2 semaphore(%run_scoped3A : memref<!tpu.dma_semaphore, #tpu.memory_space<semaphore_mem>>) src(%dma_wait3A_156 : memref<120x128xf32, #tpu.memory_space<vmem_shared>>) dst(%dma_wait3A_154 : memref<120x128xf32, #tpu.memory_space<vmem>>)
      tpu.yield
    }) : () -> ()
    "tpu.region"() ({
      %run_scoped3A = tpu.sem_alloc : memref<!tpu.dma_semaphore, #tpu.memory_space<semaphore_mem>>
      %dma_start3A_138 = arith.constant 0 : i32
      %dma_start3A_139 = arith.constant 0 : i32
      %dma_start3A_140 = tpu.memref_slice %arg8[%dma_start3A_138, %dma_start3A_139] : memref<128x128xf32, #tpu.memory_space<vmem>> -> memref<120x128xf32, #tpu.memory_space<vmem>>
      %dma_start3A_141 = arith.constant 0 : i32
      %dma_start3A_142 = tpu.memref_slice %arg5[%arg0, %add3A_137, %dma_start3A_141] : memref<2x10112x128xf32, #tpu.memory_space<hbm>> -> memref<1x120x128xf32, #tpu.memory_space<hbm>>
      %dma_start3A_143 = tpu.memref_squeeze %dma_start3A_142 : memref<1x120x128xf32, #tpu.memory_space<hbm>> -> memref<120x128xf32, #tpu.memory_space<hbm>>
      %dma_start3A_144 = arith.constant 0 : i32
      %dma_start3A_145 = tpu.memref_slice %arg5[%arg0, %add3A_137, %dma_start3A_144] : memref<2x10112x128xf32, #tpu.memory_space<hbm>> -> memref<1x120x128xf32, #tpu.memory_space<hbm>>
      %dma_start3A_146 = tpu.memref_squeeze %dma_start3A_145 : memref<1x120x128xf32, #tpu.memory_space<hbm>> -> memref<120x128xf32, #tpu.memory_space<hbm>>
      %dma_start3A_147 = arith.constant 0 : i32
      %dma_start3A_148 = arith.constant 0 : i32
      %dma_start3A_149 = tpu.memref_slice %arg8[%dma_start3A_147, %dma_start3A_148] : memref<128x128xf32, #tpu.memory_space<vmem>> -> memref<120x128xf32, #tpu.memory_space<vmem>>
      tpu.enqueue_dma source(%dma_start3A_149 : memref<120x128xf32, #tpu.memory_space<vmem>>) target(%dma_start3A_146 : memref<120x128xf32, #tpu.memory_space<hbm>>) target_semaphore(%run_scoped3A : memref<!tpu.dma_semaphore, #tpu.memory_space<semaphore_mem>>)
      %dma_wait3A = arith.constant 0 : i32
      %dma_wait3A_150 = arith.constant 0 : i32
      %dma_wait3A_151 = tpu.memref_slice %arg8[%dma_wait3A, %dma_wait3A_150] : memref<128x128xf32, #tpu.memory_space<vmem>> -> memref<120x128xf32, #tpu.memory_space<vmem>>
      %dma_wait3A_152 = arith.constant 0 : i32
      %dma_wait3A_153 = tpu.memref_slice %arg5[%arg0, %add3A_137, %dma_wait3A_152] : memref<2x10112x128xf32, #tpu.memory_space<hbm>> -> memref<1x120x128xf32, #tpu.memory_space<hbm>>
      %dma_wait3A_154 = tpu.memref_squeeze %dma_wait3A_153 : memref<1x120x128xf32, #tpu.memory_space<hbm>> -> memref<120x128xf32, #tpu.memory_space<hbm>>
      %dma_wait3A_155 = arith.constant 0 : i32
      %dma_wait3A_156 = tpu.memref_slice %arg5[%arg0, %add3A_137, %dma_wait3A_155] : memref<2x10112x128xf32, #tpu.memory_space<hbm>> -> memref<1x120x128xf32, #tpu.memory_space<hbm>>
      %dma_wait3A_157 = tpu.memref_squeeze %dma_wait3A_156 : memref<1x120x128xf32, #tpu.memory_space<hbm>> -> memref<120x128xf32, #tpu.memory_space<hbm>>
      %dma_wait3A_158 = arith.constant 0 : i32
      %dma_wait3A_159 = arith.constant 0 : i32
      %dma_wait3A_160 = tpu.memref_slice %arg8[%dma_wait3A_158, %dma_wait3A_159] : memref<128x128xf32, #tpu.memory_space<vmem>> -> memref<120x128xf32, #tpu.memory_space<vmem>>
      tpu.wait_dma2 semaphore(%run_scoped3A : memref<!tpu.dma_semaphore, #tpu.memory_space<semaphore_mem>>) src(%dma_wait3A_160 : memref<120x128xf32, #tpu.memory_space<vmem>>) dst(%dma_wait3A_157 : memref<120x128xf32, #tpu.memory_space<hbm>>)
      tpu.yield
    }) : () -> ()
    return
  }
}

module attributes {stable_mosaic.version = 14 : i64} {
  func.func @_tc_a_body(%arg0: i32, %arg1: memref<1000x128xf32, #tpu.memory_space<vmem>>, %arg2: memref<128x128xf32, #tpu.memory_space<vmem>>, %arg3: memref<1000x1xf32, #tpu.memory_space<vmem>>, %arg4: memref<1000x128xf32, #tpu.memory_space<vmem>>, %arg5: memref<1000x1xf32, #tpu.memory_space<vmem>>) attributes {dimension_semantics = [#tpu.dimension_semantics<arbitrary>], iteration_bounds = array<i64: 10>, scalar_prefetch = 0 : i64, scratch_operands = 0 : i64, tpu.core_type = #tpu.core_type<tc>, window_params = [{transform_indices = @transform_0, window_bounds = array<i64: 1000, 128>}, {pipeline_mode = #tpu.pipeline_mode<synchronous>, transform_indices = @transform_1, window_bounds = array<i64: 128, 128>}, {transform_indices = @transform_2, window_bounds = array<i64: 1000, 1>}, {transform_indices = @transform_3, window_bounds = array<i64: 1000, 128>}, {transform_indices = @transform_4, window_bounds = array<i64: 1000, 1>}]} {
    %get3A = arith.constant 0 : index
    %get3A_0 = arith.constant 0 : index
    %get3A_1 = vector.load %arg3[%get3A, %get3A_0] : memref<1000x1xf32, #tpu.memory_space<vmem>>, vector<1000x1xf32>
    %add3A = arith.constant 1.000000e+00 : f32
    %add3A_2 = vector.broadcast %add3A : f32 to vector<1000x1xf32>
    %add3A_3 = arith.addf %get3A_1, %add3A_2 : vector<1000x1xf32>
    %rsqrt3A = math.rsqrt %add3A_3 : vector<1000x1xf32>
    %swap3A = arith.constant 0 : index
    %swap3A_4 = arith.constant 0 : index
    %swap3A_5 = vector.load %arg5[%swap3A, %swap3A_4] : memref<1000x1xf32, #tpu.memory_space<vmem>>, vector<1000x1xf32>
    tpu.vector_store %arg5[%swap3A, %swap3A_4], %rsqrt3A {strides = array<i32>} : memref<1000x1xf32, #tpu.memory_space<vmem>>, vector<1000x1xf32>,
    %get3A_6 = arith.constant 0 : index
    %get3A_7 = arith.constant 0 : index
    %get3A_8 = vector.load %arg1[%get3A_6, %get3A_7] : memref<1000x128xf32, #tpu.memory_space<vmem>>, vector<1000x128xf32>
    %get3A_9 = arith.constant 0 : index
    %get3A_10 = arith.constant 0 : index
    %get3A_11 = vector.load %arg2[%get3A_9, %get3A_10] : memref<128x128xf32, #tpu.memory_space<vmem>>, vector<128x128xf32>
    %dot_general3A = arith.constant dense<0.000000e+00> : vector<1000x128xf32>
    %dot_general3A_12 = tpu.matmul %get3A_8, %get3A_11, %dot_general3A {dimension_numbers = #tpu.dot_dimension_numbers<[1], [0], [0], [1], [0, 0, 1, 1], [], []>, transpose_lhs_hint = false} : vector<1000x128xf32>, vector<128x128xf32>, vector<1000x128xf32> -> vector<1000x128xf32>
    %mul3A = vector.broadcast %rsqrt3A : vector<1000x1xf32> to vector<1000x128xf32>
    %mul3A_13 = arith.mulf %dot_general3A_12, %mul3A : vector<1000x128xf32>
    %swap3A_14 = arith.constant 0 : index
    %swap3A_15 = arith.constant 0 : index
    %swap3A_16 = vector.load %arg4[%swap3A_14, %swap3A_15] : memref<1000x128xf32, #tpu.memory_space<vmem>>, vector<1000x128xf32>
    tpu.vector_store %arg4[%swap3A_14, %swap3A_15], %mul3A_13 {strides = array<i32>} : memref<1000x128xf32, #tpu.memory_space<vmem>>, vector<1000x128xf32>,
    return
  }
  func.func @transform_0(%arg0: i32) -> (i32, i32) {
    %c0_i32 = arith.constant 0 : i32
    %c0_i32_0 = arith.constant 0 : i32
    return %arg0, %c0_i32 : i32, i32
  }
  func.func @transform_1(%arg0: i32) -> (i32, i32) {
    %c0_i32 = arith.constant 0 : i32
    %c0_i32_0 = arith.constant 0 : i32
    %c0_i32_1 = arith.constant 0 : i32
    return %c0_i32, %c0_i32_0 : i32, i32
  }
  func.func @transform_2(%arg0: i32) -> (i32, i32) {
    %c0_i32 = arith.constant 0 : i32
    %c0_i32_0 = arith.constant 0 : i32
    return %arg0, %c0_i32 : i32, i32
  }
  func.func @transform_3(%arg0: i32) -> (i32, i32) {
    %c0_i32 = arith.constant 0 : i32
    %c0_i32_0 = arith.constant 0 : i32
    return %arg0, %c0_i32 : i32, i32
  }
  func.func @transform_4(%arg0: i32) -> (i32, i32) {
    %c0_i32 = arith.constant 0 : i32
    %c0_i32_0 = arith.constant 0 : i32
    return %arg0, %c0_i32 : i32, i32
  }
}

module attributes {stable_mosaic.version = 14 : i64} {
  func.func @_tc_b_body(%arg0: i32, %arg1: memref<1x1000x128xf32, #tpu.memory_space<vmem>>, %arg2: memref<1x1000x128xf32, #tpu.memory_space<vmem>>, %arg3: memref<1000x128xf32, #tpu.memory_space<vmem>>, %arg4: memref<1000x1xf32, #tpu.memory_space<vmem>>, %arg5: memref<1x128xf32, #tpu.memory_space<vmem>>, %arg6: memref<128x128xf32, #tpu.memory_space<vmem>>, %arg7: memref<1000x128xf32, #tpu.memory_space<vmem>>) attributes {dimension_semantics = [#tpu.dimension_semantics<arbitrary>], iteration_bounds = array<i64: 10>, scalar_prefetch = 0 : i64, scratch_operands = 0 : i64, tpu.core_type = #tpu.core_type<tc>, window_params = [{transform_indices = @transform_0, window_bounds = array<i64: 1, 1000, 128>}, {transform_indices = @transform_1, window_bounds = array<i64: 1, 1000, 128>}, {transform_indices = @transform_2, window_bounds = array<i64: 1000, 128>}, {transform_indices = @transform_3, window_bounds = array<i64: 1000, 1>}, {pipeline_mode = #tpu.pipeline_mode<synchronous>, transform_indices = @transform_4, window_bounds = array<i64: 1, 128>}, {pipeline_mode = #tpu.pipeline_mode<synchronous>, transform_indices = @transform_5, window_bounds = array<i64: 128, 128>}, {transform_indices = @transform_6, window_bounds = array<i64: 1000, 128>}]} {
    %get3A = arith.constant 0 : index
    %get3A_0 = arith.constant 0 : index
    %get3A_1 = vector.load %arg4[%get3A, %get3A_0] : memref<1000x1xf32, #tpu.memory_space<vmem>>, vector<1000x1xf32>
    %get3A_2 = arith.constant 0 : index
    %get3A_3 = arith.constant 0 : index
    %get3A_4 = arith.constant 0 : index
    %get3A_5 = vector.load %arg1[%get3A_2, %get3A_3, %get3A_4] : memref<1x1000x128xf32, #tpu.memory_space<vmem>>, vector<1x1000x128xf32>
    %get3A_6 = vector.shape_cast %get3A_5 : vector<1x1000x128xf32> to vector<1000x128xf32>
    %get3A_7 = arith.constant 0 : index
    %get3A_8 = arith.constant 0 : index
    %get3A_9 = arith.constant 0 : index
    %get3A_10 = vector.load %arg2[%get3A_7, %get3A_8, %get3A_9] : memref<1x1000x128xf32, #tpu.memory_space<vmem>>, vector<1x1000x128xf32>
    %get3A_11 = vector.shape_cast %get3A_10 : vector<1x1000x128xf32> to vector<1000x128xf32>
    %add3A = arith.addf %get3A_6, %get3A_11 : vector<1000x128xf32>
    %get3A_12 = arith.constant 0 : index
    %get3A_13 = arith.constant 0 : index
    %get3A_14 = vector.load %arg3[%get3A_12, %get3A_13] : memref<1000x128xf32, #tpu.memory_space<vmem>>, vector<1000x128xf32>
    %add3A_15 = arith.addf %add3A, %get3A_14 : vector<1000x128xf32>
    %mul3A = vector.broadcast %get3A_1 : vector<1000x1xf32> to vector<1000x128xf32>
    %mul3A_16 = arith.mulf %add3A_15, %mul3A : vector<1000x128xf32>
    %get3A_17 = arith.constant 0 : index
    %get3A_18 = arith.constant 0 : index
    %get3A_19 = vector.load %arg5[%get3A_17, %get3A_18] : memref<1x128xf32, #tpu.memory_space<vmem>>, vector<1x128xf32>
    %add3A_20 = vector.broadcast %get3A_19 : vector<1x128xf32> to vector<1000x128xf32>
    %add3A_21 = arith.addf %mul3A_16, %add3A_20 : vector<1000x128xf32>
    %max3A = arith.constant 0.000000e+00 : f32
    %max3A_22 = vector.broadcast %max3A : f32 to vector<1000x128xf32>
    %max3A_23 = arith.maximumf %add3A_21, %max3A_22 : vector<1000x128xf32>
    %get3A_24 = arith.constant 0 : index
    %get3A_25 = arith.constant 0 : index
    %get3A_26 = vector.load %arg6[%get3A_24, %get3A_25] : memref<128x128xf32, #tpu.memory_space<vmem>>, vector<128x128xf32>
    %dot_general3A = arith.constant dense<0.000000e+00> : vector<1000x128xf32>
    %dot_general3A_27 = tpu.matmul %max3A_23, %get3A_26, %dot_general3A {dimension_numbers = #tpu.dot_dimension_numbers<[1], [0], [0], [1], [0, 0, 1, 1], [], []>, transpose_lhs_hint = false} : vector<1000x128xf32>, vector<128x128xf32>, vector<1000x128xf32> -> vector<1000x128xf32>
    %mul3A_28 = vector.broadcast %get3A_1 : vector<1000x1xf32> to vector<1000x128xf32>
    %mul3A_29 = arith.mulf %dot_general3A_27, %mul3A_28 : vector<1000x128xf32>
    %swap3A = arith.constant 0 : index
    %swap3A_30 = arith.constant 0 : index
    %swap3A_31 = vector.load %arg7[%swap3A, %swap3A_30] : memref<1000x128xf32, #tpu.memory_space<vmem>>, vector<1000x128xf32>
    tpu.vector_store %arg7[%swap3A, %swap3A_30], %mul3A_29 {strides = array<i32>} : memref<1000x128xf32, #tpu.memory_space<vmem>>, vector<1000x128xf32>,
    return
  }
  func.func @transform_0(%arg0: i32) -> (i32, i32, i32) {
    %c0_i32 = arith.constant 0 : i32
    %c0_i32_0 = arith.constant 0 : i32
    %c0_i32_1 = arith.constant 0 : i32
    return %c0_i32, %arg0, %c0_i32_0 : i32, i32, i32
  }
  func.func @transform_1(%arg0: i32) -> (i32, i32, i32) {
    %c1_i32 = arith.constant 1 : i32
    %c0_i32 = arith.constant 0 : i32
    %c0_i32_0 = arith.constant 0 : i32
    return %c1_i32, %arg0, %c0_i32 : i32, i32, i32
  }
  func.func @transform_2(%arg0: i32) -> (i32, i32) {
    %c0_i32 = arith.constant 0 : i32
    %c0_i32_0 = arith.constant 0 : i32
    return %arg0, %c0_i32 : i32, i32
  }
  func.func @transform_3(%arg0: i32) -> (i32, i32) {
    %c0_i32 = arith.constant 0 : i32
    %c0_i32_0 = arith.constant 0 : i32
    return %arg0, %c0_i32 : i32, i32
  }
  func.func @transform_4(%arg0: i32) -> (i32, i32) {
    %c0_i32 = arith.constant 0 : i32
    %c0_i32_0 = arith.constant 0 : i32
    %c0_i32_1 = arith.constant 0 : i32
    return %c0_i32, %c0_i32_0 : i32, i32
  }
  func.func @transform_5(%arg0: i32) -> (i32, i32) {
    %c0_i32 = arith.constant 0 : i32
    %c0_i32_0 = arith.constant 0 : i32
    %c0_i32_1 = arith.constant 0 : i32
    return %c0_i32, %c0_i32_0 : i32, i32
  }
  func.func @transform_6(%arg0: i32) -> (i32, i32) {
    %c0_i32 = arith.constant 0 : i32
    %c0_i32_0 = arith.constant 0 : i32
    return %arg0, %c0_i32 : i32, i32
  }
}

module attributes {stable_mosaic.version = 14 : i64} {
  func.func @_tc_c_body(%arg0: i32, %arg1: memref<1x1000x128xf32, #tpu.memory_space<vmem>>, %arg2: memref<1x1000x128xf32, #tpu.memory_space<vmem>>, %arg3: memref<1000x128xf32, #tpu.memory_space<vmem>>, %arg4: memref<1000x1xf32, #tpu.memory_space<vmem>>, %arg5: memref<1x128xf32, #tpu.memory_space<vmem>>, %arg6: memref<1000x128xf32, #tpu.memory_space<vmem>>) attributes {dimension_semantics = [#tpu.dimension_semantics<arbitrary>], iteration_bounds = array<i64: 10>, scalar_prefetch = 0 : i64, scratch_operands = 0 : i64, tpu.core_type = #tpu.core_type<tc>, window_params = [{transform_indices = @transform_0, window_bounds = array<i64: 1, 1000, 128>}, {transform_indices = @transform_1, window_bounds = array<i64: 1, 1000, 128>}, {transform_indices = @transform_2, window_bounds = array<i64: 1000, 128>}, {transform_indices = @transform_3, window_bounds = array<i64: 1000, 1>}, {pipeline_mode = #tpu.pipeline_mode<synchronous>, transform_indices = @transform_4, window_bounds = array<i64: 1, 128>}, {transform_indices = @transform_5, window_bounds = array<i64: 1000, 128>}]} {
    %get3A = arith.constant 0 : index
    %get3A_0 = arith.constant 0 : index
    %get3A_1 = arith.constant 0 : index
    %get3A_2 = vector.load %arg1[%get3A, %get3A_0, %get3A_1] : memref<1x1000x128xf32, #tpu.memory_space<vmem>>, vector<1x1000x128xf32>
    %get3A_3 = vector.shape_cast %get3A_2 : vector<1x1000x128xf32> to vector<1000x128xf32>
    %get3A_4 = arith.constant 0 : index
    %get3A_5 = arith.constant 0 : index
    %get3A_6 = arith.constant 0 : index
    %get3A_7 = vector.load %arg2[%get3A_4, %get3A_5, %get3A_6] : memref<1x1000x128xf32, #tpu.memory_space<vmem>>, vector<1x1000x128xf32>
    %get3A_8 = vector.shape_cast %get3A_7 : vector<1x1000x128xf32> to vector<1000x128xf32>
    %add3A = arith.addf %get3A_3, %get3A_8 : vector<1000x128xf32>
    %get3A_9 = arith.constant 0 : index
    %get3A_10 = arith.constant 0 : index
    %get3A_11 = vector.load %arg3[%get3A_9, %get3A_10] : memref<1000x128xf32, #tpu.memory_space<vmem>>, vector<1000x128xf32>
    %add3A_12 = arith.addf %add3A, %get3A_11 : vector<1000x128xf32>
    %get3A_13 = arith.constant 0 : index
    %get3A_14 = arith.constant 0 : index
    %get3A_15 = vector.load %arg4[%get3A_13, %get3A_14] : memref<1000x1xf32, #tpu.memory_space<vmem>>, vector<1000x1xf32>
    %mul3A = vector.broadcast %get3A_15 : vector<1000x1xf32> to vector<1000x128xf32>
    %mul3A_16 = arith.mulf %add3A_12, %mul3A : vector<1000x128xf32>
    %get3A_17 = arith.constant 0 : index
    %get3A_18 = arith.constant 0 : index
    %get3A_19 = vector.load %arg5[%get3A_17, %get3A_18] : memref<1x128xf32, #tpu.memory_space<vmem>>, vector<1x128xf32>
    %add3A_20 = vector.broadcast %get3A_19 : vector<1x128xf32> to vector<1000x128xf32>
    %add3A_21 = arith.addf %mul3A_16, %add3A_20 : vector<1000x128xf32>
    %swap3A = arith.constant 0 : index
    %swap3A_22 = arith.constant 0 : index
    %swap3A_23 = vector.load %arg6[%swap3A, %swap3A_22] : memref<1000x128xf32, #tpu.memory_space<vmem>>, vector<1000x128xf32>
    tpu.vector_store %arg6[%swap3A, %swap3A_22], %add3A_21 {strides = array<i32>} : memref<1000x128xf32, #tpu.memory_space<vmem>>, vector<1000x128xf32>,
    return
  }
  func.func @transform_0(%arg0: i32) -> (i32, i32, i32) {
    %c0_i32 = arith.constant 0 : i32
    %c0_i32_0 = arith.constant 0 : i32
    %c0_i32_1 = arith.constant 0 : i32
    return %c0_i32, %arg0, %c0_i32_0 : i32, i32, i32
  }
  func.func @transform_1(%arg0: i32) -> (i32, i32, i32) {
    %c1_i32 = arith.constant 1 : i32
    %c0_i32 = arith.constant 0 : i32
    %c0_i32_0 = arith.constant 0 : i32
    return %c1_i32, %arg0, %c0_i32 : i32, i32, i32
  }
  func.func @transform_2(%arg0: i32) -> (i32, i32) {
    %c0_i32 = arith.constant 0 : i32
    %c0_i32_0 = arith.constant 0 : i32
    return %arg0, %c0_i32 : i32, i32
  }
  func.func @transform_3(%arg0: i32) -> (i32, i32) {
    %c0_i32 = arith.constant 0 : i32
    %c0_i32_0 = arith.constant 0 : i32
    return %arg0, %c0_i32 : i32, i32
  }
  func.func @transform_4(%arg0: i32) -> (i32, i32) {
    %c0_i32 = arith.constant 0 : i32
    %c0_i32_0 = arith.constant 0 : i32
    %c0_i32_1 = arith.constant 0 : i32
    return %c0_i32, %c0_i32_0 : i32, i32
  }
  func.func @transform_5(%arg0: i32) -> (i32, i32) {
    %c0_i32 = arith.constant 0 : i32
    %c0_i32_0 = arith.constant 0 : i32
    return %arg0, %c0_i32 : i32, i32
  }
}

</mosaic_0001>

<sc_bundles>
// kernel: kernel.11.cloned.1.call-start
scs
__scs_entry_jumppad:
0x0: {  	(pc) =	sbr.rel $0x88, $3  }
0x1: {  	(tag) =	ssettag $0x0;
	lr =	simm.s32 $0x1  }
0x2: {  	[smem:$0x3F9B] =	sst lr;
	_ =	strace $0xD0000000  }
0x3: {  	_ = 	snop  }
0x4: {  	_ = 	snop  }
0x5: {  	_ = 	snop  }
0x6: {  	_ = 	snop  }
0x7: {  	_ = 	snop  }
__scs_overlays_trampoline_lowered:
0x8: {  	[smem:$0x3FAA] =	sst s0  }
0x9: {  	[smem:$0x3FAB] =	sst s1  }
0xa: {  	[smem:$0x3FAC] =	sst s2  }
0xb: {  	[smem:$0x3FAD] =	sst s3  }
0xc: {  	[smem:$0x3FAE] =	sst s4  }
0xd: {  	[smem:$0x3FAF] =	sst s5  }
0xe: {  	[smem:$0x3FB0] =	sst s6  }
0xf: {  	[smem:$0x3FB1] =	sst s7  }
0x10: {  	[smem:$0x3FB2] =	sst s8  }
0x11: {  	[smem:$0x3FB3] =	sst s9;
	s0 =	simm.s32 @!p0 $0x0  }
0x12: {  	s1 =	sld [smem:$0x3F99];
	s0 =	simm.s32 @p0 $0x1  }
0x13: {  	[smem:$0x3FB4] =	sst s0;
	s0 =	simm.s32 @!p1 $0x0  }
0x14: {  	s2 =	sld [smem:$0x3F98];
	s0 =	simm.s32 @p1 $0x1  }
0x15: {  	[smem:$0x3FB5] =	sst s0;
	s0 =	simm.s32 @!p2 $0x0  }
0x16: {  	s3 =	sld [smem:$0x3FDB];
	s0 =	simm.s32 @p2 $0x1  }
0x17: {  	s4 =	simm.s32 $0x1BF5;
	[smem:$0x3FB7] =	sst s0  }
0x18: {  	s0 =	sld [smem:$0x3F9A];
	_ =	swait.ge [sflag:s4], $0x0  }
0x19: {  	s7 =	sld [smem:$0x3F9B]  }
0x1a: {  	s8 =	sadd.s32 $0xFFFFE003, lr  }
0x1b: {  	s9 =	sadd.s32 $0xFFFFFEF7, lr;
	s5 =	simm.s32 $0xFFFFFFFF;
	p2 =	slt.u32 s8, $0xFFFFF086  }
0x1c: {  	p1 =	slt.u32 s9, $0xF7A;
	s5 =	simm.s32 @!p2 $0x0  }
0x1d: {  	s5 =	simm.s32 @p1 $0x1;
	p0 =	seq.s32 s7, s2  }
0x1e: {  	s7 =	smul.u32 @!p0 $0xF7A, s2;
	p2 =	seq.s32 @!p0 s5, $0x0  }
0x1f: {  	s9 =	smul.u32 $0xF7A, s1;
	s8 =	simm.s32 @!p0 $0x1BF5;
	p2 =	por !p2, p0  }
0x20: {  	[sflag:s8] =	ssyncset.s32 @!p0 $0xFFFFF086;
	s6 =	sadd.s32 @!p0 s3, s7;
	s7 =	simm.s32 @!p0 $0x108  }
0x21: {  	s3 =	sadd.s32 s3, s9;
	s6 =	sadd.s32 @!p0 $0x88, s6;
	s7 =	simm.s32 @p2 $0x1082  }
0x22: {  	[simem:s7], [sflag:s8] =	dma.local @!p0 [hbm:s6], $0xF7A  }
0x23: {  	s9 =	sor.u32 $0xD0000000, s2;
	s6 =	simm.s32 $0x108;
	_ =	swait.ge @!p0 [sflag:s8], $0x0  }
0x24: {  	s3 =	sadd.s32 $0x88, s3;
	s6 =	simm.s32 @!p1 $0x1082;
	[sflag:s4] =	ssyncset.s32 $0xFFFFF086  }
0x25: {  	[simem:s6], [sflag:s4] =	dma.local [hbm:s3], $0xF7A  }
0x26: {  	[smem:$0x3F9B] =	sst s1;
	(tag) =	ssettag s2;
	_ =	strace s9  }
0x27: {  	s1 =	sld [smem:$0x3FAB]  }
0x28: {  	s2 =	sld [smem:$0x3FAC]  }
0x29: {  	s4 =	sld [smem:$0x3FAE]  }
0x2a: {  	p0 =	seq.s32 s5, $0x0;
	s5 =	sld [smem:$0x3FAF]  }
0x2b: {  	s6 =	sld [smem:$0x3FB0]  }
0x2c: {  	s7 =	sld [smem:$0x3FB1]  }
0x2d: {  	s3 =	simm.s32 $0x108;
	s8 =	sld [smem:$0x3FB2]  }
0x2e: {  	s3 =	simm.s32 @!p0 $0x1082;
	s9 =	sld [smem:$0x3FB3]  }
0x2f: {  	lr =	sadd.s32 s0, s3;
	s0 =	sld [smem:$0x3FAA]  }
0x30: {  	s3 =	sld [smem:$0x3FAD]  }
0x31: {  	[smem:$0x3FB6] =	sst s10  }
0x32: {  	s10 =	sld [smem:$0x3FB4];
	_ =	sdelay $0x3  }
0x33: {  	p0 =	seq.s32 s10, $0x1;
	s10 =	sld [smem:$0x3FB6];
	_ =	sdelay $0x3  }
0x34: {  	[smem:$0x3FB6] =	sst s10  }
0x35: {  	s10 =	sld [smem:$0x3FB5];
	_ =	sdelay $0x3  }
0x36: {  	p1 =	seq.s32 s10, $0x1;
	s10 =	sld [smem:$0x3FB6];
	_ =	sdelay $0x3  }
0x37: {  	[smem:$0x3FB6] =	sst s10  }
0x38: {  	s10 =	sld [smem:$0x3FB7]  }
0x39: {  	_ = 	snop;
	(pc) =	sbr.ind lr, $3  }
0x3a: {  	_ = 	snop  }
0x3b: {  	_ = 	snop  }
0x3c: {  	p2 =	seq.s32 s10, $0x1;
	s10 =	sld [smem:$0x3FB6]  }
0x3d: {  	_ =	shalt  }
0x3e: {  	_ =	shalt  }
0x3f: {  	_ =	shalt  }
0x40: {  	_ =	shalt  }
0x41: {  	_ =	shalt  }
0x42: {  	_ =	shalt  }
0x43: {  	_ =	shalt  }
0x44: {  	_ =	shalt  }
0x45: {  	_ =	shalt  }
0x46: {  	_ =	shalt  }
0x47: {  	_ =	shalt  }
0x48: {  	_ =	shalt  }
0x49: {  	_ =	shalt  }
0x4a: {  	_ =	shalt  }
0x4b: {  	_ =	shalt  }
0x4c: {  	_ =	shalt  }
0x4d: {  	_ =	shalt  }
0x4e: {  	_ =	shalt  }
0x4f: {  	_ =	shalt  }
0x50: {  	_ =	shalt  }
0x51: {  	_ =	shalt  }
0x52: {  	_ =	shalt  }
0x53: {  	_ =	shalt  }
0x54: {  	_ =	shalt  }
0x55: {  	_ =	shalt  }
0x56: {  	_ =	shalt  }
0x57: {  	_ =	shalt  }
0x58: {  	_ =	shalt  }
0x59: {  	_ =	shalt  }
0x5a: {  	_ =	shalt  }
0x5b: {  	_ =	shalt  }
0x5c: {  	_ =	shalt  }
0x5d: {  	_ =	shalt  }
0x5e: {  	_ =	shalt  }
0x5f: {  	_ =	shalt  }
0x60: {  	_ =	shalt  }
0x61: {  	_ =	shalt  }
0x62: {  	_ =	shalt  }
0x63: {  	_ =	shalt  }
0x64: {  	_ =	shalt  }
0x65: {  	_ =	shalt  }
0x66: {  	_ =	shalt  }
0x67: {  	_ =	shalt  }
0x68: {  	_ =	shalt  }
0x69: {  	_ =	shalt  }
0x6a: {  	_ =	shalt  }
0x6b: {  	_ =	shalt  }
0x6c: {  	_ =	shalt  }
0x6d: {  	_ =	shalt  }
0x6e: {  	_ =	shalt  }
0x6f: {  	_ =	shalt  }
0x70: {  	_ =	shalt  }
0x71: {  	_ =	shalt  }
0x72: {  	_ =	shalt  }
0x73: {  	_ =	shalt  }
0x74: {  	_ =	shalt  }
0x75: {  	_ =	shalt  }
0x76: {  	_ =	shalt  }
0x77: {  	_ =	shalt  }
0x78: {  	_ =	shalt  }
0x79: {  	_ =	shalt  }
0x7a: {  	_ =	shalt  }
0x7b: {  	_ =	shalt  }
0x7c: {  	_ =	shalt  }
0x7d: {  	_ =	shalt  }
0x7e: {  	_ =	shalt  }
0x7f: {  	_ =	shalt  }
0x80: {  	_ =	shalt  }
0x81: {  	_ =	shalt  }
0x82: {  	_ =	shalt  }
0x83: {  	_ =	shalt  }
0x84: {  	_ =	shalt  }
0x85: {  	_ =	shalt  }
0x86: {  	_ =	shalt  }
0x87: {  	_ =	shalt  }
.Lfunc_end0:
.L_simem_size_0:
called_computation.1_lowered:
.L_overlay_start_0:
0x88: {  	s2 =	sld [smem:$0x3FD9]  }
0x89: {  	s3 =	sld [smem:$0x3FFE];
	_ =	sdelay $0x1  }
0x8a: {  	s1 =	srdreg.scid  }
0x8b: {  	s0 =	sand.u32 $0x1, s1  }
0x8c: {  	s17 =	sshll.u32 s0, $0xA;
	s2 =	sadd.s32 s3, s2  }
0x8d: {  	s2 =	sadd.s32 s2, s17  }
0x8e: {  	[smem:$0x3FC2] =	sst s2  }
0x8f: {  	_ = 	snop  }
0x90: {  	s2 =	sld [smem:$0x3FD0];
	(tm) =	ssettm $0x1  }
0x91: {  	s18 =	sld [smem:$0x3FFB];
	_ =	sdelay $0x3  }
0x92: {  	_ =	strace s18  }
0x93: {  	s3 =	sld [smem:$0x3FFC];
	_ =	sdelay $0x3  }
0x94: {  	_ =	strace s3  }
0x95: {  	s3 =	sld [smem:$0x3FFD];
	_ =	sdelay $0x3  }
0x96: {  	_ =	strace s3  }
0x97: {  	_ =	strace $0x8FFFFFFF  }
0x98: {  	s19 =	sld [smem:$0x3FDB];
	_ =	sdelay $0x1  }
0x99: {  	s4 =	simm.s32 $_scs_section_size  }
0x9a: {  	s5 =	simm.s32 $_size__tile_overlayer_lowered;
	s6 =	simm.s32 $_tile_overlayer_lowered  }
0x9b: {  	s22 =	simm.s32 $0x1BFF;
	s21 =	sshll.u32 s6, $0x1;
	s3 =	sadd.s32 s4, s19  }
0x9c: {  	s7 =	simm.s32 $0x0;
	s20 =	sshll.u32 s5, $0x1;
	s5 =	sadd.s32 s21, s3  }
0x9d: {  	[timem:s7], [sflag:s22] =	dma.local [hbm:s5], s20  }
0x9e: {  	_ =	swait.ge [sflag:s22], s20  }
0x9f: {  	s4 =	ssub.s32 $0x0, s20;
	[sflag:s22] =	ssyncset.done $0x0  }
0xa0: {  	[sflag:s22] =	ssyncadd.s32 s4;
	_ =	sdelay $0x1  }
0xa1: {  	s23 =	simm.s32 $0x1B8B  }
0xa2: {  	_ =	swait.ge [sflag:s23], $0x1  }
0xa3: {  	[sflag:s23] =	ssyncset.done $0x0  }
0xa4: {  	s25 =	simm.s32 $0x1B8E;
	s24 =	sld [smem:$0x3FFE];
	[sflag:s23] =	ssyncadd.s32 $0xFFFFFFFF  }
0xa5: {  	s26 =	simm.s32 $execute0_lowered;
	[smem:$0x3FD2] =	sst s25  }
0xa6: {  	s5 =	sshll.u32 s26, $0x1;
	_ =	strace $0x80000049;
	[dreg:$0x1] =	wrdreg $0xFFFFFFFF  }
0xa7: {  	s28 =	simm.s32 $_size_execute0_lowered;
	s3 =	sadd.s32 s3, s5;
	[dreg:$0x0] =	wrdreg $0x0  }
0xa8: {  	s5 =	sshll.u32 s28, $0x1;
	[dreg:$0x2] =	wrdreg s3  }
0xa9: {  	[dreg:$0x3] =	wrdreg s5  }
0xaa: {  	[dreg:$0x4] =	wrdreg $0xC0  }
0xab: {  	_ =	task [dreg:s7], $0x5FFFF  }
0xac: {  	[dreg:$0x1] =	wrdreg $0xFFFFFFFF  }
0xad: {  	[dreg:$0x0] =	wrdreg $0x60  }
0xae: {  	[dreg:$0x2] =	wrdreg s2  }
0xaf: {  	[dreg:$0x3] =	wrdreg s24  }
0xb0: {  	[dreg:$0x4] =	wrdreg $0x0  }
0xb1: {  	[dreg:$0x5] =	wrdreg $0x9  }
0xb2: {  	_ =	task.clear_ibuf [dreg:s7], $0x6FFFF;
	_ =	strace $0x90000049  }
0xb3: {  	s29 =	simm.s32 $0x9;
	_ =	strace $0x8000004B  }
0xb4: {  	_ =	swait.ge [sflag:s29], $0x1  }
0xb5: {  	[sflag:s29] =	ssyncadd.s32 $0xFFFFFFFF  }
0xb6: {  	_ =	strace $0x9000004B  }
0xb7: {  	_ =	sfence  }
0xb8: {  	s30 =	sld [smem:$0x0];
	_ =	sdelay $0x2  }
0xb9: {  	s31 =	sshll.u32 s1, $0xD;
	s1 =	sshrl.u32 s1, $0x2  }
0xba: {  	s3 =	sand.u32 $0x4000, s31;
	s1 =	sadd.s32 s1, s30  }
0xbb: {  	s0 =	sor.u32 s3, s0;
	s1 =	sshll.u32 s1, $0x11  }
0xbc: {  	s0 =	sor.u32 s1, s0  }
0xbd: {  	s0 =	sadd.s32 $0x8F2B, s0  }
0xbe: {  	[sflag:s0] =	ssyncadd.remote.s32 $0x1  }
0xbf: {  	_ =	sfence.sel $0xFFFF  }
0xc0: {  	[dreg:$0x0] =	wrdreg $0xFFFFFFFF;
	(pc) =	sbr.abs _section_cstart, $3  }
0xc1: {  	[dreg:$0x1] =	wrdreg $0xFFFFFFFF  }
0xc2: {  	_ =	task.clear_ibuf [dreg:s7], $0x2FFFF;
	_ =	strace $0x9FFFFFFF  }
0xc3: {  	(tm) =	ssettm $0x7FFFFFFF  }
tec
execute0_lowered:
.L_overlay_start_1:
0x0: {  	(tag) =	ssettag $0x1  }
0x1: {  	s0 =	srdreg.scid;
	s1 =	rddreg [dreg:$0x0]  }
0x2: {  	s9 =	stileid.u32;
	s2 =	rddreg [dreg:$0x1]  }
0x3: {  	s3 =	rddreg [dreg:$0x2];
	s18 =	simm.s32 $0x16400;
	s19 =	simm.s32 $0x3  }
0x4: {  	s28 =	simm.s32 $0x1E500;
	s29 =	simm.s32 $0x2;
	s21 =	smul.u32 $0x4F000, s9  }
0x5: {  	s30 =	simm.s32 $0x1E580;
	s0 =	sand.u32 $0x1, s0;
	s10 =	smul.u32 $0x13C00, s9  }
0x6: {  	s31 =	simm.s32 $0x0;
	s4 =	sshrl.u32 s9, $0x3;
	s5 =	smul.u32 $0x28000, s0  }
0x7: {  	s7 =	sshll.u32 s9, $0x7;
	s22 =	sadd.s32 $0x2200, s2;
	s6 =	smul.u32 $0x14000, s4  }
0x8: {  	s4 =	simm.s32 $0x0;
	s20 =	sand.u32 $0x380, s7;
	s23 =	ssub.s32 $0x2, s0  }
0x9: {  	s0 =	smul.u32 $0x13C000, s0;
	[smem:$0x7FF] =	sst s4;
	s8 =	sshrl.u32 s23, $0x1  }
0xa: {  	s11 =	sadd.s32 $0x4000, s10;
	s14 =	sadd.s32 $0x8000, s10;
	s15 =	sadd.s32 $0xC000, s10  }
0xb: {  	s16 =	sadd.s32 $0x10000, s10;
	s5 =	sadd.s32 s5, s6;
	_ =	strace $0x8000004A  }
0xc: {  	[dreg:$0x4] =	wrdreg s22;
	s6 =	sshrl.u32 s21, $0x2;
	s17 =	ssub.s32 s23, s8  }
0xd: {  	s7 =	sadd.s32 s11, s3;
	s8 =	sadd.s32 s14, s3;
	s9 =	sadd.s32 s15, s3  }
0xe: {  	s12 =	sadd.s32 s10, s0;
	s10 =	sadd.s32 s16, s3;
	s13 =	sadd.s32 s0, s11  }
0xf: {  	s25 =	sadd.s32 s0, s14;
	s26 =	sadd.s32 s0, s15;
	s0 =	sadd.s32 s0, s16  }
0x10: {  	s5 =	sor.u32 s20, s5;
	s6 =	sadd.s32 s6, s3;
	s12 =	sshrl.u32 s12, $0x3  }
0x11: {  	s24 =	sshrl.u32 s13, $0x3;
	s15 =	sshrl.u32 s26, $0x3;
	s0 =	sshrl.u32 s0, $0x3  }
0x12: {  	s17 =	smax.u32 s17, $0x1;
	s20 =	simm.s32 $0x80;
	s5 =	sshrl.u32 s5, $0x3  }
0x13: {  	s26 =	simm.s32 $0x1;
	s5 =	sadd.s32 s5, s2;
	s2 =	sadd.s32 $0x16000, s2  }
0x14: {  	s11 =	sadd.s32 $0xC000, s5;
	s12 =	sadd.s32 s2, s12;
	s13 =	sadd.s32 s2, s24  }
0x15: {  	s5 =	sshrl.u32 s25, $0x3;
	s15 =	sadd.s32 s2, s15;
	s16 =	sadd.s32 s2, s0  }
0x16: {  	s24 =	simm.s32 $0x1E480;
	s25 =	simm.s32 $0x1A400;
	s14 =	sadd.s32 s2, s5  }
.LBB2_1:
0x17: {  	s0 =	rddreg [dreg:$0x4]  }
0x18: {  	[tilespmem:s18], [sflag:$0x3] =	stream.linear.gather [hbm4b:s0+s4], $0x4000, $0x38;
	[tilespmem:$0x1E600] =	vst v63  }
0x19: {  	_ =	swait.ge [sflag:s19], $0x4000  }
0x1a: {  	[sflag:s19] =	ssyncset.done $0x0  }
0x1b: {  	[sflag:s19] =	ssyncadd.s32 $0xFFFFC000  }
0x1c: {  	[spmem:s6] =	stream.linear.scatter [tilespmem:s18], [sflag:$0x3], $0x4000, $0x38;
	[tilespmem:$0x1E600] =	vst v63  }
0x1d: {  	_ =	swait.ge [sflag:s19], $0x4000  }
0x1e: {  	[sflag:s19] =	ssyncset.done $0x0  }
0x1f: {  	[sflag:s19] =	ssyncadd.s32 $0xFFFFC000  }
0x20: {  	[spmem:s7] =	stream.linear.scatter [tilespmem:s18], [sflag:$0x3], $0x4000, $0x38;
	[tilespmem:$0x1E600] =	vst v63  }
0x21: {  	_ =	swait.ge [sflag:s19], $0x4000  }
0x22: {  	[sflag:s19] =	ssyncset.done $0x0  }
0x23: {  	[sflag:s19] =	ssyncadd.s32 $0xFFFFC000  }
0x24: {  	[spmem:s8] =	stream.linear.scatter [tilespmem:s18], [sflag:$0x3], $0x4000, $0x38;
	[tilespmem:$0x1E600] =	vst v63  }
0x25: {  	_ =	swait.ge [sflag:s19], $0x4000  }
0x26: {  	[sflag:s19] =	ssyncset.done $0x0  }
0x27: {  	[sflag:s19] =	ssyncadd.s32 $0xFFFFC000  }
0x28: {  	[spmem:s9] =	stream.linear.scatter [tilespmem:s18], [sflag:$0x3], $0x4000, $0x38;
	[tilespmem:$0x1E600] =	vst v63  }
0x29: {  	_ =	swait.ge [sflag:s19], $0x4000  }
0x2a: {  	[sflag:s19] =	ssyncset.done $0x0  }
0x2b: {  	[sflag:s19] =	ssyncadd.s32 $0xFFFFC000  }
0x2c: {  	[spmem:s10] =	stream.linear.scatter [tilespmem:s18], [sflag:$0x3], $0x3C00, $0x38;
	[tilespmem:$0x1E600] =	vst v63  }
0x2d: {  	_ =	swait.ge [sflag:s19], $0x3C00  }
0x2e: {  	[sflag:s19] =	ssyncset.done $0x0  }
0x2f: {  	s21 =	simm.s32 $0x400;
	s2 =	simm.s32 $0x13C00;
	[sflag:s19] =	ssyncadd.s32 $0xFFFFC400  }
0x30: {  	[tilespmem:s2], [sflag:$0x3] =	stream.strided.gather [hbm4b:s11+s20], $0x2800, s21, s20, $0x38;
	[tilespmem:$0x1E600] =	vst v63  }
0x31: {  	_ =	swait.ge [sflag:s19], $0x2800  }
0x32: {  	[sflag:s19] =	ssyncset.done $0x0  }
0x33: {  	[sflag:s19] =	ssyncadd.s32 $0xFFFFD800  }
0x34: {  	[bflag:$0x0] =	sbarrier.arrive $0xFFFF  }
0x35: {  	v0 =	vld [tilespmem:$0x13C00];
	_ =	sdelay $0x1  }
0x36: {  	v1 =	vld [tilespmem:$0x13C10];
	_ =	sdelay $0x1  }
0x37: {  	v2 =	vld [tilespmem:$0x13C20]  }
0x38: {  	v3 =	vand.u32 $0x3FFF, v0  }
0x39: {  	v0 =	vshra.s32 v0, $0xE;
	[tilespmem:$0x1E400] =	vst v3;
	v3 =	vld [tilespmem:$0x13C30]  }
0x3a: {  	[tilespmem:$0x1E500] =	vst v0;
	v0 =	vand.u32 $0x3FFF, v1  }
0x3b: {  	[tilespmem:$0x1E410] =	vst v0;
	v0 =	vshra.s32 v1, $0xE;
	v1 =	vld [tilespmem:$0x13C40]  }
0x3c: {  	[tilespmem:$0x1E510] =	vst v0;
	v0 =	vand.u32 $0x3FFF, v2  }
0x3d: {  	[tilespmem:$0x1E420] =	vst v0;
	v0 =	vshra.s32 v2, $0xE;
	v2 =	vld [tilespmem:$0x13C50]  }
0x3e: {  	[tilespmem:$0x1E520] =	vst v0;
	v0 =	vand.u32 $0x3FFF, v3  }
0x3f: {  	[tilespmem:$0x1E430] =	vst v0;
	v0 =	vshra.s32 v3, $0xE;
	v3 =	vld [tilespmem:$0x13C60]  }
0x40: {  	[tilespmem:$0x1E530] =	vst v0;
	v0 =	vand.u32 $0x3FFF, v1  }
0x41: {  	[tilespmem:$0x1E440] =	vst v0;
	v0 =	vshra.s32 v1, $0xE;
	v1 =	vld [tilespmem:$0x13C70]  }
0x42: {  	[tilespmem:$0x1E540] =	vst v0;
	v0 =	vand.u32 $0x3FFF, v2  }
0x43: {  	[tilespmem:$0x1E450] =	vst v0;
	v0 =	vshra.s32 v2, $0xE  }
0x44: {  	[tilespmem:$0x1E550] =	vst v0;
	v0 =	vand.u32 $0x3FFF, v3  }
0x45: {  	[tilespmem:$0x1E460] =	vst v0;
	v0 =	vshra.s32 v3, $0xE  }
0x46: {  	[tilespmem:$0x1E560] =	vst v0;
	v0 =	vand.u32 $0x3FFF, v1  }
0x47: {  	[tilespmem:$0x1E470] =	vst v0;
	v0 =	vshra.s32 v1, $0xE  }
0x48: {  	s22 =	simm.s32 $0x1E400;
	s23 =	simm.s32 $0x0;
	[tilespmem:$0x1E570] =	vst v0  }
0x49: {  	[tilespmem:s18], [sflag:$0x1] =	stream.indirect.gather [hbm4b:s1+s20], $0x80, s22, s20, $0xb8;
	[tilespmem:$0x1E600] =	vst v63  }
0x4a: {  	v0 =	vld [tilespmem:s23+$0x13C80];
	_ =	sdelay $0x4  }
0x4b: {  	v1 =	vand.u32 $0x3FFF, v0  }
0x4c: {  	v0 =	vshra.s32 v0, $0xE;
	[tilespmem:$0x1E480] =	vst v1  }
0x4d: {  	[tilespmem:$0x1E580] =	vst v0  }
0x4e: {  	v0 =	vld [tilespmem:s23+$0x13C90];
	_ =	sdelay $0x4  }
0x4f: {  	v1 =	vand.u32 $0x3FFF, v0  }
0x50: {  	v0 =	vshra.s32 v0, $0xE;
	[tilespmem:$0x1E490] =	vst v1  }
0x51: {  	[tilespmem:$0x1E590] =	vst v0  }
0x52: {  	v0 =	vld [tilespmem:s23+$0x13CA0];
	_ =	sdelay $0x4  }
0x53: {  	v1 =	vand.u32 $0x3FFF, v0  }
0x54: {  	v0 =	vshra.s32 v0, $0xE;
	[tilespmem:$0x1E4A0] =	vst v1  }
0x55: {  	[tilespmem:$0x1E5A0] =	vst v0  }
0x56: {  	v0 =	vld [tilespmem:s23+$0x13CB0];
	_ =	sdelay $0x4  }
0x57: {  	v1 =	vand.u32 $0x3FFF, v0  }
0x58: {  	v0 =	vshra.s32 v0, $0xE;
	[tilespmem:$0x1E4B0] =	vst v1  }
0x59: {  	[tilespmem:$0x1E5B0] =	vst v0  }
0x5a: {  	v0 =	vld [tilespmem:s23+$0x13CC0];
	_ =	sdelay $0x4  }
0x5b: {  	v1 =	vand.u32 $0x3FFF, v0  }
0x5c: {  	v0 =	vshra.s32 v0, $0xE;
	[tilespmem:$0x1E4C0] =	vst v1  }
0x5d: {  	[tilespmem:$0x1E5C0] =	vst v0  }
0x5e: {  	v0 =	vld [tilespmem:s23+$0x13CD0];
	_ =	sdelay $0x4  }
0x5f: {  	v1 =	vand.u32 $0x3FFF, v0  }
0x60: {  	v0 =	vshra.s32 v0, $0xE;
	[tilespmem:$0x1E4D0] =	vst v1  }
0x61: {  	[tilespmem:$0x1E5D0] =	vst v0  }
0x62: {  	v0 =	vld [tilespmem:s23+$0x13CE0];
	_ =	sdelay $0x4  }
0x63: {  	v1 =	vand.u32 $0x3FFF, v0  }
0x64: {  	v0 =	vshra.s32 v0, $0xE;
	[tilespmem:$0x1E4E0] =	vst v1  }
0x65: {  	[tilespmem:$0x1E5E0] =	vst v0  }
0x66: {  	v0 =	vld [tilespmem:s23+$0x13CF0];
	_ =	sdelay $0x4  }
0x67: {  	v1 =	vand.u32 $0x3FFF, v0  }
0x68: {  	v0 =	vshra.s32 v0, $0xE;
	[tilespmem:$0x1E4F0] =	vst v1  }
0x69: {  	[tilespmem:$0x1E5F0] =	vst v0  }
0x6a: {  	[tilespmem:s25], [sflag:$0x2] =	stream.indirect.gather [hbm4b:s1+s20], $0x80, s24, s20, $0xb8;
	[tilespmem:$0x1E600] =	vst v63  }
0x6b: {  	_ =	swait.ge [sflag:s26], $0x4000  }
0x6c: {  	[sflag:s26] =	ssyncset.done $0x0  }
0x6d: {  	[sflag:s26] =	ssyncadd.s32 $0xFFFFC000  }
0x6e: {  	[spmem:s3] =	stream.indirect.scatter.add.f32 [tilespmem:s18], [sflag:$0x3], $0x80, s28, s20, $0xb8;
	[tilespmem:$0x1E600] =	vst v63  }
0x6f: {  	_ =	swait.ge [sflag:s19], $0x4000  }
0x70: {  	p1 =	por $0x0, $0x0;
	[sflag:s19] =	ssyncset.done $0x0  }
0x71: {  	s0 =	simm.s32 @!p1 $0x0;
	[sflag:s19] =	ssyncadd.s32 $0xFFFFC000  }
0x72: {  	v0 =	vld @!p1 [tilespmem:s0+$0x13D00];
	_ =	sdelay $0x4  }
0x73: {  	v1 =	vand.u32 @!p1 $0x3FFF, v0  }
0x74: {  	v0 =	vshra.s32 @!p1 v0, $0xE;
	[tilespmem:$0x1E400] =	vst @!p1 v1  }
0x75: {  	[tilespmem:$0x1E500] =	vst @!p1 v0  }
0x76: {  	v0 =	vld @!p1 [tilespmem:s0+$0x13D10];
	_ =	sdelay $0x4  }
0x77: {  	v1 =	vand.u32 @!p1 $0x3FFF, v0  }
0x78: {  	v0 =	vshra.s32 @!p1 v0, $0xE;
	[tilespmem:$0x1E410] =	vst @!p1 v1  }
0x79: {  	[tilespmem:$0x1E510] =	vst @!p1 v0  }
0x7a: {  	v0 =	vld @!p1 [tilespmem:s0+$0x13D20];
	_ =	sdelay $0x4  }
0x7b: {  	v1 =	vand.u32 @!p1 $0x3FFF, v0  }
0x7c: {  	v0 =	vshra.s32 @!p1 v0, $0xE;
	[tilespmem:$0x1E420] =	vst @!p1 v1  }
0x7d: {  	[tilespmem:$0x1E520] =	vst @!p1 v0  }
0x7e: {  	v0 =	vld @!p1 [tilespmem:s0+$0x13D30];
	_ =	sdelay $0x4  }
0x7f: {  	v1 =	vand.u32 @!p1 $0x3FFF, v0  }
0x80: {  	v0 =	vshra.s32 @!p1 v0, $0xE;
	[tilespmem:$0x1E430] =	vst @!p1 v1  }
0x81: {  	[tilespmem:$0x1E530] =	vst @!p1 v0  }
0x82: {  	v0 =	vld @!p1 [tilespmem:s0+$0x13D40];
	_ =	sdelay $0x4  }
0x83: {  	v1 =	vand.u32 @!p1 $0x3FFF, v0  }
0x84: {  	v0 =	vshra.s32 @!p1 v0, $0xE;
	[tilespmem:$0x1E440] =	vst @!p1 v1  }
0x85: {  	[tilespmem:$0x1E540] =	vst @!p1 v0  }
0x86: {  	v0 =	vld @!p1 [tilespmem:s0+$0x13D50];
	_ =	sdelay $0x4  }
0x87: {  	v1 =	vand.u32 @!p1 $0x3FFF, v0  }
0x88: {  	v0 =	vshra.s32 @!p1 v0, $0xE;
	[tilespmem:$0x1E450] =	vst @!p1 v1  }
0x89: {  	[tilespmem:$0x1E550] =	vst @!p1 v0  }
0x8a: {  	v0 =	vld @!p1 [tilespmem:s0+$0x13D60];
	_ =	sdelay $0x4  }
0x8b: {  	s5 =	simm.s32 @!p1 $0x16400;
	v1 =	vand.u32 @!p1 $0x3FFF, v0  }
0x8c: {  	s2 =	simm.s32 $0x400;
	s22 =	simm.s32 @!p1 $0x80;
	s23 =	simm.s32 @!p1 $0x1E400;
	v0 =	vshra.s32 @!p1 v0, $0xE;
	[tilespmem:$0x1E460] =	vst @!p1 v1  }
.LBB2_2:
0x8d: {  	[tilespmem:$0x1E560] =	vst @!p1 v0;
	s21 =	smov.u32 s2;
	s2 =	sadd.s32 $0x400, s2  }
0x8e: {  	p0 =	sne.s32 s2, $0xA000;
	v0 =	vld @!p1 [tilespmem:s0+$0x13D70];
	_ =	sdelay $0x4  }
0x8f: {  	v1 =	vand.u32 @!p1 $0x3FFF, v0;
	v0 =	vshra.s32 @!p1 v0, $0xE  }
0x90: {  	[tilespmem:$0x1E470] =	vst @!p1 v1  }
0x91: {  	[tilespmem:$0x1E570] =	vst @!p1 v0  }
0x92: {  	[tilespmem:s5], [sflag:$0x1] =	stream.indirect.gather @!p1 [hbm4b:s1+s22], $0x80, s23, s22, $0xb8;
	[tilespmem:$0x1E600] =	vst v63  }
0x93: {  	_ =	swait.ge [sflag:s29], $0x4000  }
0x94: {  	[sflag:s29] =	ssyncset.done $0x0  }
0x95: {  	[sflag:s29] =	ssyncadd.s32 $0xFFFFC000  }
0x96: {  	[spmem:s3] =	stream.indirect.scatter.add.f32 [tilespmem:s25], [sflag:$0x3], $0x80, s30, s20, $0xb8;
	[tilespmem:$0x1E600] =	vst v63  }
0x97: {  	_ =	swait.ge [sflag:s19], $0x4000  }
0x98: {  	[sflag:s19] =	ssyncset.done $0x0  }
0x99: {  	s0 =	sshra.s32 s21, $0x2;
	[sflag:s19] =	ssyncadd.s32 $0xFFFFC000  }
0x9a: {  	v0 =	vld [tilespmem:s0+$0x13C80];
	_ =	sdelay $0x4  }
0x9b: {  	v1 =	vand.u32 $0x3FFF, v0;
	v0 =	vshra.s32 v0, $0xE  }
0x9c: {  	[tilespmem:$0x1E480] =	vst v1  }
0x9d: {  	[tilespmem:$0x1E580] =	vst v0  }
0x9e: {  	v0 =	vld [tilespmem:s0+$0x13C90];
	_ =	sdelay $0x4  }
0x9f: {  	v1 =	vand.u32 $0x3FFF, v0;
	v0 =	vshra.s32 v0, $0xE  }
0xa0: {  	[tilespmem:$0x1E490] =	vst v1  }
0xa1: {  	[tilespmem:$0x1E590] =	vst v0  }
0xa2: {  	v0 =	vld [tilespmem:s0+$0x13CA0];
	_ =	sdelay $0x4  }
0xa3: {  	v1 =	vand.u32 $0x3FFF, v0;
	v0 =	vshra.s32 v0, $0xE  }
0xa4: {  	[tilespmem:$0x1E4A0] =	vst v1  }
0xa5: {  	[tilespmem:$0x1E5A0] =	vst v0  }
0xa6: {  	v0 =	vld [tilespmem:s0+$0x13CB0];
	_ =	sdelay $0x4  }
0xa7: {  	v1 =	vand.u32 $0x3FFF, v0;
	v0 =	vshra.s32 v0, $0xE  }
0xa8: {  	[tilespmem:$0x1E4B0] =	vst v1  }
0xa9: {  	[tilespmem:$0x1E5B0] =	vst v0  }
0xaa: {  	v0 =	vld [tilespmem:s0+$0x13CC0];
	_ =	sdelay $0x4  }
0xab: {  	v1 =	vand.u32 $0x3FFF, v0;
	v0 =	vshra.s32 v0, $0xE  }
0xac: {  	[tilespmem:$0x1E4C0] =	vst v1  }
0xad: {  	[tilespmem:$0x1E5C0] =	vst v0  }
0xae: {  	v0 =	vld [tilespmem:s0+$0x13CD0];
	_ =	sdelay $0x4  }
0xaf: {  	v1 =	vand.u32 $0x3FFF, v0;
	v0 =	vshra.s32 v0, $0xE  }
0xb0: {  	[tilespmem:$0x1E4D0] =	vst v1  }
0xb1: {  	[tilespmem:$0x1E5D0] =	vst v0  }
0xb2: {  	v0 =	vld [tilespmem:s0+$0x13CE0];
	_ =	sdelay $0x4  }
0xb3: {  	v1 =	vand.u32 $0x3FFF, v0;
	v0 =	vshra.s32 v0, $0xE  }
0xb4: {  	[tilespmem:$0x1E4E0] =	vst v1  }
0xb5: {  	[tilespmem:$0x1E5E0] =	vst v0  }
0xb6: {  	v0 =	vld [tilespmem:s0+$0x13CF0];
	_ =	sdelay $0x4  }
0xb7: {  	v1 =	vand.u32 $0x3FFF, v0;
	v0 =	vshra.s32 v0, $0xE  }
0xb8: {  	p1 =	seq.s32 s21, $0x9C00;
	[tilespmem:$0x1E4F0] =	vst v1  }
0xb9: {  	s0 =	sshra.s32 @!p1 s21, $0x2;
	[tilespmem:$0x1E5F0] =	vst v0  }
0xba: {  	[tilespmem:s25], [sflag:$0x2] =	stream.indirect.gather [hbm4b:s1+s20], $0x80, s24, s20, $0xb8;
	[tilespmem:$0x1E600] =	vst v63  }
0xbb: {  	_ =	swait.ge [sflag:s26], $0x4000  }
0xbc: {  	[sflag:s26] =	ssyncset.done $0x0  }
0xbd: {  	[sflag:s26] =	ssyncadd.s32 $0xFFFFC000  }
0xbe: {  	[spmem:s3] =	stream.indirect.scatter.add.f32 [tilespmem:s18], [sflag:$0x3], $0x80, s28, s20, $0xb8;
	[tilespmem:$0x1E600] =	vst v63  }
0xbf: {  	_ =	swait.ge [sflag:s19], $0x4000  }
0xc0: {  	[sflag:s19] =	ssyncset.done $0x0  }
0xc1: {  	[sflag:s19] =	ssyncadd.s32 $0xFFFFC000  }
0xc2: {  	v0 =	vld @!p1 [tilespmem:s0+$0x13D00];
	_ =	sdelay $0x4  }
0xc3: {  	v1 =	vand.u32 @!p1 $0x3FFF, v0;
	v0 =	vshra.s32 @!p1 v0, $0xE  }
0xc4: {  	[tilespmem:$0x1E400] =	vst @!p1 v1  }
0xc5: {  	[tilespmem:$0x1E500] =	vst @!p1 v0  }
0xc6: {  	v0 =	vld @!p1 [tilespmem:s0+$0x13D10];
	_ =	sdelay $0x4  }
0xc7: {  	v1 =	vand.u32 @!p1 $0x3FFF, v0;
	v0 =	vshra.s32 @!p1 v0, $0xE  }
0xc8: {  	[tilespmem:$0x1E410] =	vst @!p1 v1  }
0xc9: {  	[tilespmem:$0x1E510] =	vst @!p1 v0  }
0xca: {  	v0 =	vld @!p1 [tilespmem:s0+$0x13D20];
	_ =	sdelay $0x4  }
0xcb: {  	v1 =	vand.u32 @!p1 $0x3FFF, v0;
	v0 =	vshra.s32 @!p1 v0, $0xE  }
0xcc: {  	[tilespmem:$0x1E420] =	vst @!p1 v1  }
0xcd: {  	[tilespmem:$0x1E520] =	vst @!p1 v0  }
0xce: {  	v0 =	vld @!p1 [tilespmem:s0+$0x13D30];
	_ =	sdelay $0x4  }
0xcf: {  	v1 =	vand.u32 @!p1 $0x3FFF, v0;
	v0 =	vshra.s32 @!p1 v0, $0xE  }
0xd0: {  	[tilespmem:$0x1E430] =	vst @!p1 v1  }
0xd1: {  	[tilespmem:$0x1E530] =	vst @!p1 v0  }
0xd2: {  	v0 =	vld @!p1 [tilespmem:s0+$0x13D40];
	_ =	sdelay $0x4  }
0xd3: {  	v1 =	vand.u32 @!p1 $0x3FFF, v0;
	v0 =	vshra.s32 @!p1 v0, $0xE  }
0xd4: {  	[tilespmem:$0x1E440] =	vst @!p1 v1  }
0xd5: {  	[tilespmem:$0x1E540] =	vst @!p1 v0  }
0xd6: {  	v0 =	vld @!p1 [tilespmem:s0+$0x13D50];
	_ =	sdelay $0x4  }
0xd7: {  	v1 =	vand.u32 @!p1 $0x3FFF, v0;
	v0 =	vshra.s32 @!p1 v0, $0xE  }
0xd8: {  	[tilespmem:$0x1E450] =	vst @!p1 v1  }
0xd9: {  	s22 =	simm.s32 @!p1 $0x80;
	s23 =	simm.s32 @!p1 $0x1E400;
	s5 =	simm.s32 @!p1 $0x16400;
	[tilespmem:$0x1E550] =	vst @!p1 v0  }
0xda: {  	v0 =	vld @!p1 [tilespmem:s0+$0x13D60];
	_ =	sdelay $0x1  }
.Ltmp0:
0xdb: {  	(pc) =	sbr.rel @p0 .LBB2_2-.Ltmp0, $3  }
0xdc: {  	_ =	sdelay $0x1  }
0xdd: {  	v1 =	vand.u32 @!p1 $0x3FFF, v0;
	v0 =	vshra.s32 @!p1 v0, $0xE  }
0xde: {  	[tilespmem:$0x1E460] =	vst @!p1 v1  }
0xdf: {  	[tilespmem:$0x1E560] =	vst @!p1 v0  }
0xe0: {  	v0 =	vld @!p1 [tilespmem:s0+$0x13D70];
	_ =	sdelay $0x4  }
0xe1: {  	v1 =	vand.u32 @!p1 $0x3FFF, v0  }
0xe2: {  	v0 =	vshra.s32 @!p1 v0, $0xE;
	[tilespmem:$0x1E470] =	vst @!p1 v1  }
0xe3: {  	[tilespmem:$0x1E570] =	vst @!p1 v0  }
0xe4: {  	[tilespmem:s5], [sflag:$0x1] =	stream.indirect.gather @!p1 [hbm4b:s1+s22], $0x80, s23, s22, $0xb8;
	[tilespmem:$0x1E600] =	vst v63  }
0xe5: {  	_ =	swait.ge [sflag:s29], $0x4000  }
0xe6: {  	[sflag:s29] =	ssyncset.done $0x0  }
0xe7: {  	[sflag:s29] =	ssyncadd.s32 $0xFFFFC000  }
0xe8: {  	[spmem:s3] =	stream.indirect.scatter.add.f32 [tilespmem:s25], [sflag:$0x3], $0x80, s30, s20, $0xb8;
	[tilespmem:$0x1E600] =	vst v63  }
0xe9: {  	_ =	swait.ge [sflag:s19], $0x4000  }
0xea: {  	[sflag:s19] =	ssyncset.done $0x0  }
0xeb: {  	[sflag:s19] =	ssyncadd.s32 $0xFFFFC000  }
0xec: {  	[bflag:$0x0] =	sbarrier.arrive $0xFFFF  }
0xed: {  	[tilespmem:s18], [sflag:$0x3] =	stream.linear.gather [spmem:s6], $0x4000, $0x38;
	[tilespmem:$0x1E600] =	vst v63  }
0xee: {  	_ =	swait.ge [sflag:s19], $0x4000  }
0xef: {  	[sflag:s19] =	ssyncset.done $0x0  }
0xf0: {  	[sflag:s19] =	ssyncadd.s32 $0xFFFFC000  }
0xf1: {  	[hbm4b:s12+s4] =	stream.linear.scatter [tilespmem:s18], [sflag:$0x3], $0x4000, $0x38;
	[tilespmem:$0x1E600] =	vst v63  }
0xf2: {  	_ =	swait.ge [sflag:s19], $0x4000  }
0xf3: {  	[sflag:s19] =	ssyncset.done $0x0  }
0xf4: {  	[sflag:s19] =	ssyncadd.s32 $0xFFFFC000  }
0xf5: {  	[tilespmem:s18], [sflag:$0x3] =	stream.linear.gather [spmem:s7], $0x4000, $0x38;
	[tilespmem:$0x1E600] =	vst v63  }
0xf6: {  	_ =	swait.ge [sflag:s19], $0x4000  }
0xf7: {  	[sflag:s19] =	ssyncset.done $0x0  }
0xf8: {  	[sflag:s19] =	ssyncadd.s32 $0xFFFFC000  }
0xf9: {  	[hbm4b:s13+s4] =	stream.linear.scatter [tilespmem:s18], [sflag:$0x3], $0x4000, $0x38;
	[tilespmem:$0x1E600] =	vst v63  }
0xfa: {  	_ =	swait.ge [sflag:s19], $0x4000  }
0xfb: {  	[sflag:s19] =	ssyncset.done $0x0  }
0xfc: {  	[sflag:s19] =	ssyncadd.s32 $0xFFFFC000  }
0xfd: {  	[tilespmem:s18], [sflag:$0x3] =	stream.linear.gather [spmem:s8], $0x4000, $0x38;
	[tilespmem:$0x1E600] =	vst v63  }
0xfe: {  	_ =	swait.ge [sflag:s19], $0x4000  }
0xff: {  	[sflag:s19] =	ssyncset.done $0x0  }
0x100: {  	[sflag:s19] =	ssyncadd.s32 $0xFFFFC000  }
0x101: {  	[hbm4b:s14+s4] =	stream.linear.scatter [tilespmem:s18], [sflag:$0x3], $0x4000, $0x38;
	[tilespmem:$0x1E600] =	vst v63  }
0x102: {  	_ =	swait.ge [sflag:s19], $0x4000  }
0x103: {  	[sflag:s19] =	ssyncset.done $0x0  }
0x104: {  	[sflag:s19] =	ssyncadd.s32 $0xFFFFC000  }
0x105: {  	[tilespmem:s18], [sflag:$0x3] =	stream.linear.gather [spmem:s9], $0x4000, $0x38;
	[tilespmem:$0x1E600] =	vst v63  }
0x106: {  	_ =	swait.ge [sflag:s19], $0x4000  }
0x107: {  	[sflag:s19] =	ssyncset.done $0x0  }
0x108: {  	[sflag:s19] =	ssyncadd.s32 $0xFFFFC000  }
0x109: {  	[hbm4b:s15+s4] =	stream.linear.scatter [tilespmem:s18], [sflag:$0x3], $0x4000, $0x38;
	[tilespmem:$0x1E600] =	vst v63  }
0x10a: {  	_ =	swait.ge [sflag:s19], $0x4000  }
0x10b: {  	[sflag:s19] =	ssyncset.done $0x0  }
0x10c: {  	[sflag:s19] =	ssyncadd.s32 $0xFFFFC000  }
0x10d: {  	[tilespmem:s18], [sflag:$0x3] =	stream.linear.gather [spmem:s10], $0x3C00, $0x38;
	[tilespmem:$0x1E600] =	vst v63  }
0x10e: {  	s31 =	sadd.s32 $0x1, s31;
	_ =	swait.ge [sflag:s19], $0x3C00  }
0x10f: {  	p0 =	sne.s32 s31, s17;
	[sflag:s19] =	ssyncset.done $0x0  }
.Ltmp1:
0x110: {  	[sflag:s19] =	ssyncadd.s32 $0xFFFFC400;
	(pc) =	sbr.rel @p0 .LBB2_1-.Ltmp1, $4  }
0x111: {  	[hbm4b:s16+s4] =	stream.linear.scatter [tilespmem:s18], [sflag:$0x3], $0x3C00, $0x38;
	[tilespmem:$0x1E600] =	vst v63  }
0x112: {  	_ =	swait.ge [sflag:s19], $0x3C00  }
0x113: {  	[sflag:s19] =	ssyncset.done $0x0  }
0x114: {  	[sflag:s19] =	ssyncadd.s32 $0xFFFFC400  }
0x115: {  	_ =	sfence.sel $0x180000  }
0x116: {  	[bflag:$0x0] =	sbarrier.arrive $0xFFFF  }
0x117: {  	_ =	strace $0x9000004A  }
0x118: {  	s0 =	stileid.u32;
	[bflag:$0x2] =	sbarrier.arrive $0xFFFF  }
0x119: {  	p0 =	sne.s32 s0, $0x0;
	s0 =	rddreg [dreg:$0x3]  }
0x11a: {  	s0 =	sadd.s32 @!p0 $0x100000, s0  }
0x11b: {  	[sflag:s0] =	ssyncadd.tile.s32 @!p0 $0x1;
	_ =	shalt  }
.Lfunc_end2:
_tile_overlayer_lowered:
.L_overlay_start_2:
0x11c: {  	(tag) =	ssettag $0x2  }
0x11d: {  	s0 =	rddreg [dreg:$0x0];
	s2 =	stileid.u32  }
0x11e: {  	s1 =	rddreg [dreg:$0x1];
	p0 =	sne.s32 s2, $0x0  }
0x11f: {  	s3 =	rddreg [dreg:$0x2];
	[bflag:$0x3] =	sbarrier.arrive $0xFFFF;
	s2 =	simm.s32 @!p0 $0x1C03  }
0x120: {  	[timem:s3], [sflag:s2] =	dma.local @!p0 [hbm:s0], s1  }
0x121: {  	s0 =	simm.s32 @!p0 $0x3  }
0x122: {  	_ =	swait.ge @!p0 [sflag:s0], s1  }
0x123: {  	s1 =	ssub.s32 @!p0 $0x0, s1;
	[sflag:s0] =	ssyncset.done @!p0 $0x0  }
0x124: {  	[sflag:s0] =	ssyncadd.s32 @!p0 s1  }
0x125: {  	[bflag:$0x3] =	sbarrier.arrive $0xFFFF  }
0x126: {  	_ =	shalt  }

// kernel: kernel.14.cloned.1.call-start
scs
__scs_entry_jumppad:
0x0: {  	(pc) =	sbr.rel $0x88, $3  }
0x1: {  	(tag) =	ssettag $0x0;
	lr =	simm.s32 $0x1  }
0x2: {  	[smem:$0x3F9B] =	sst lr;
	_ =	strace $0xD0000000  }
0x3: {  	_ = 	snop  }
0x4: {  	_ = 	snop  }
0x5: {  	_ = 	snop  }
0x6: {  	_ = 	snop  }
0x7: {  	_ = 	snop  }
__scs_overlays_trampoline_lowered:
0x8: {  	[smem:$0x3FAA] =	sst s0  }
0x9: {  	[smem:$0x3FAB] =	sst s1  }
0xa: {  	[smem:$0x3FAC] =	sst s2  }
0xb: {  	[smem:$0x3FAD] =	sst s3  }
0xc: {  	[smem:$0x3FAE] =	sst s4  }
0xd: {  	[smem:$0x3FAF] =	sst s5  }
0xe: {  	[smem:$0x3FB0] =	sst s6  }
0xf: {  	[smem:$0x3FB1] =	sst s7  }
0x10: {  	[smem:$0x3FB2] =	sst s8  }
0x11: {  	[smem:$0x3FB3] =	sst s9;
	s0 =	simm.s32 @!p0 $0x0  }
0x12: {  	s1 =	sld [smem:$0x3F99];
	s0 =	simm.s32 @p0 $0x1  }
0x13: {  	[smem:$0x3FB4] =	sst s0;
	s0 =	simm.s32 @!p1 $0x0  }
0x14: {  	s2 =	sld [smem:$0x3F98];
	s0 =	simm.s32 @p1 $0x1  }
0x15: {  	[smem:$0x3FB5] =	sst s0;
	s0 =	simm.s32 @!p2 $0x0  }
0x16: {  	s3 =	sld [smem:$0x3FDB];
	s0 =	simm.s32 @p2 $0x1  }
0x17: {  	s4 =	simm.s32 $0x1BF5;
	[smem:$0x3FB7] =	sst s0  }
0x18: {  	s0 =	sld [smem:$0x3F9A];
	_ =	swait.ge [sflag:s4], $0x0  }
0x19: {  	s7 =	sld [smem:$0x3F9B]  }
0x1a: {  	s8 =	sadd.s32 $0xFFFFE003, lr  }
0x1b: {  	s9 =	sadd.s32 $0xFFFFFEF7, lr;
	s5 =	simm.s32 $0xFFFFFFFF;
	p2 =	slt.u32 s8, $0xFFFFF086  }
0x1c: {  	p1 =	slt.u32 s9, $0xF7A;
	s5 =	simm.s32 @!p2 $0x0  }
0x1d: {  	s5 =	simm.s32 @p1 $0x1;
	p0 =	seq.s32 s7, s2  }
0x1e: {  	s7 =	smul.u32 @!p0 $0xF7A, s2;
	p2 =	seq.s32 @!p0 s5, $0x0  }
0x1f: {  	s9 =	smul.u32 $0xF7A, s1;
	s8 =	simm.s32 @!p0 $0x1BF5;
	p2 =	por !p2, p0  }
0x20: {  	[sflag:s8] =	ssyncset.s32 @!p0 $0xFFFFF086;
	s6 =	sadd.s32 @!p0 s3, s7;
	s7 =	simm.s32 @!p0 $0x108  }
0x21: {  	s3 =	sadd.s32 s3, s9;
	s6 =	sadd.s32 @!p0 $0x88, s6;
	s7 =	simm.s32 @p2 $0x1082  }
0x22: {  	[simem:s7], [sflag:s8] =	dma.local @!p0 [hbm:s6], $0xF7A  }
0x23: {  	s9 =	sor.u32 $0xD0000000, s2;
	s6 =	simm.s32 $0x108;
	_ =	swait.ge @!p0 [sflag:s8], $0x0  }
0x24: {  	s3 =	sadd.s32 $0x88, s3;
	s6 =	simm.s32 @!p1 $0x1082;
	[sflag:s4] =	ssyncset.s32 $0xFFFFF086  }
0x25: {  	[simem:s6], [sflag:s4] =	dma.local [hbm:s3], $0xF7A  }
0x26: {  	[smem:$0x3F9B] =	sst s1;
	(tag) =	ssettag s2;
	_ =	strace s9  }
0x27: {  	s1 =	sld [smem:$0x3FAB]  }
0x28: {  	s2 =	sld [smem:$0x3FAC]  }
0x29: {  	s4 =	sld [smem:$0x3FAE]  }
0x2a: {  	p0 =	seq.s32 s5, $0x0;
	s5 =	sld [smem:$0x3FAF]  }
0x2b: {  	s6 =	sld [smem:$0x3FB0]  }
0x2c: {  	s7 =	sld [smem:$0x3FB1]  }
0x2d: {  	s3 =	simm.s32 $0x108;
	s8 =	sld [smem:$0x3FB2]  }
0x2e: {  	s3 =	simm.s32 @!p0 $0x1082;
	s9 =	sld [smem:$0x3FB3]  }
0x2f: {  	lr =	sadd.s32 s0, s3;
	s0 =	sld [smem:$0x3FAA]  }
0x30: {  	s3 =	sld [smem:$0x3FAD]  }
0x31: {  	[smem:$0x3FB6] =	sst s10  }
0x32: {  	s10 =	sld [smem:$0x3FB4];
	_ =	sdelay $0x3  }
0x33: {  	p0 =	seq.s32 s10, $0x1;
	s10 =	sld [smem:$0x3FB6];
	_ =	sdelay $0x3  }
0x34: {  	[smem:$0x3FB6] =	sst s10  }
0x35: {  	s10 =	sld [smem:$0x3FB5];
	_ =	sdelay $0x3  }
0x36: {  	p1 =	seq.s32 s10, $0x1;
	s10 =	sld [smem:$0x3FB6];
	_ =	sdelay $0x3  }
0x37: {  	[smem:$0x3FB6] =	sst s10  }
0x38: {  	s10 =	sld [smem:$0x3FB7]  }
0x39: {  	_ = 	snop;
	(pc) =	sbr.ind lr, $3  }
0x3a: {  	_ = 	snop  }
0x3b: {  	_ = 	snop  }
0x3c: {  	p2 =	seq.s32 s10, $0x1;
	s10 =	sld [smem:$0x3FB6]  }
0x3d: {  	_ =	shalt  }
0x3e: {  	_ =	shalt  }
0x3f: {  	_ =	shalt  }
0x40: {  	_ =	shalt  }
0x41: {  	_ =	shalt  }
0x42: {  	_ =	shalt  }
0x43: {  	_ =	shalt  }
0x44: {  	_ =	shalt  }
0x45: {  	_ =	shalt  }
0x46: {  	_ =	shalt  }
0x47: {  	_ =	shalt  }
0x48: {  	_ =	shalt  }
0x49: {  	_ =	shalt  }
0x4a: {  	_ =	shalt  }
0x4b: {  	_ =	shalt  }
0x4c: {  	_ =	shalt  }
0x4d: {  	_ =	shalt  }
0x4e: {  	_ =	shalt  }
0x4f: {  	_ =	shalt  }
0x50: {  	_ =	shalt  }
0x51: {  	_ =	shalt  }
0x52: {  	_ =	shalt  }
0x53: {  	_ =	shalt  }
0x54: {  	_ =	shalt  }
0x55: {  	_ =	shalt  }
0x56: {  	_ =	shalt  }
0x57: {  	_ =	shalt  }
0x58: {  	_ =	shalt  }
0x59: {  	_ =	shalt  }
0x5a: {  	_ =	shalt  }
0x5b: {  	_ =	shalt  }
0x5c: {  	_ =	shalt  }
0x5d: {  	_ =	shalt  }
0x5e: {  	_ =	shalt  }
0x5f: {  	_ =	shalt  }
0x60: {  	_ =	shalt  }
0x61: {  	_ =	shalt  }
0x62: {  	_ =	shalt  }
0x63: {  	_ =	shalt  }
0x64: {  	_ =	shalt  }
0x65: {  	_ =	shalt  }
0x66: {  	_ =	shalt  }
0x67: {  	_ =	shalt  }
0x68: {  	_ =	shalt  }
0x69: {  	_ =	shalt  }
0x6a: {  	_ =	shalt  }
0x6b: {  	_ =	shalt  }
0x6c: {  	_ =	shalt  }
0x6d: {  	_ =	shalt  }
0x6e: {  	_ =	shalt  }
0x6f: {  	_ =	shalt  }
0x70: {  	_ =	shalt  }
0x71: {  	_ =	shalt  }
0x72: {  	_ =	shalt  }
0x73: {  	_ =	shalt  }
0x74: {  	_ =	shalt  }
0x75: {  	_ =	shalt  }
0x76: {  	_ =	shalt  }
0x77: {  	_ =	shalt  }
0x78: {  	_ =	shalt  }
0x79: {  	_ =	shalt  }
0x7a: {  	_ =	shalt  }
0x7b: {  	_ =	shalt  }
0x7c: {  	_ =	shalt  }
0x7d: {  	_ =	shalt  }
0x7e: {  	_ =	shalt  }
0x7f: {  	_ =	shalt  }
0x80: {  	_ =	shalt  }
0x81: {  	_ =	shalt  }
0x82: {  	_ =	shalt  }
0x83: {  	_ =	shalt  }
0x84: {  	_ =	shalt  }
0x85: {  	_ =	shalt  }
0x86: {  	_ =	shalt  }
0x87: {  	_ =	shalt  }
.Lfunc_end0:
.L_simem_size_0:
called_computation.2_lowered:
.L_overlay_start_0:
0x88: {  	s2 =	sld [smem:$0x3FD9]  }
0x89: {  	s3 =	sld [smem:$0x3FFE];
	_ =	sdelay $0x1  }
0x8a: {  	s1 =	srdreg.scid  }
0x8b: {  	s0 =	sand.u32 $0x1, s1  }
0x8c: {  	s17 =	sshll.u32 s0, $0xA;
	s2 =	sadd.s32 s3, s2  }
0x8d: {  	s2 =	sadd.s32 s2, s17  }
0x8e: {  	[smem:$0x3FC2] =	sst s2  }
0x8f: {  	_ = 	snop  }
0x90: {  	s2 =	sld [smem:$0x3FD0];
	(tm) =	ssettm $0x1  }
0x91: {  	s18 =	sld [smem:$0x3FFB];
	_ =	sdelay $0x3  }
0x92: {  	_ =	strace s18  }
0x93: {  	s3 =	sld [smem:$0x3FFC];
	_ =	sdelay $0x3  }
0x94: {  	_ =	strace s3  }
0x95: {  	s3 =	sld [smem:$0x3FFD];
	_ =	sdelay $0x3  }
0x96: {  	_ =	strace s3  }
0x97: {  	_ =	strace $0x8FFFFFFF  }
0x98: {  	s19 =	sld [smem:$0x3FDB];
	_ =	sdelay $0x1  }
0x99: {  	s4 =	simm.s32 $_scs_section_size  }
0x9a: {  	s5 =	simm.s32 $_size__tile_overlayer_lowered;
	s6 =	simm.s32 $_tile_overlayer_lowered  }
0x9b: {  	s22 =	simm.s32 $0x1BFF;
	s21 =	sshll.u32 s6, $0x1;
	s3 =	sadd.s32 s4, s19  }
0x9c: {  	s7 =	simm.s32 $0x0;
	s20 =	sshll.u32 s5, $0x1;
	s5 =	sadd.s32 s21, s3  }
0x9d: {  	[timem:s7], [sflag:s22] =	dma.local [hbm:s5], s20  }
0x9e: {  	_ =	swait.ge [sflag:s22], s20  }
0x9f: {  	s4 =	ssub.s32 $0x0, s20;
	[sflag:s22] =	ssyncset.done $0x0  }
0xa0: {  	[sflag:s22] =	ssyncadd.s32 s4;
	_ =	sdelay $0x1  }
0xa1: {  	s23 =	simm.s32 $0x1B8B  }
0xa2: {  	_ =	swait.ge [sflag:s23], $0x1  }
0xa3: {  	[sflag:s23] =	ssyncset.done $0x0  }
0xa4: {  	s25 =	simm.s32 $0x1B8E;
	s24 =	sld [smem:$0x3FFE];
	[sflag:s23] =	ssyncadd.s32 $0xFFFFFFFF  }
0xa5: {  	s26 =	simm.s32 $execute0_lowered;
	[smem:$0x3FD2] =	sst s25  }
0xa6: {  	s5 =	sshll.u32 s26, $0x1;
	_ =	strace $0x8000004C;
	[dreg:$0x1] =	wrdreg $0xFFFFFFFF  }
0xa7: {  	s28 =	simm.s32 $_size_execute0_lowered;
	s3 =	sadd.s32 s3, s5;
	[dreg:$0x0] =	wrdreg $0x0  }
0xa8: {  	s5 =	sshll.u32 s28, $0x1;
	[dreg:$0x2] =	wrdreg s3  }
0xa9: {  	[dreg:$0x3] =	wrdreg s5  }
0xaa: {  	[dreg:$0x4] =	wrdreg $0xC0  }
0xab: {  	_ =	task [dreg:s7], $0x5FFFF  }
0xac: {  	[dreg:$0x1] =	wrdreg $0xFFFFFFFF  }
0xad: {  	[dreg:$0x0] =	wrdreg $0x60  }
0xae: {  	[dreg:$0x2] =	wrdreg s2  }
0xaf: {  	[dreg:$0x3] =	wrdreg s24  }
0xb0: {  	[dreg:$0x4] =	wrdreg $0x0  }
0xb1: {  	[dreg:$0x5] =	wrdreg $0x9  }
0xb2: {  	_ =	task.clear_ibuf [dreg:s7], $0x6FFFF;
	_ =	strace $0x9000004C  }
0xb3: {  	s29 =	simm.s32 $0x9;
	_ =	strace $0x8000004E  }
0xb4: {  	_ =	swait.ge [sflag:s29], $0x1  }
0xb5: {  	[sflag:s29] =	ssyncadd.s32 $0xFFFFFFFF  }
0xb6: {  	_ =	strace $0x9000004E  }
0xb7: {  	_ =	sfence  }
0xb8: {  	s30 =	sld [smem:$0x0];
	_ =	sdelay $0x2  }
0xb9: {  	s31 =	sshll.u32 s1, $0xD;
	s1 =	sshrl.u32 s1, $0x2  }
0xba: {  	s3 =	sand.u32 $0x4000, s31;
	s1 =	sadd.s32 s1, s30  }
0xbb: {  	s0 =	sor.u32 s3, s0;
	s1 =	sshll.u32 s1, $0x11  }
0xbc: {  	s0 =	sor.u32 s1, s0  }
0xbd: {  	s0 =	sadd.s32 $0x8F2B, s0  }
0xbe: {  	[sflag:s0] =	ssyncadd.remote.s32 $0x1  }
0xbf: {  	_ =	sfence.sel $0xFFFF  }
0xc0: {  	[dreg:$0x0] =	wrdreg $0xFFFFFFFF;
	(pc) =	sbr.abs _section_cstart, $3  }
0xc1: {  	[dreg:$0x1] =	wrdreg $0xFFFFFFFF  }
0xc2: {  	_ =	task.clear_ibuf [dreg:s7], $0x2FFFF;
	_ =	strace $0x9FFFFFFF  }
0xc3: {  	(tm) =	ssettm $0x7FFFFFFF  }
tec
execute0_lowered:
.L_overlay_start_1:
0x0: {  	(tag) =	ssettag $0x1  }
0x1: {  	s0 =	srdreg.scid;
	s1 =	rddreg [dreg:$0x0]  }
0x2: {  	s9 =	stileid.u32;
	s2 =	rddreg [dreg:$0x1]  }
0x3: {  	s3 =	rddreg [dreg:$0x2];
	s18 =	simm.s32 $0x16400;
	s19 =	simm.s32 $0x3  }
0x4: {  	s28 =	simm.s32 $0x1E500;
	s29 =	simm.s32 $0x2;
	s21 =	smul.u32 $0x4F000, s9  }
0x5: {  	s30 =	simm.s32 $0x1E580;
	s0 =	sand.u32 $0x1, s0;
	s10 =	smul.u32 $0x13C00, s9  }
0x6: {  	s31 =	simm.s32 $0x0;
	s4 =	sshrl.u32 s9, $0x3;
	s5 =	smul.u32 $0x28000, s0  }
0x7: {  	s7 =	sshll.u32 s9, $0x7;
	s22 =	sadd.s32 $0x2200, s2;
	s6 =	smul.u32 $0x14000, s4  }
0x8: {  	s4 =	simm.s32 $0x0;
	s20 =	sand.u32 $0x380, s7;
	s23 =	ssub.s32 $0x2, s0  }
0x9: {  	s0 =	smul.u32 $0x13C000, s0;
	[smem:$0x7FF] =	sst s4;
	s8 =	sshrl.u32 s23, $0x1  }
0xa: {  	s11 =	sadd.s32 $0x4000, s10;
	s14 =	sadd.s32 $0x8000, s10;
	s15 =	sadd.s32 $0xC000, s10  }
0xb: {  	s16 =	sadd.s32 $0x10000, s10;
	s5 =	sadd.s32 s5, s6;
	_ =	strace $0x8000004D  }
0xc: {  	[dreg:$0x4] =	wrdreg s22;
	s6 =	sshrl.u32 s21, $0x2;
	s17 =	ssub.s32 s23, s8  }
0xd: {  	s7 =	sadd.s32 s11, s3;
	s8 =	sadd.s32 s14, s3;
	s9 =	sadd.s32 s15, s3  }
0xe: {  	s12 =	sadd.s32 s10, s0;
	s10 =	sadd.s32 s16, s3;
	s13 =	sadd.s32 s0, s11  }
0xf: {  	s25 =	sadd.s32 s0, s14;
	s26 =	sadd.s32 s0, s15;
	s0 =	sadd.s32 s0, s16  }
0x10: {  	s5 =	sor.u32 s20, s5;
	s6 =	sadd.s32 s6, s3;
	s12 =	sshrl.u32 s12, $0x3  }
0x11: {  	s24 =	sshrl.u32 s13, $0x3;
	s15 =	sshrl.u32 s26, $0x3;
	s0 =	sshrl.u32 s0, $0x3  }
0x12: {  	s17 =	smax.u32 s17, $0x1;
	s20 =	simm.s32 $0x80;
	s5 =	sshrl.u32 s5, $0x3  }
0x13: {  	s26 =	simm.s32 $0x1;
	s5 =	sadd.s32 s5, s2;
	s2 =	sadd.s32 $0x16000, s2  }
0x14: {  	s11 =	sadd.s32 $0xC000, s5;
	s12 =	sadd.s32 s2, s12;
	s13 =	sadd.s32 s2, s24  }
0x15: {  	s5 =	sshrl.u32 s25, $0x3;
	s15 =	sadd.s32 s2, s15;
	s16 =	sadd.s32 s2, s0  }
0x16: {  	s24 =	simm.s32 $0x1E480;
	s25 =	simm.s32 $0x1A400;
	s14 =	sadd.s32 s2, s5  }
.LBB2_1:
0x17: {  	s0 =	rddreg [dreg:$0x4]  }
0x18: {  	[tilespmem:s18], [sflag:$0x3] =	stream.linear.gather [hbm4b:s0+s4], $0x4000, $0x38;
	[tilespmem:$0x1E600] =	vst v63  }
0x19: {  	_ =	swait.ge [sflag:s19], $0x4000  }
0x1a: {  	[sflag:s19] =	ssyncset.done $0x0  }
0x1b: {  	[sflag:s19] =	ssyncadd.s32 $0xFFFFC000  }
0x1c: {  	[spmem:s6] =	stream.linear.scatter [tilespmem:s18], [sflag:$0x3], $0x4000, $0x38;
	[tilespmem:$0x1E600] =	vst v63  }
0x1d: {  	_ =	swait.ge [sflag:s19], $0x4000  }
0x1e: {  	[sflag:s19] =	ssyncset.done $0x0  }
0x1f: {  	[sflag:s19] =	ssyncadd.s32 $0xFFFFC000  }
0x20: {  	[spmem:s7] =	stream.linear.scatter [tilespmem:s18], [sflag:$0x3], $0x4000, $0x38;
	[tilespmem:$0x1E600] =	vst v63  }
0x21: {  	_ =	swait.ge [sflag:s19], $0x4000  }
0x22: {  	[sflag:s19] =	ssyncset.done $0x0  }
0x23: {  	[sflag:s19] =	ssyncadd.s32 $0xFFFFC000  }
0x24: {  	[spmem:s8] =	stream.linear.scatter [tilespmem:s18], [sflag:$0x3], $0x4000, $0x38;
	[tilespmem:$0x1E600] =	vst v63  }
0x25: {  	_ =	swait.ge [sflag:s19], $0x4000  }
0x26: {  	[sflag:s19] =	ssyncset.done $0x0  }
0x27: {  	[sflag:s19] =	ssyncadd.s32 $0xFFFFC000  }
0x28: {  	[spmem:s9] =	stream.linear.scatter [tilespmem:s18], [sflag:$0x3], $0x4000, $0x38;
	[tilespmem:$0x1E600] =	vst v63  }
0x29: {  	_ =	swait.ge [sflag:s19], $0x4000  }
0x2a: {  	[sflag:s19] =	ssyncset.done $0x0  }
0x2b: {  	[sflag:s19] =	ssyncadd.s32 $0xFFFFC000  }
0x2c: {  	[spmem:s10] =	stream.linear.scatter [tilespmem:s18], [sflag:$0x3], $0x3C00, $0x38;
	[tilespmem:$0x1E600] =	vst v63  }
0x2d: {  	_ =	swait.ge [sflag:s19], $0x3C00  }
0x2e: {  	[sflag:s19] =	ssyncset.done $0x0  }
0x2f: {  	s21 =	simm.s32 $0x400;
	s2 =	simm.s32 $0x13C00;
	[sflag:s19] =	ssyncadd.s32 $0xFFFFC400  }
0x30: {  	[tilespmem:s2], [sflag:$0x3] =	stream.strided.gather [hbm4b:s11+s20], $0x2800, s21, s20, $0x38;
	[tilespmem:$0x1E600] =	vst v63  }
0x31: {  	_ =	swait.ge [sflag:s19], $0x2800  }
0x32: {  	[sflag:s19] =	ssyncset.done $0x0  }
0x33: {  	[sflag:s19] =	ssyncadd.s32 $0xFFFFD800  }
0x34: {  	[bflag:$0x0] =	sbarrier.arrive $0xFFFF  }
0x35: {  	v0 =	vld [tilespmem:$0x13C00];
	_ =	sdelay $0x1  }
0x36: {  	v1 =	vld [tilespmem:$0x13C10];
	_ =	sdelay $0x1  }
0x37: {  	v2 =	vld [tilespmem:$0x13C20]  }
0x38: {  	v3 =	vand.u32 $0x3FFF, v0  }
0x39: {  	v0 =	vshra.s32 v0, $0xE;
	[tilespmem:$0x1E400] =	vst v3;
	v3 =	vld [tilespmem:$0x13C30]  }
0x3a: {  	[tilespmem:$0x1E500] =	vst v0;
	v0 =	vand.u32 $0x3FFF, v1  }
0x3b: {  	[tilespmem:$0x1E410] =	vst v0;
	v0 =	vshra.s32 v1, $0xE;
	v1 =	vld [tilespmem:$0x13C40]  }
0x3c: {  	[tilespmem:$0x1E510] =	vst v0;
	v0 =	vand.u32 $0x3FFF, v2  }
0x3d: {  	[tilespmem:$0x1E420] =	vst v0;
	v0 =	vshra.s32 v2, $0xE;
	v2 =	vld [tilespmem:$0x13C50]  }
0x3e: {  	[tilespmem:$0x1E520] =	vst v0;
	v0 =	vand.u32 $0x3FFF, v3  }
0x3f: {  	[tilespmem:$0x1E430] =	vst v0;
	v0 =	vshra.s32 v3, $0xE;
	v3 =	vld [tilespmem:$0x13C60]  }
0x40: {  	[tilespmem:$0x1E530] =	vst v0;
	v0 =	vand.u32 $0x3FFF, v1  }
0x41: {  	[tilespmem:$0x1E440] =	vst v0;
	v0 =	vshra.s32 v1, $0xE;
	v1 =	vld [tilespmem:$0x13C70]  }
0x42: {  	[tilespmem:$0x1E540] =	vst v0;
	v0 =	vand.u32 $0x3FFF, v2  }
0x43: {  	[tilespmem:$0x1E450] =	vst v0;
	v0 =	vshra.s32 v2, $0xE  }
0x44: {  	[tilespmem:$0x1E550] =	vst v0;
	v0 =	vand.u32 $0x3FFF, v3  }
0x45: {  	[tilespmem:$0x1E460] =	vst v0;
	v0 =	vshra.s32 v3, $0xE  }
0x46: {  	[tilespmem:$0x1E560] =	vst v0;
	v0 =	vand.u32 $0x3FFF, v1  }
0x47: {  	[tilespmem:$0x1E470] =	vst v0;
	v0 =	vshra.s32 v1, $0xE  }
0x48: {  	s22 =	simm.s32 $0x1E400;
	s23 =	simm.s32 $0x0;
	[tilespmem:$0x1E570] =	vst v0  }
0x49: {  	[tilespmem:s18], [sflag:$0x1] =	stream.indirect.gather [hbm4b:s1+s20], $0x80, s22, s20, $0xb8;
	[tilespmem:$0x1E600] =	vst v63  }
0x4a: {  	v0 =	vld [tilespmem:s23+$0x13C80];
	_ =	sdelay $0x4  }
0x4b: {  	v1 =	vand.u32 $0x3FFF, v0  }
0x4c: {  	v0 =	vshra.s32 v0, $0xE;
	[tilespmem:$0x1E480] =	vst v1  }
0x4d: {  	[tilespmem:$0x1E580] =	vst v0  }
0x4e: {  	v0 =	vld [tilespmem:s23+$0x13C90];
	_ =	sdelay $0x4  }
0x4f: {  	v1 =	vand.u32 $0x3FFF, v0  }
0x50: {  	v0 =	vshra.s32 v0, $0xE;
	[tilespmem:$0x1E490] =	vst v1  }
0x51: {  	[tilespmem:$0x1E590] =	vst v0  }
0x52: {  	v0 =	vld [tilespmem:s23+$0x13CA0];
	_ =	sdelay $0x4  }
0x53: {  	v1 =	vand.u32 $0x3FFF, v0  }
0x54: {  	v0 =	vshra.s32 v0, $0xE;
	[tilespmem:$0x1E4A0] =	vst v1  }
0x55: {  	[tilespmem:$0x1E5A0] =	vst v0  }
0x56: {  	v0 =	vld [tilespmem:s23+$0x13CB0];
	_ =	sdelay $0x4  }
0x57: {  	v1 =	vand.u32 $0x3FFF, v0  }
0x58: {  	v0 =	vshra.s32 v0, $0xE;
	[tilespmem:$0x1E4B0] =	vst v1  }
0x59: {  	[tilespmem:$0x1E5B0] =	vst v0  }
0x5a: {  	v0 =	vld [tilespmem:s23+$0x13CC0];
	_ =	sdelay $0x4  }
0x5b: {  	v1 =	vand.u32 $0x3FFF, v0  }
0x5c: {  	v0 =	vshra.s32 v0, $0xE;
	[tilespmem:$0x1E4C0] =	vst v1  }
0x5d: {  	[tilespmem:$0x1E5C0] =	vst v0  }
0x5e: {  	v0 =	vld [tilespmem:s23+$0x13CD0];
	_ =	sdelay $0x4  }
0x5f: {  	v1 =	vand.u32 $0x3FFF, v0  }
0x60: {  	v0 =	vshra.s32 v0, $0xE;
	[tilespmem:$0x1E4D0] =	vst v1  }
0x61: {  	[tilespmem:$0x1E5D0] =	vst v0  }
0x62: {  	v0 =	vld [tilespmem:s23+$0x13CE0];
	_ =	sdelay $0x4  }
0x63: {  	v1 =	vand.u32 $0x3FFF, v0  }
0x64: {  	v0 =	vshra.s32 v0, $0xE;
	[tilespmem:$0x1E4E0] =	vst v1  }
0x65: {  	[tilespmem:$0x1E5E0] =	vst v0  }
0x66: {  	v0 =	vld [tilespmem:s23+$0x13CF0];
	_ =	sdelay $0x4  }
0x67: {  	v1 =	vand.u32 $0x3FFF, v0  }
0x68: {  	v0 =	vshra.s32 v0, $0xE;
	[tilespmem:$0x1E4F0] =	vst v1  }
0x69: {  	[tilespmem:$0x1E5F0] =	vst v0  }
0x6a: {  	[tilespmem:s25], [sflag:$0x2] =	stream.indirect.gather [hbm4b:s1+s20], $0x80, s24, s20, $0xb8;
	[tilespmem:$0x1E600] =	vst v63  }
0x6b: {  	_ =	swait.ge [sflag:s26], $0x4000  }
0x6c: {  	[sflag:s26] =	ssyncset.done $0x0  }
0x6d: {  	[sflag:s26] =	ssyncadd.s32 $0xFFFFC000  }
0x6e: {  	[spmem:s3] =	stream.indirect.scatter.add.f32 [tilespmem:s18], [sflag:$0x3], $0x80, s28, s20, $0xb8;
	[tilespmem:$0x1E600] =	vst v63  }
0x6f: {  	_ =	swait.ge [sflag:s19], $0x4000  }
0x70: {  	p1 =	por $0x0, $0x0;
	[sflag:s19] =	ssyncset.done $0x0  }
0x71: {  	s0 =	simm.s32 @!p1 $0x0;
	[sflag:s19] =	ssyncadd.s32 $0xFFFFC000  }
0x72: {  	v0 =	vld @!p1 [tilespmem:s0+$0x13D00];
	_ =	sdelay $0x4  }
0x73: {  	v1 =	vand.u32 @!p1 $0x3FFF, v0  }
0x74: {  	v0 =	vshra.s32 @!p1 v0, $0xE;
	[tilespmem:$0x1E400] =	vst @!p1 v1  }
0x75: {  	[tilespmem:$0x1E500] =	vst @!p1 v0  }
0x76: {  	v0 =	vld @!p1 [tilespmem:s0+$0x13D10];
	_ =	sdelay $0x4  }
0x77: {  	v1 =	vand.u32 @!p1 $0x3FFF, v0  }
0x78: {  	v0 =	vshra.s32 @!p1 v0, $0xE;
	[tilespmem:$0x1E410] =	vst @!p1 v1  }
0x79: {  	[tilespmem:$0x1E510] =	vst @!p1 v0  }
0x7a: {  	v0 =	vld @!p1 [tilespmem:s0+$0x13D20];
	_ =	sdelay $0x4  }
0x7b: {  	v1 =	vand.u32 @!p1 $0x3FFF, v0  }
0x7c: {  	v0 =	vshra.s32 @!p1 v0, $0xE;
	[tilespmem:$0x1E420] =	vst @!p1 v1  }
0x7d: {  	[tilespmem:$0x1E520] =	vst @!p1 v0  }
0x7e: {  	v0 =	vld @!p1 [tilespmem:s0+$0x13D30];
	_ =	sdelay $0x4  }
0x7f: {  	v1 =	vand.u32 @!p1 $0x3FFF, v0  }
0x80: {  	v0 =	vshra.s32 @!p1 v0, $0xE;
	[tilespmem:$0x1E430] =	vst @!p1 v1  }
0x81: {  	[tilespmem:$0x1E530] =	vst @!p1 v0  }
0x82: {  	v0 =	vld @!p1 [tilespmem:s0+$0x13D40];
	_ =	sdelay $0x4  }
0x83: {  	v1 =	vand.u32 @!p1 $0x3FFF, v0  }
0x84: {  	v0 =	vshra.s32 @!p1 v0, $0xE;
	[tilespmem:$0x1E440] =	vst @!p1 v1  }
0x85: {  	[tilespmem:$0x1E540] =	vst @!p1 v0  }
0x86: {  	v0 =	vld @!p1 [tilespmem:s0+$0x13D50];
	_ =	sdelay $0x4  }
0x87: {  	v1 =	vand.u32 @!p1 $0x3FFF, v0  }
0x88: {  	v0 =	vshra.s32 @!p1 v0, $0xE;
	[tilespmem:$0x1E450] =	vst @!p1 v1  }
0x89: {  	[tilespmem:$0x1E550] =	vst @!p1 v0  }
0x8a: {  	v0 =	vld @!p1 [tilespmem:s0+$0x13D60];
	_ =	sdelay $0x4  }
0x8b: {  	s5 =	simm.s32 @!p1 $0x16400;
	v1 =	vand.u32 @!p1 $0x3FFF, v0  }
0x8c: {  	s2 =	simm.s32 $0x400;
	s22 =	simm.s32 @!p1 $0x80;
	s23 =	simm.s32 @!p1 $0x1E400;
	v0 =	vshra.s32 @!p1 v0, $0xE;
	[tilespmem:$0x1E460] =	vst @!p1 v1  }
.LBB2_2:
0x8d: {  	[tilespmem:$0x1E560] =	vst @!p1 v0;
	s21 =	smov.u32 s2;
	s2 =	sadd.s32 $0x400, s2  }
0x8e: {  	p0 =	sne.s32 s2, $0xA000;
	v0 =	vld @!p1 [tilespmem:s0+$0x13D70];
	_ =	sdelay $0x4  }
0x8f: {  	v1 =	vand.u32 @!p1 $0x3FFF, v0;
	v0 =	vshra.s32 @!p1 v0, $0xE  }
0x90: {  	[tilespmem:$0x1E470] =	vst @!p1 v1  }
0x91: {  	[tilespmem:$0x1E570] =	vst @!p1 v0  }
0x92: {  	[tilespmem:s5], [sflag:$0x1] =	stream.indirect.gather @!p1 [hbm4b:s1+s22], $0x80, s23, s22, $0xb8;
	[tilespmem:$0x1E600] =	vst v63  }
0x93: {  	_ =	swait.ge [sflag:s29], $0x4000  }
0x94: {  	[sflag:s29] =	ssyncset.done $0x0  }
0x95: {  	[sflag:s29] =	ssyncadd.s32 $0xFFFFC000  }
0x96: {  	[spmem:s3] =	stream.indirect.scatter.add.f32 [tilespmem:s25], [sflag:$0x3], $0x80, s30, s20, $0xb8;
	[tilespmem:$0x1E600] =	vst v63  }
0x97: {  	_ =	swait.ge [sflag:s19], $0x4000  }
0x98: {  	[sflag:s19] =	ssyncset.done $0x0  }
0x99: {  	s0 =	sshra.s32 s21, $0x2;
	[sflag:s19] =	ssyncadd.s32 $0xFFFFC000  }
0x9a: {  	v0 =	vld [tilespmem:s0+$0x13C80];
	_ =	sdelay $0x4  }
0x9b: {  	v1 =	vand.u32 $0x3FFF, v0;
	v0 =	vshra.s32 v0, $0xE  }
0x9c: {  	[tilespmem:$0x1E480] =	vst v1  }
0x9d: {  	[tilespmem:$0x1E580] =	vst v0  }
0x9e: {  	v0 =	vld [tilespmem:s0+$0x13C90];
	_ =	sdelay $0x4  }
0x9f: {  	v1 =	vand.u32 $0x3FFF, v0;
	v0 =	vshra.s32 v0, $0xE  }
0xa0: {  	[tilespmem:$0x1E490] =	vst v1  }
0xa1: {  	[tilespmem:$0x1E590] =	vst v0  }
0xa2: {  	v0 =	vld [tilespmem:s0+$0x13CA0];
	_ =	sdelay $0x4  }
0xa3: {  	v1 =	vand.u32 $0x3FFF, v0;
	v0 =	vshra.s32 v0, $0xE  }
0xa4: {  	[tilespmem:$0x1E4A0] =	vst v1  }
0xa5: {  	[tilespmem:$0x1E5A0] =	vst v0  }
0xa6: {  	v0 =	vld [tilespmem:s0+$0x13CB0];
	_ =	sdelay $0x4  }
0xa7: {  	v1 =	vand.u32 $0x3FFF, v0;
	v0 =	vshra.s32 v0, $0xE  }
0xa8: {  	[tilespmem:$0x1E4B0] =	vst v1  }
0xa9: {  	[tilespmem:$0x1E5B0] =	vst v0  }
0xaa: {  	v0 =	vld [tilespmem:s0+$0x13CC0];
	_ =	sdelay $0x4  }
0xab: {  	v1 =	vand.u32 $0x3FFF, v0;
	v0 =	vshra.s32 v0, $0xE  }
0xac: {  	[tilespmem:$0x1E4C0] =	vst v1  }
0xad: {  	[tilespmem:$0x1E5C0] =	vst v0  }
0xae: {  	v0 =	vld [tilespmem:s0+$0x13CD0];
	_ =	sdelay $0x4  }
0xaf: {  	v1 =	vand.u32 $0x3FFF, v0;
	v0 =	vshra.s32 v0, $0xE  }
0xb0: {  	[tilespmem:$0x1E4D0] =	vst v1  }
0xb1: {  	[tilespmem:$0x1E5D0] =	vst v0  }
0xb2: {  	v0 =	vld [tilespmem:s0+$0x13CE0];
	_ =	sdelay $0x4  }
0xb3: {  	v1 =	vand.u32 $0x3FFF, v0;
	v0 =	vshra.s32 v0, $0xE  }
0xb4: {  	[tilespmem:$0x1E4E0] =	vst v1  }
0xb5: {  	[tilespmem:$0x1E5E0] =	vst v0  }
0xb6: {  	v0 =	vld [tilespmem:s0+$0x13CF0];
	_ =	sdelay $0x4  }
0xb7: {  	v1 =	vand.u32 $0x3FFF, v0;
	v0 =	vshra.s32 v0, $0xE  }
0xb8: {  	p1 =	seq.s32 s21, $0x9C00;
	[tilespmem:$0x1E4F0] =	vst v1  }
0xb9: {  	s0 =	sshra.s32 @!p1 s21, $0x2;
	[tilespmem:$0x1E5F0] =	vst v0  }
0xba: {  	[tilespmem:s25], [sflag:$0x2] =	stream.indirect.gather [hbm4b:s1+s20], $0x80, s24, s20, $0xb8;
	[tilespmem:$0x1E600] =	vst v63  }
0xbb: {  	_ =	swait.ge [sflag:s26], $0x4000  }
0xbc: {  	[sflag:s26] =	ssyncset.done $0x0  }
0xbd: {  	[sflag:s26] =	ssyncadd.s32 $0xFFFFC000  }
0xbe: {  	[spmem:s3] =	stream.indirect.scatter.add.f32 [tilespmem:s18], [sflag:$0x3], $0x80, s28, s20, $0xb8;
	[tilespmem:$0x1E600] =	vst v63  }
0xbf: {  	_ =	swait.ge [sflag:s19], $0x4000  }
0xc0: {  	[sflag:s19] =	ssyncset.done $0x0  }
0xc1: {  	[sflag:s19] =	ssyncadd.s32 $0xFFFFC000  }
0xc2: {  	v0 =	vld @!p1 [tilespmem:s0+$0x13D00];
	_ =	sdelay $0x4  }
0xc3: {  	v1 =	vand.u32 @!p1 $0x3FFF, v0;
	v0 =	vshra.s32 @!p1 v0, $0xE  }
0xc4: {  	[tilespmem:$0x1E400] =	vst @!p1 v1  }
0xc5: {  	[tilespmem:$0x1E500] =	vst @!p1 v0  }
0xc6: {  	v0 =	vld @!p1 [tilespmem:s0+$0x13D10];
	_ =	sdelay $0x4  }
0xc7: {  	v1 =	vand.u32 @!p1 $0x3FFF, v0;
	v0 =	vshra.s32 @!p1 v0, $0xE  }
0xc8: {  	[tilespmem:$0x1E410] =	vst @!p1 v1  }
0xc9: {  	[tilespmem:$0x1E510] =	vst @!p1 v0  }
0xca: {  	v0 =	vld @!p1 [tilespmem:s0+$0x13D20];
	_ =	sdelay $0x4  }
0xcb: {  	v1 =	vand.u32 @!p1 $0x3FFF, v0;
	v0 =	vshra.s32 @!p1 v0, $0xE  }
0xcc: {  	[tilespmem:$0x1E420] =	vst @!p1 v1  }
0xcd: {  	[tilespmem:$0x1E520] =	vst @!p1 v0  }
0xce: {  	v0 =	vld @!p1 [tilespmem:s0+$0x13D30];
	_ =	sdelay $0x4  }
0xcf: {  	v1 =	vand.u32 @!p1 $0x3FFF, v0;
	v0 =	vshra.s32 @!p1 v0, $0xE  }
0xd0: {  	[tilespmem:$0x1E430] =	vst @!p1 v1  }
0xd1: {  	[tilespmem:$0x1E530] =	vst @!p1 v0  }
0xd2: {  	v0 =	vld @!p1 [tilespmem:s0+$0x13D40];
	_ =	sdelay $0x4  }
0xd3: {  	v1 =	vand.u32 @!p1 $0x3FFF, v0;
	v0 =	vshra.s32 @!p1 v0, $0xE  }
0xd4: {  	[tilespmem:$0x1E440] =	vst @!p1 v1  }
0xd5: {  	[tilespmem:$0x1E540] =	vst @!p1 v0  }
0xd6: {  	v0 =	vld @!p1 [tilespmem:s0+$0x13D50];
	_ =	sdelay $0x4  }
0xd7: {  	v1 =	vand.u32 @!p1 $0x3FFF, v0;
	v0 =	vshra.s32 @!p1 v0, $0xE  }
0xd8: {  	[tilespmem:$0x1E450] =	vst @!p1 v1  }
0xd9: {  	s22 =	simm.s32 @!p1 $0x80;
	s23 =	simm.s32 @!p1 $0x1E400;
	s5 =	simm.s32 @!p1 $0x16400;
	[tilespmem:$0x1E550] =	vst @!p1 v0  }
0xda: {  	v0 =	vld @!p1 [tilespmem:s0+$0x13D60];
	_ =	sdelay $0x1  }
.Ltmp0:
0xdb: {  	(pc) =	sbr.rel @p0 .LBB2_2-.Ltmp0, $3  }
0xdc: {  	_ =	sdelay $0x1  }
0xdd: {  	v1 =	vand.u32 @!p1 $0x3FFF, v0;
	v0 =	vshra.s32 @!p1 v0, $0xE  }
0xde: {  	[tilespmem:$0x1E460] =	vst @!p1 v1  }
0xdf: {  	[tilespmem:$0x1E560] =	vst @!p1 v0  }
0xe0: {  	v0 =	vld @!p1 [tilespmem:s0+$0x13D70];
	_ =	sdelay $0x4  }
0xe1: {  	v1 =	vand.u32 @!p1 $0x3FFF, v0  }
0xe2: {  	v0 =	vshra.s32 @!p1 v0, $0xE;
	[tilespmem:$0x1E470] =	vst @!p1 v1  }
0xe3: {  	[tilespmem:$0x1E570] =	vst @!p1 v0  }
0xe4: {  	[tilespmem:s5], [sflag:$0x1] =	stream.indirect.gather @!p1 [hbm4b:s1+s22], $0x80, s23, s22, $0xb8;
	[tilespmem:$0x1E600] =	vst v63  }
0xe5: {  	_ =	swait.ge [sflag:s29], $0x4000  }
0xe6: {  	[sflag:s29] =	ssyncset.done $0x0  }
0xe7: {  	[sflag:s29] =	ssyncadd.s32 $0xFFFFC000  }
0xe8: {  	[spmem:s3] =	stream.indirect.scatter.add.f32 [tilespmem:s25], [sflag:$0x3], $0x80, s30, s20, $0xb8;
	[tilespmem:$0x1E600] =	vst v63  }
0xe9: {  	_ =	swait.ge [sflag:s19], $0x4000  }
0xea: {  	[sflag:s19] =	ssyncset.done $0x0  }
0xeb: {  	[sflag:s19] =	ssyncadd.s32 $0xFFFFC000  }
0xec: {  	[bflag:$0x0] =	sbarrier.arrive $0xFFFF  }
0xed: {  	[tilespmem:s18], [sflag:$0x3] =	stream.linear.gather [spmem:s6], $0x4000, $0x38;
	[tilespmem:$0x1E600] =	vst v63  }
0xee: {  	_ =	swait.ge [sflag:s19], $0x4000  }
0xef: {  	[sflag:s19] =	ssyncset.done $0x0  }
0xf0: {  	[sflag:s19] =	ssyncadd.s32 $0xFFFFC000  }
0xf1: {  	[hbm4b:s12+s4] =	stream.linear.scatter [tilespmem:s18], [sflag:$0x3], $0x4000, $0x38;
	[tilespmem:$0x1E600] =	vst v63  }
0xf2: {  	_ =	swait.ge [sflag:s19], $0x4000  }
0xf3: {  	[sflag:s19] =	ssyncset.done $0x0  }
0xf4: {  	[sflag:s19] =	ssyncadd.s32 $0xFFFFC000  }
0xf5: {  	[tilespmem:s18], [sflag:$0x3] =	stream.linear.gather [spmem:s7], $0x4000, $0x38;
	[tilespmem:$0x1E600] =	vst v63  }
0xf6: {  	_ =	swait.ge [sflag:s19], $0x4000  }
0xf7: {  	[sflag:s19] =	ssyncset.done $0x0  }
0xf8: {  	[sflag:s19] =	ssyncadd.s32 $0xFFFFC000  }
0xf9: {  	[hbm4b:s13+s4] =	stream.linear.scatter [tilespmem:s18], [sflag:$0x3], $0x4000, $0x38;
	[tilespmem:$0x1E600] =	vst v63  }
0xfa: {  	_ =	swait.ge [sflag:s19], $0x4000  }
0xfb: {  	[sflag:s19] =	ssyncset.done $0x0  }
0xfc: {  	[sflag:s19] =	ssyncadd.s32 $0xFFFFC000  }
0xfd: {  	[tilespmem:s18], [sflag:$0x3] =	stream.linear.gather [spmem:s8], $0x4000, $0x38;
	[tilespmem:$0x1E600] =	vst v63  }
0xfe: {  	_ =	swait.ge [sflag:s19], $0x4000  }
0xff: {  	[sflag:s19] =	ssyncset.done $0x0  }
0x100: {  	[sflag:s19] =	ssyncadd.s32 $0xFFFFC000  }
0x101: {  	[hbm4b:s14+s4] =	stream.linear.scatter [tilespmem:s18], [sflag:$0x3], $0x4000, $0x38;
	[tilespmem:$0x1E600] =	vst v63  }
0x102: {  	_ =	swait.ge [sflag:s19], $0x4000  }
0x103: {  	[sflag:s19] =	ssyncset.done $0x0  }
0x104: {  	[sflag:s19] =	ssyncadd.s32 $0xFFFFC000  }
0x105: {  	[tilespmem:s18], [sflag:$0x3] =	stream.linear.gather [spmem:s9], $0x4000, $0x38;
	[tilespmem:$0x1E600] =	vst v63  }
0x106: {  	_ =	swait.ge [sflag:s19], $0x4000  }
0x107: {  	[sflag:s19] =	ssyncset.done $0x0  }
0x108: {  	[sflag:s19] =	ssyncadd.s32 $0xFFFFC000  }
0x109: {  	[hbm4b:s15+s4] =	stream.linear.scatter [tilespmem:s18], [sflag:$0x3], $0x4000, $0x38;
	[tilespmem:$0x1E600] =	vst v63  }
0x10a: {  	_ =	swait.ge [sflag:s19], $0x4000  }
0x10b: {  	[sflag:s19] =	ssyncset.done $0x0  }
0x10c: {  	[sflag:s19] =	ssyncadd.s32 $0xFFFFC000  }
0x10d: {  	[tilespmem:s18], [sflag:$0x3] =	stream.linear.gather [spmem:s10], $0x3C00, $0x38;
	[tilespmem:$0x1E600] =	vst v63  }
0x10e: {  	s31 =	sadd.s32 $0x1, s31;
	_ =	swait.ge [sflag:s19], $0x3C00  }
0x10f: {  	p0 =	sne.s32 s31, s17;
	[sflag:s19] =	ssyncset.done $0x0  }
.Ltmp1:
0x110: {  	[sflag:s19] =	ssyncadd.s32 $0xFFFFC400;
	(pc) =	sbr.rel @p0 .LBB2_1-.Ltmp1, $4  }
0x111: {  	[hbm4b:s16+s4] =	stream.linear.scatter [tilespmem:s18], [sflag:$0x3], $0x3C00, $0x38;
	[tilespmem:$0x1E600] =	vst v63  }
0x112: {  	_ =	swait.ge [sflag:s19], $0x3C00  }
0x113: {  	[sflag:s19] =	ssyncset.done $0x0  }
0x114: {  	[sflag:s19] =	ssyncadd.s32 $0xFFFFC400  }
0x115: {  	_ =	sfence.sel $0x180000  }
0x116: {  	[bflag:$0x0] =	sbarrier.arrive $0xFFFF  }
0x117: {  	_ =	strace $0x9000004D  }
0x118: {  	s0 =	stileid.u32;
	[bflag:$0x2] =	sbarrier.arrive $0xFFFF  }
0x119: {  	p0 =	sne.s32 s0, $0x0;
	s0 =	rddreg [dreg:$0x3]  }
0x11a: {  	s0 =	sadd.s32 @!p0 $0x100000, s0  }
0x11b: {  	[sflag:s0] =	ssyncadd.tile.s32 @!p0 $0x1;
	_ =	shalt  }
.Lfunc_end2:
_tile_overlayer_lowered:
.L_overlay_start_2:
0x11c: {  	(tag) =	ssettag $0x2  }
0x11d: {  	s0 =	rddreg [dreg:$0x0];
	s2 =	stileid.u32  }
0x11e: {  	s1 =	rddreg [dreg:$0x1];
	p0 =	sne.s32 s2, $0x0  }
0x11f: {  	s3 =	rddreg [dreg:$0x2];
	[bflag:$0x3] =	sbarrier.arrive $0xFFFF;
	s2 =	simm.s32 @!p0 $0x1C03  }
0x120: {  	[timem:s3], [sflag:s2] =	dma.local @!p0 [hbm:s0], s1  }
0x121: {  	s0 =	simm.s32 @!p0 $0x3  }
0x122: {  	_ =	swait.ge @!p0 [sflag:s0], s1  }
0x123: {  	s1 =	ssub.s32 @!p0 $0x0, s1;
	[sflag:s0] =	ssyncset.done @!p0 $0x0  }
0x124: {  	[sflag:s0] =	ssyncadd.s32 @!p0 s1  }
0x125: {  	[bflag:$0x3] =	sbarrier.arrive $0xFFFF  }
0x126: {  	_ =	shalt  }

// kernel: kernel.8.cloned.1.call-start
scs
__scs_entry_jumppad:
0x0: {  	(pc) =	sbr.rel $0x88, $3  }
0x1: {  	(tag) =	ssettag $0x0;
	lr =	simm.s32 $0x1  }
0x2: {  	[smem:$0x3F9B] =	sst lr;
	_ =	strace $0xD0000000  }
0x3: {  	_ = 	snop  }
0x4: {  	_ = 	snop  }
0x5: {  	_ = 	snop  }
0x6: {  	_ = 	snop  }
0x7: {  	_ = 	snop  }
__scs_overlays_trampoline_lowered:
0x8: {  	[smem:$0x3FAA] =	sst s0  }
0x9: {  	[smem:$0x3FAB] =	sst s1  }
0xa: {  	[smem:$0x3FAC] =	sst s2  }
0xb: {  	[smem:$0x3FAD] =	sst s3  }
0xc: {  	[smem:$0x3FAE] =	sst s4  }
0xd: {  	[smem:$0x3FAF] =	sst s5  }
0xe: {  	[smem:$0x3FB0] =	sst s6  }
0xf: {  	[smem:$0x3FB1] =	sst s7  }
0x10: {  	[smem:$0x3FB2] =	sst s8  }
0x11: {  	[smem:$0x3FB3] =	sst s9;
	s0 =	simm.s32 @!p0 $0x0  }
0x12: {  	s1 =	sld [smem:$0x3F99];
	s0 =	simm.s32 @p0 $0x1  }
0x13: {  	[smem:$0x3FB4] =	sst s0;
	s0 =	simm.s32 @!p1 $0x0  }
0x14: {  	s2 =	sld [smem:$0x3F98];
	s0 =	simm.s32 @p1 $0x1  }
0x15: {  	[smem:$0x3FB5] =	sst s0;
	s0 =	simm.s32 @!p2 $0x0  }
0x16: {  	s3 =	sld [smem:$0x3FDB];
	s0 =	simm.s32 @p2 $0x1  }
0x17: {  	s4 =	simm.s32 $0x1BF5;
	[smem:$0x3FB7] =	sst s0  }
0x18: {  	s0 =	sld [smem:$0x3F9A];
	_ =	swait.ge [sflag:s4], $0x0  }
0x19: {  	s7 =	sld [smem:$0x3F9B]  }
0x1a: {  	s8 =	sadd.s32 $0xFFFFE003, lr  }
0x1b: {  	s9 =	sadd.s32 $0xFFFFFEF7, lr;
	s5 =	simm.s32 $0xFFFFFFFF;
	p2 =	slt.u32 s8, $0xFFFFF086  }
0x1c: {  	p1 =	slt.u32 s9, $0xF7A;
	s5 =	simm.s32 @!p2 $0x0  }
0x1d: {  	s5 =	simm.s32 @p1 $0x1;
	p0 =	seq.s32 s7, s2  }
0x1e: {  	s7 =	smul.u32 @!p0 $0xF7A, s2;
	p2 =	seq.s32 @!p0 s5, $0x0  }
0x1f: {  	s9 =	smul.u32 $0xF7A, s1;
	s8 =	simm.s32 @!p0 $0x1BF5;
	p2 =	por !p2, p0  }
0x20: {  	[sflag:s8] =	ssyncset.s32 @!p0 $0xFFFFF086;
	s6 =	sadd.s32 @!p0 s3, s7;
	s7 =	simm.s32 @!p0 $0x108  }
0x21: {  	s3 =	sadd.s32 s3, s9;
	s6 =	sadd.s32 @!p0 $0x88, s6;
	s7 =	simm.s32 @p2 $0x1082  }
0x22: {  	[simem:s7], [sflag:s8] =	dma.local @!p0 [hbm:s6], $0xF7A  }
0x23: {  	s9 =	sor.u32 $0xD0000000, s2;
	s6 =	simm.s32 $0x108;
	_ =	swait.ge @!p0 [sflag:s8], $0x0  }
0x24: {  	s3 =	sadd.s32 $0x88, s3;
	s6 =	simm.s32 @!p1 $0x1082;
	[sflag:s4] =	ssyncset.s32 $0xFFFFF086  }
0x25: {  	[simem:s6], [sflag:s4] =	dma.local [hbm:s3], $0xF7A  }
0x26: {  	[smem:$0x3F9B] =	sst s1;
	(tag) =	ssettag s2;
	_ =	strace s9  }
0x27: {  	s1 =	sld [smem:$0x3FAB]  }
0x28: {  	s2 =	sld [smem:$0x3FAC]  }
0x29: {  	s4 =	sld [smem:$0x3FAE]  }
0x2a: {  	p0 =	seq.s32 s5, $0x0;
	s5 =	sld [smem:$0x3FAF]  }
0x2b: {  	s6 =	sld [smem:$0x3FB0]  }
0x2c: {  	s7 =	sld [smem:$0x3FB1]  }
0x2d: {  	s3 =	simm.s32 $0x108;
	s8 =	sld [smem:$0x3FB2]  }
0x2e: {  	s3 =	simm.s32 @!p0 $0x1082;
	s9 =	sld [smem:$0x3FB3]  }
0x2f: {  	lr =	sadd.s32 s0, s3;
	s0 =	sld [smem:$0x3FAA]  }
0x30: {  	s3 =	sld [smem:$0x3FAD]  }
0x31: {  	[smem:$0x3FB6] =	sst s10  }
0x32: {  	s10 =	sld [smem:$0x3FB4];
	_ =	sdelay $0x3  }
0x33: {  	p0 =	seq.s32 s10, $0x1;
	s10 =	sld [smem:$0x3FB6];
	_ =	sdelay $0x3  }
0x34: {  	[smem:$0x3FB6] =	sst s10  }
0x35: {  	s10 =	sld [smem:$0x3FB5];
	_ =	sdelay $0x3  }
0x36: {  	p1 =	seq.s32 s10, $0x1;
	s10 =	sld [smem:$0x3FB6];
	_ =	sdelay $0x3  }
0x37: {  	[smem:$0x3FB6] =	sst s10  }
0x38: {  	s10 =	sld [smem:$0x3FB7]  }
0x39: {  	_ = 	snop;
	(pc) =	sbr.ind lr, $3  }
0x3a: {  	_ = 	snop  }
0x3b: {  	_ = 	snop  }
0x3c: {  	p2 =	seq.s32 s10, $0x1;
	s10 =	sld [smem:$0x3FB6]  }
0x3d: {  	_ =	shalt  }
0x3e: {  	_ =	shalt  }
0x3f: {  	_ =	shalt  }
0x40: {  	_ =	shalt  }
0x41: {  	_ =	shalt  }
0x42: {  	_ =	shalt  }
0x43: {  	_ =	shalt  }
0x44: {  	_ =	shalt  }
0x45: {  	_ =	shalt  }
0x46: {  	_ =	shalt  }
0x47: {  	_ =	shalt  }
0x48: {  	_ =	shalt  }
0x49: {  	_ =	shalt  }
0x4a: {  	_ =	shalt  }
0x4b: {  	_ =	shalt  }
0x4c: {  	_ =	shalt  }
0x4d: {  	_ =	shalt  }
0x4e: {  	_ =	shalt  }
0x4f: {  	_ =	shalt  }
0x50: {  	_ =	shalt  }
0x51: {  	_ =	shalt  }
0x52: {  	_ =	shalt  }
0x53: {  	_ =	shalt  }
0x54: {  	_ =	shalt  }
0x55: {  	_ =	shalt  }
0x56: {  	_ =	shalt  }
0x57: {  	_ =	shalt  }
0x58: {  	_ =	shalt  }
0x59: {  	_ =	shalt  }
0x5a: {  	_ =	shalt  }
0x5b: {  	_ =	shalt  }
0x5c: {  	_ =	shalt  }
0x5d: {  	_ =	shalt  }
0x5e: {  	_ =	shalt  }
0x5f: {  	_ =	shalt  }
0x60: {  	_ =	shalt  }
0x61: {  	_ =	shalt  }
0x62: {  	_ =	shalt  }
0x63: {  	_ =	shalt  }
0x64: {  	_ =	shalt  }
0x65: {  	_ =	shalt  }
0x66: {  	_ =	shalt  }
0x67: {  	_ =	shalt  }
0x68: {  	_ =	shalt  }
0x69: {  	_ =	shalt  }
0x6a: {  	_ =	shalt  }
0x6b: {  	_ =	shalt  }
0x6c: {  	_ =	shalt  }
0x6d: {  	_ =	shalt  }
0x6e: {  	_ =	shalt  }
0x6f: {  	_ =	shalt  }
0x70: {  	_ =	shalt  }
0x71: {  	_ =	shalt  }
0x72: {  	_ =	shalt  }
0x73: {  	_ =	shalt  }
0x74: {  	_ =	shalt  }
0x75: {  	_ =	shalt  }
0x76: {  	_ =	shalt  }
0x77: {  	_ =	shalt  }
0x78: {  	_ =	shalt  }
0x79: {  	_ =	shalt  }
0x7a: {  	_ =	shalt  }
0x7b: {  	_ =	shalt  }
0x7c: {  	_ =	shalt  }
0x7d: {  	_ =	shalt  }
0x7e: {  	_ =	shalt  }
0x7f: {  	_ =	shalt  }
0x80: {  	_ =	shalt  }
0x81: {  	_ =	shalt  }
0x82: {  	_ =	shalt  }
0x83: {  	_ =	shalt  }
0x84: {  	_ =	shalt  }
0x85: {  	_ =	shalt  }
0x86: {  	_ =	shalt  }
0x87: {  	_ =	shalt  }
.Lfunc_end0:
.L_simem_size_0:
called_computation_lowered:
.L_overlay_start_0:
0x88: {  	s2 =	sld [smem:$0x3FD9]  }
0x89: {  	s3 =	sld [smem:$0x3FFE];
	_ =	sdelay $0x1  }
0x8a: {  	s1 =	srdreg.scid  }
0x8b: {  	s0 =	sand.u32 $0x1, s1  }
0x8c: {  	s17 =	sshll.u32 s0, $0xA;
	s2 =	sadd.s32 s3, s2  }
0x8d: {  	s2 =	sadd.s32 s2, s17  }
0x8e: {  	[smem:$0x3FC2] =	sst s2  }
0x8f: {  	_ = 	snop  }
0x90: {  	s2 =	sld [smem:$0x3FD0];
	(tm) =	ssettm $0x1  }
0x91: {  	s18 =	sld [smem:$0x3FFB];
	_ =	sdelay $0x3  }
0x92: {  	_ =	strace s18  }
0x93: {  	s3 =	sld [smem:$0x3FFC];
	_ =	sdelay $0x3  }
0x94: {  	_ =	strace s3  }
0x95: {  	s3 =	sld [smem:$0x3FFD];
	_ =	sdelay $0x3  }
0x96: {  	_ =	strace s3  }
0x97: {  	_ =	strace $0x8FFFFFFF  }
0x98: {  	s19 =	sld [smem:$0x3FDB];
	_ =	sdelay $0x1  }
0x99: {  	s4 =	simm.s32 $_scs_section_size  }
0x9a: {  	s5 =	simm.s32 $_size__tile_overlayer_lowered;
	s6 =	simm.s32 $_tile_overlayer_lowered  }
0x9b: {  	s22 =	simm.s32 $0x1BFF;
	s21 =	sshll.u32 s6, $0x1;
	s3 =	sadd.s32 s4, s19  }
0x9c: {  	s7 =	simm.s32 $0x0;
	s20 =	sshll.u32 s5, $0x1;
	s5 =	sadd.s32 s21, s3  }
0x9d: {  	[timem:s7], [sflag:s22] =	dma.local [hbm:s5], s20  }
0x9e: {  	_ =	swait.ge [sflag:s22], s20  }
0x9f: {  	s4 =	ssub.s32 $0x0, s20;
	[sflag:s22] =	ssyncset.done $0x0  }
0xa0: {  	[sflag:s22] =	ssyncadd.s32 s4;
	_ =	sdelay $0x1  }
0xa1: {  	s23 =	simm.s32 $0x1B8B  }
0xa2: {  	_ =	swait.ge [sflag:s23], $0x1  }
0xa3: {  	[sflag:s23] =	ssyncset.done $0x0  }
0xa4: {  	s25 =	simm.s32 $0x1B8E;
	s24 =	sld [smem:$0x3FFE];
	[sflag:s23] =	ssyncadd.s32 $0xFFFFFFFF  }
0xa5: {  	s26 =	simm.s32 $execute0_lowered;
	[smem:$0x3FD2] =	sst s25  }
0xa6: {  	s5 =	sshll.u32 s26, $0x1;
	_ =	strace $0x80000046;
	[dreg:$0x1] =	wrdreg $0xFFFFFFFF  }
0xa7: {  	s28 =	simm.s32 $_size_execute0_lowered;
	s3 =	sadd.s32 s3, s5;
	[dreg:$0x0] =	wrdreg $0x0  }
0xa8: {  	s5 =	sshll.u32 s28, $0x1;
	[dreg:$0x2] =	wrdreg s3  }
0xa9: {  	[dreg:$0x3] =	wrdreg s5  }
0xaa: {  	[dreg:$0x4] =	wrdreg $0xC0  }
0xab: {  	_ =	task [dreg:s7], $0x5FFFF  }
0xac: {  	[dreg:$0x1] =	wrdreg $0xFFFFFFFF  }
0xad: {  	[dreg:$0x0] =	wrdreg $0x60  }
0xae: {  	[dreg:$0x2] =	wrdreg s2  }
0xaf: {  	[dreg:$0x3] =	wrdreg s24  }
0xb0: {  	[dreg:$0x4] =	wrdreg $0x9  }
0xb1: {  	_ =	task.clear_ibuf [dreg:s7], $0x5FFFF;
	_ =	strace $0x90000046  }
0xb2: {  	s29 =	simm.s32 $0x9;
	_ =	strace $0x80000048  }
0xb3: {  	_ =	swait.ge [sflag:s29], $0x1  }
0xb4: {  	[sflag:s29] =	ssyncadd.s32 $0xFFFFFFFF  }
0xb5: {  	_ =	strace $0x90000048  }
0xb6: {  	_ =	sfence  }
0xb7: {  	s30 =	sld [smem:$0x0];
	_ =	sdelay $0x2  }
0xb8: {  	s31 =	sshll.u32 s1, $0xD;
	s1 =	sshrl.u32 s1, $0x2  }
0xb9: {  	s3 =	sand.u32 $0x4000, s31;
	s1 =	sadd.s32 s1, s30  }
0xba: {  	s0 =	sor.u32 s3, s0;
	s1 =	sshll.u32 s1, $0x11  }
0xbb: {  	s0 =	sor.u32 s1, s0  }
0xbc: {  	s0 =	sadd.s32 $0x8F2B, s0  }
0xbd: {  	[sflag:s0] =	ssyncadd.remote.s32 $0x1  }
0xbe: {  	_ =	sfence.sel $0xFFFF  }
0xbf: {  	[dreg:$0x0] =	wrdreg $0xFFFFFFFF;
	(pc) =	sbr.abs _section_cstart, $3  }
0xc0: {  	[dreg:$0x1] =	wrdreg $0xFFFFFFFF  }
0xc1: {  	_ =	task.clear_ibuf [dreg:s7], $0x2FFFF;
	_ =	strace $0x9FFFFFFF  }
0xc2: {  	(tm) =	ssettm $0x7FFFFFFF  }
0xc3: {  	_ =	shalt  }
tec
execute0_lowered:
.L_overlay_start_1:
0x0: {  	(tag) =	ssettag $0x1  }
0x1: {  	s1 =	srdreg.scid  }
0x2: {  	s3 =	rddreg [dreg:$0x0];
	s0 =	stileid.u32  }
0x3: {  	s5 =	rddreg [dreg:$0x1];
	s4 =	sand.u32 $0x1, s1;
	s29 =	smul.u32 $0x2800, s0  }
0x4: {  	s2 =	simm.s32 $0x0;
	s7 =	sshrl.u32 s0, $0x3;
	s6 =	smul.u32 $0x27800, s4  }
0x5: {  	s10 =	simm.s32 $0x0;
	s1 =	rddreg [dreg:$0x2];
	s7 =	smul.u32 $0x13C00, s7  }
0x6: {  	[smem:$0x7FF] =	sst s2;
	s8 =	sshll.u32 s0, $0x7;
	s9 =	smul.u32 $0x28000, s4  }
0x7: {  	s28 =	sand.u32 $0x380, s8;
	_ =	strace $0x80000047;
	s4 =	ssub.s32 $0x2, s4  }
0x8: {  	s8 =	simm.s32 $0x80;
	s6 =	sadd.s32 s6, s7;
	s30 =	sadd.s32 s29, s9  }
0x9: {  	s31 =	sshrl.u32 s4, $0x1;
	s6 =	sor.u32 s28, s6;
	s7 =	sshrl.u32 s30, $0x3  }
0xa: {  	s9 =	simm.s32 $0x400;
	s6 =	sshrl.u32 s6, $0x3;
	s3 =	sadd.s32 s3, s7  }
0xb: {  	s7 =	simm.s32 $0x1;
	s5 =	sadd.s32 s6, s5;
	s6 =	ssub.s32 s4, s31  }
0xc: {  	v0 =	vimm.f32 $0.0e+00;
	v1 =	vimm.f32 $1.000000000e+00;
	s4 =	sadd.s32 $0x2200, s5;
	s5 =	smax.u32 s6, $0x1;
	s6 =	simm.s32 $0x2780  }
.LBB2_1:
0xd: {  	s11 =	simm.s32 $0x40;
	s12 =	simm.s32 $0x0  }
.LBB2_2:
0xe: {  	p0 =	sne.s32 s11, $0x9DC0;
	[tilespmem:s12+$0x0] =	vst v0;
	s12 =	smov.u32 s11;
	s11 =	sadd.s32 $0x40, s11  }
.Ltmp0:
0xf: {  	(pc) =	sbr.rel @p0 .LBB2_2-.Ltmp0, $2  }
0x10: {  	_ =	sdelay $0x2  }
0x11: {  	s12 =	sshra.s32 s12, $0x2  }
0x12: {  	[tilespmem:s12+$0x0] =	vst v0;
	s11 =	simm.s32 $0x0  }
0x13: {  	[tilespmem:s6], [sflag:$0x1] =	stream.linear.gather [hbm4b:s3+s11], $0x2800, $0x38;
	[tilespmem:$0x4F80] =	vst v63  }
0x14: {  	_ =	swait.ge [sflag:s7], $0x2800  }
0x15: {  	[sflag:s7] =	ssyncset.done $0x0  }
0x16: {  	[sflag:s7] =	ssyncadd.s32 $0xFFFFD800  }
.LBB2_4:
0x17: {  	s12 =	sshra.s32 s11, $0x2  }
0x18: {  	v2 =	vld [tilespmem:s12+$0x2780];
	_ =	sdelay $0x7  }
0x19: {  	[tilespmem:v2+s2+$0x0] =	vst.idx.add.f32.msk $0xffff, v1  }
0x1a: {  	v2 =	vld [tilespmem:s12+$0x2790];
	_ =	sdelay $0x7  }
0x1b: {  	[tilespmem:v2+s2+$0x0] =	vst.idx.add.f32.msk $0xffff, v1  }
0x1c: {  	v2 =	vld [tilespmem:s12+$0x27A0];
	_ =	sdelay $0x7  }
0x1d: {  	[tilespmem:v2+s2+$0x0] =	vst.idx.add.f32.msk $0xffff, v1  }
0x1e: {  	v2 =	vld [tilespmem:s12+$0x27B0];
	_ =	sdelay $0x7  }
0x1f: {  	[tilespmem:v2+s2+$0x0] =	vst.idx.add.f32.msk $0xffff, v1  }
0x20: {  	v2 =	vld [tilespmem:s12+$0x27C0];
	_ =	sdelay $0x7  }
0x21: {  	[tilespmem:v2+s2+$0x0] =	vst.idx.add.f32.msk $0xffff, v1  }
0x22: {  	v2 =	vld [tilespmem:s12+$0x27D0];
	_ =	sdelay $0x7  }
0x23: {  	[tilespmem:v2+s2+$0x0] =	vst.idx.add.f32.msk $0xffff, v1  }
0x24: {  	v2 =	vld [tilespmem:s12+$0x27E0];
	_ =	sdelay $0x7  }
0x25: {  	[tilespmem:v2+s2+$0x0] =	vst.idx.add.f32.msk $0xffff, v1  }
0x26: {  	v2 =	vld [tilespmem:s12+$0x27F0];
	_ =	sdelay $0x2  }
0x27: {  	p0 =	sne.s32 s11, $0x9E00  }
.Ltmp1:
0x28: {  	_ = 	snop;
	(pc) =	sbr.rel @p0 .LBB2_4-.Ltmp1, $2  }
0x29: {  	_ =	sdelay $0x2  }
0x2a: {  	s11 =	sadd.s32 $0x200, s11;
	[tilespmem:v2+s2+$0x0] =	vst.idx.add.f32.msk $0xffff, v1  }
0x2b: {  	s10 =	sadd.s32 $0x1, s10  }
0x2c: {  	p0 =	sne.s32 s10, s5  }
.Ltmp2:
0x2d: {  	_ = 	snop;
	(pc) =	sbr.rel @p0 .LBB2_1-.Ltmp2, $4  }
0x2e: {  	[hbm4b:s4+s8] =	stream.strided.scatter [tilespmem:s2], [sflag:$0x1], $0x2780, s9, s8, $0x38;
	[tilespmem:$0x4F80] =	vst v63  }
0x2f: {  	_ =	swait.ge [sflag:s7], $0x2780  }
0x30: {  	[sflag:s7] =	ssyncset.done $0x0  }
0x31: {  	[sflag:s7] =	ssyncadd.s32 $0xFFFFD880  }
0x32: {  	_ =	sfence.sel $0x180000  }
0x33: {  	[bflag:$0x0] =	sbarrier.arrive $0xFFFF  }
0x34: {  	p0 =	sne.s32 s0, $0x0;
	_ =	strace $0x90000047  }
0x35: {  	s0 =	sadd.s32 @!p0 $0x100000, s1;
	[bflag:$0x2] =	sbarrier.arrive $0xFFFF  }
0x36: {  	[sflag:s0] =	ssyncadd.tile.s32 @!p0 $0x1;
	_ =	shalt  }
.Lfunc_end2:
_tile_overlayer_lowered:
.L_overlay_start_2:
0x37: {  	(tag) =	ssettag $0x2  }
0x38: {  	s0 =	rddreg [dreg:$0x0];
	s2 =	stileid.u32  }
0x39: {  	s1 =	rddreg [dreg:$0x1];
	p0 =	sne.s32 s2, $0x0  }
0x3a: {  	s3 =	rddreg [dreg:$0x2];
	[bflag:$0x3] =	sbarrier.arrive $0xFFFF;
	s2 =	simm.s32 @!p0 $0x1C01  }
0x3b: {  	[timem:s3], [sflag:s2] =	dma.local @!p0 [hbm:s0], s1  }
0x3c: {  	s0 =	simm.s32 @!p0 $0x1  }
0x3d: {  	_ =	swait.ge @!p0 [sflag:s0], s1  }
0x3e: {  	s1 =	ssub.s32 @!p0 $0x0, s1;
	[sflag:s0] =	ssyncset.done @!p0 $0x0  }
0x3f: {  	[sflag:s0] =	ssyncadd.s32 @!p0 s1  }
0x40: {  	[bflag:$0x3] =	sbarrier.arrive $0xFFFF  }
0x41: {  	_ =	shalt  }

</sc_bundles>
